<compile_context>
chip_gen: v7x
topology: tpu7x:2x2x1
jax: 0.10.2.dev20260603
libtpu: 0.0.44.dev20260713+nightly
codegen_flags: <defaults>
</compile_context>

<pallas_src>
import functools

import jax
import jax.numpy as jnp
from jax import lax
from jax.experimental import pallas as pl
from jax.experimental.pallas import tpu as pltpu
from jax.experimental.pallas import tpu_sc as plsc

N = 10000
E = 320000
D = 128

NC = 2
NS = 16
NW = NC * NS
L = 16

K = 128
CH = 80
T = K * CH
EP = NW * T
PAD = EP - E

R = 10240
RT = R // NS
RC = RT // K

BM = 1000
GRID = N // BM

_mesh = plsc.VectorSubcoreMesh(
    core_axis_name="c", subcore_axis_name="s", num_cores=NC, num_subcores=NS
)


@functools.partial(
    pl.kernel,
    out_type=jax.ShapeDtypeStruct((NC * R, D), jnp.float32),
    mesh=_mesh,
    scratch_types=[
        pltpu.VMEM((CH, K), jnp.int32),
        pltpu.VMEM((K, D), jnp.float32),
        pltpu.VMEM((K, D), jnp.float32),
        pltpu.MemorySpace.VMEM_SHARED((R, D), jnp.float32),
        pltpu.SemaphoreType.DMA,
        pltpu.SemaphoreType.DMA,
        pltpu.SemaphoreType.DMA,
        pltpu.SemaphoreType.DMA,
    ],
)
def _deg_kernel(dst_hbm, out_hbm, dv, ones_v, zb, acc_sh, sem_a, sem_b,
                sem_c, sem_d):
    cid = lax.axis_index("c")
    sid = lax.axis_index("s")
    wid = cid * NS + sid

    def zfill(i, _):
        for j in range(D // L):
            zb[i, pl.ds(j * L, L)] = jnp.zeros((L,), jnp.float32)
        return 0

    lax.fori_loop(0, K, zfill, 0)
    pltpu.sync_copy(dst_hbm.at[pl.ds(wid * CH, CH)], dv)
    for j in range(RC):
        pltpu.async_copy(zb, acc_sh.at[pl.ds(sid * RT + j * K, K)], sem_a)

    def ofill(i, _):
        for j in range(D // L):
            ones_v[i, pl.ds(j * L, L)] = jnp.ones((L,), jnp.float32)
        return 0

    lax.fori_loop(0, K, ofill, 0)
    for j in range(RC):
        pltpu.make_async_copy(zb, acc_sh.at[pl.ds(0, K)], sem_a).wait()
    plsc.subcore_barrier()

    def body(ch, _):
        pltpu.sync_copy(ones_v, acc_sh.at[dv.at[ch]], add=True)
        return 0

    lax.fori_loop(0, CH, body, 0)
    plsc.subcore_barrier()
    bufs = (ones_v, zb)
    rsems = (sem_a, sem_b)
    wsems = (sem_c, sem_d)
    pltpu.async_copy(acc_sh.at[pl.ds(sid * RT, K)], ones_v, sem_a)
    for j in range(RC):
        b = bufs[j % 2]
        pltpu.make_async_copy(acc_sh.at[pl.ds(0, K)], b, rsems[j % 2]).wait()
        pltpu.async_copy(
            b, out_hbm.at[pl.ds(cid * R + sid * RT + j * K, K)], wsems[j % 2]
        )
        if j + 1 < RC:
            nb = bufs[(j + 1) % 2]
            if j >= 1:
                pltpu.make_async_copy(
                    nb, out_hbm.at[pl.ds(0, K)], wsems[(j + 1) % 2]
                ).wait()
            pltpu.async_copy(
                acc_sh.at[pl.ds(sid * RT + (j + 1) * K, K)], nb,
                rsems[(j + 1) % 2]
            )
    pltpu.make_async_copy(
        bufs[(RC - 2) % 2], out_hbm.at[pl.ds(0, K)], wsems[(RC - 2) % 2]
    ).wait()
    pltpu.make_async_copy(
        bufs[(RC - 1) % 2], out_hbm.at[pl.ds(0, K)], wsems[(RC - 1) % 2]
    ).wait()


@functools.partial(
    pl.kernel,
    out_type=jax.ShapeDtypeStruct((NC * R, D), jnp.float32),
    mesh=_mesh,
    scratch_types=[
        pltpu.VMEM((CH, K), jnp.int32),
        pltpu.VMEM((K,), jnp.int32),
        pltpu.VMEM((K,), jnp.int32),
        pltpu.VMEM((K, D), jnp.float32),
        pltpu.VMEM((K, D), jnp.float32),
        pltpu.MemorySpace.VMEM_SHARED((R, D), jnp.float32),
        pltpu.SemaphoreType.DMA,
        pltpu.SemaphoreType.DMA,
        pltpu.SemaphoreType.DMA,
        pltpu.SemaphoreType.DMA,
    ],
)
def _scatter_kernel(g_hbm, src_hbm, dst_hbm, out_hbm, sv, da, db, ra, rb,
                    acc_sh, sem_a, sem_b, sem_da, sem_db):
    cid = lax.axis_index("c")
    sid = lax.axis_index("s")
    wid = cid * NS + sid

    def zfill(i, _):
        for j in range(D // L):
            rb[i, pl.ds(j * L, L)] = jnp.zeros((L,), jnp.float32)
        return 0

    lax.fori_loop(0, K, zfill, 0)
    pltpu.sync_copy(src_hbm.at[pl.ds(wid * CH, CH)], sv)
    pltpu.async_copy(g_hbm.at[sv.at[0]], ra, sem_a)
    pltpu.async_copy(dst_hbm.at[pl.ds(wid * T, K)], da, sem_da)
    for j in range(RC):
        pltpu.async_copy(rb, acc_sh.at[pl.ds(sid * RT + j * K, K)], sem_db)
    for j in range(RC):
        pltpu.make_async_copy(rb, acc_sh.at[pl.ds(0, K)], sem_db).wait()
    plsc.subcore_barrier()


    def pair(p, _):
        base = wid * T
        pltpu.async_copy(g_hbm.at[sv.at[2 * p + 1]], rb, sem_b)
        pltpu.async_copy(dst_hbm.at[pl.ds(base + (2 * p + 1) * K, K)], db,
                         sem_db)
        pltpu.make_async_copy(g_hbm.at[pl.ds(0, K)], ra, sem_a).wait()
        pltpu.make_async_copy(dst_hbm.at[pl.ds(0, K)], da, sem_da).wait()
        pltpu.sync_copy(ra, acc_sh.at[da], add=True)
        pltpu.async_copy(g_hbm.at[sv.at[2 * p + 2]], ra, sem_a)
        pltpu.async_copy(dst_hbm.at[pl.ds(base + (2 * p + 2) * K, K)], da,
                         sem_da)
        pltpu.make_async_copy(g_hbm.at[pl.ds(0, K)], rb, sem_b).wait()
        pltpu.make_async_copy(dst_hbm.at[pl.ds(0, K)], db, sem_db).wait()
        pltpu.sync_copy(rb, acc_sh.at[db], add=True)
        return 0

    lax.fori_loop(0, (CH - 2) // 2, pair, 0)
    pltpu.async_copy(g_hbm.at[sv.at[CH - 1]], rb, sem_b)
    pltpu.async_copy(dst_hbm.at[pl.ds(wid * T + (CH - 1) * K, K)], db, sem_db)
    pltpu.make_async_copy(g_hbm.at[pl.ds(0, K)], ra, sem_a).wait()
    pltpu.make_async_copy(dst_hbm.at[pl.ds(0, K)], da, sem_da).wait()
    pltpu.sync_copy(ra, acc_sh.at[da], add=True)
    pltpu.make_async_copy(g_hbm.at[pl.ds(0, K)], rb, sem_b).wait()
    pltpu.make_async_copy(dst_hbm.at[pl.ds(0, K)], db, sem_db).wait()
    pltpu.sync_copy(rb, acc_sh.at[db], add=True)

    plsc.subcore_barrier()
    bufs = (ra, rb)
    rsems = (sem_a, sem_b)
    wsems = (sem_da, sem_db)
    pltpu.async_copy(acc_sh.at[pl.ds(sid * RT, K)], ra, sem_a)
    for j in range(RC):
        b = bufs[j % 2]
        pltpu.make_async_copy(acc_sh.at[pl.ds(0, K)], b, rsems[j % 2]).wait()
        pltpu.async_copy(
            b, out_hbm.at[pl.ds(cid * R + sid * RT + j * K, K)], wsems[j % 2]
        )
        if j + 1 < RC:
            nb = bufs[(j + 1) % 2]
            if j >= 1:
                pltpu.make_async_copy(
                    nb, out_hbm.at[pl.ds(0, K)], wsems[(j + 1) % 2]
                ).wait()
            pltpu.async_copy(
                acc_sh.at[pl.ds(sid * RT + (j + 1) * K, K)], nb,
                rsems[(j + 1) % 2]
            )
    pltpu.make_async_copy(
        bufs[(RC - 2) % 2], out_hbm.at[pl.ds(0, K)], wsems[(RC - 2) % 2]
    ).wait()
    pltpu.make_async_copy(
        bufs[(RC - 1) % 2], out_hbm.at[pl.ds(0, K)], wsems[(RC - 1) % 2]
    ).wait()


def _dinv_from(dp):
    deg = dp[0, :, 0] + dp[1, :, 0] + 1.0
    return lax.rsqrt(deg)


def _mm_scale_body(x_ref, w_ref, dp_ref, g_ref):
    dinv = _dinv_from(dp_ref[...])
    h = jnp.dot(x_ref[...], w_ref[...], preferred_element_type=jnp.float32)
    g_ref[...] = h * dinv[:, None]


def _comb_mm_body(p_ref, g_ref, dp_ref, b_ref, w_ref, o_ref):
    dinv = _dinv_from(dp_ref[...])
    p = p_ref[...]
    s = (p[0] + p[1] + g_ref[...]) * dinv[:, None] + b_ref[...][0:1, :]
    a = jnp.maximum(s, 0.0)
    o_ref[...] = (
        jnp.dot(a, w_ref[...], preferred_element_type=jnp.float32)
        * dinv[:, None]
    )


def _final_body(p_ref, g_ref, dp_ref, b_ref, o_ref):
    dinv = _dinv_from(dp_ref[...])
    p = p_ref[...]
    o_ref[...] = (p[0] + p[1] + g_ref[...]) * dinv[:, None] + b_ref[...][0:1, :]


_row_spec = pl.BlockSpec((BM, D), lambda i: (i, 0))
_w_spec = pl.BlockSpec((D, D), lambda i: (0, 0))
_p_spec = pl.BlockSpec((NC, BM, D), lambda i: (0, i, 0))
_b_spec = pl.BlockSpec((8, D), lambda i: (0, 0))
_row_out = jax.ShapeDtypeStruct((N, D), jnp.float32)

_mm_scale = pl.pallas_call(
    _mm_scale_body,
    grid=(GRID,),
    in_specs=[_row_spec, _w_spec, _p_spec],
    out_specs=_row_spec,
    out_shape=_row_out,
)

_comb_mm = pl.pallas_call(
    _comb_mm_body,
    grid=(GRID,),
    in_specs=[_p_spec, _row_spec, _p_spec, _b_spec, _w_spec],
    out_specs=_row_spec,
    out_shape=_row_out,
)

_final = pl.pallas_call(
    _final_body,
    grid=(GRID,),
    in_specs=[_p_spec, _row_spec, _p_spec, _b_spec],
    out_specs=_row_spec,
    out_shape=_row_out,
)


def kernel(x, edge_index, W1, b1, W2, b2):
    ei = edge_index.astype(jnp.int32)
    src, dst = ei[0], ei[1]
    ar = jnp.arange(PAD, dtype=jnp.int32)
    src_p = jnp.concatenate([src, (ar * 37) % N]).reshape(NW * CH, K)
    dst_p = jnp.concatenate([dst, N + ar % (R - N)])
    dst_p2 = dst_p.reshape(NW * CH, K)
    b1r = jnp.broadcast_to(b1.reshape(1, D), (8, D))
    b2r = jnp.broadcast_to(b2.reshape(1, D), (8, D))

    degp = _deg_kernel(dst_p2).reshape(NC, R, D)

    g1 = _mm_scale(x, W1, degp)
    p1 = _scatter_kernel(g1, src_p, dst_p).reshape(NC, R, D)
    g2 = _comb_mm(p1, g1, degp, b1r, W2)
    p2 = _scatter_kernel(g2, src_p, dst_p).reshape(NC, R, D)
    return _final(p2, g2, degp, b2r)

# --- scband reference (transcript-rebuilt; emitter-appended) ---
"""Pipeline reference for scband-simple-gcn-34900904247992 (READ-ONLY COPY).

The authoritative reference and input builder live on the scoring server;
editing this copy changes nothing except your own understanding.
"""

import jax, jax.numpy as jnp
import numpy as np

N_NODES = 10000
N_EDGES = 320000
IN_DIM = 128
HIDDEN_DIM = 128
OUT_DIM = 128


def gcn_conv(x, edge_index, W, b):
    n = x.shape[0]
    h = x @ W
    loops = jnp.arange(n, dtype=edge_index.dtype)
    src = jnp.concatenate([edge_index[0], loops])
    dst = jnp.concatenate([edge_index[1], loops])
    deg = jnp.zeros((n,), dtype=h.dtype).at[dst].add(1.0)
    dinv = jnp.where(deg > 0, deg ** -0.5, 0.0)
    norm = dinv[src] * dinv[dst]
    msg = h[src] * norm[:, None]
    out = jnp.zeros((n, h.shape[1]), dtype=h.dtype).at[dst].add(msg)
    return out + b


def setup_inputs(seed: int = 0) -> dict:
    key = jax.random.key(seed)
    k1, k2, k3, k4 = jax.random.split(key, 4)
    x = jax.random.normal(k1, (N_NODES, IN_DIM), dtype=jnp.float32)
    edge_index = jax.random.randint(k2, (2, N_EDGES), 0, N_NODES, dtype=jnp.int64)
    W1 = jax.random.normal(k3, (IN_DIM, HIDDEN_DIM), dtype=jnp.float32) * (1.0 / np.sqrt(IN_DIM))
    b1 = jnp.zeros((HIDDEN_DIM,), dtype=jnp.float32)
    W2 = jax.random.normal(k4, (HIDDEN_DIM, OUT_DIM), dtype=jnp.float32) * (1.0 / np.sqrt(HIDDEN_DIM))
    b2 = jnp.zeros((OUT_DIM,), dtype=jnp.float32)
    return {"x": x, "edge_index": edge_index, "W1": W1, "b1": b1, "W2": W2, "b2": b2}


def reference(x, edge_index, W1, b1, W2, b2):
    h = gcn_conv(x, edge_index, W1, b1)
    h = jax.nn.relu(h)
    out = gcn_conv(h, edge_index, W2, b2)
    return out

if __name__ == "__main__":
    import jax
    _d = setup_inputs()
    print(jax.jit(kernel)(*tuple(_d.values())))

</pallas_src>

<mosaic_0001>
#map = affine_map<(d0, d1) -> (0, 0)>
module attributes {stable_mosaic.version = 14 : i64} {
  func.func @_deg_kernel(%arg0: i32, %arg1: i32, %arg2: memref<2560x128xi32, #tpu.memory_space<hbm>>, %arg3: memref<20480x128xf32, #tpu.memory_space<hbm>>, %arg4: memref<80x128xi32, #tpu.memory_space<vmem>>, %arg5: memref<128x128xf32, #tpu.memory_space<vmem>>, %arg6: memref<128x128xf32, #tpu.memory_space<vmem>>, %arg7: memref<10240x128xf32, #tpu.memory_space<vmem_shared>>, %arg8: memref<!tpu.dma_semaphore, #tpu.memory_space<semaphore_mem>>, %arg9: memref<!tpu.dma_semaphore, #tpu.memory_space<semaphore_mem>>, %arg10: memref<!tpu.dma_semaphore, #tpu.memory_space<semaphore_mem>>, %arg11: memref<!tpu.dma_semaphore, #tpu.memory_space<semaphore_mem>>) attributes {dimension_semantics = [#tpu.dimension_semantics<core_parallel>, #tpu.dimension_semantics<subcore_parallel>], iteration_bounds = array<i64: 2, 16>, scalar_prefetch = 0 : i64, scratch_operands = 8 : i64, tpu.core_type = #tpu.core_type<sc_vector_subcore>, window_params = [{transform_indices = #map}, {transform_indices = #map}]} {
    %mul3A = arith.constant 16 : i32
    %mul3A_0 = arith.muli %arg0, %mul3A : i32
    %add3A = arith.addi %mul3A_0, %arg1 : i32
    %scan3A = arith.constant 0 : i32
    %scan3A_1 = arith.constant 0 : i32
    %scan3A_2 = arith.constant 128 : i32
    %scan3A_3 = arith.addi %scan3A_1, %scan3A_2 : i32
    %scan3A_4 = arith.constant 1 : i32
    %scan3A_5 = scf.for %scan3A_245 = %scan3A_1 to %scan3A_3 step %scan3A_4 iter_args(%scan3A_246 = %scan3A) -> (i32)  : i32 {
      %broadcast_in_dim3A = arith.constant 0.000000e+00 : f32
      %broadcast_in_dim3A_247 = vector.broadcast %broadcast_in_dim3A : f32 to vector<16xf32>
      %swap3A = arith.index_cast %scan3A_245 : i32 to index
      %swap3A_248 = arith.constant 0 : index
      %swap3A_249 = tpu.vector_load %arg6[%swap3A, %swap3A_248] {strides = array<i32>} : memref<128x128xf32, #tpu.memory_space<vmem>>, vector<1x16xf32>,
      %swap3A_250 = vector.shape_cast %swap3A_249 : vector<1x16xf32> to vector<16xf32>
      %swap3A_251 = vector.shape_cast %broadcast_in_dim3A_247 : vector<16xf32> to vector<1x16xf32>
      tpu.vector_store %arg6[%swap3A, %swap3A_248], %swap3A_251 {strides = array<i32>} : memref<128x128xf32, #tpu.memory_space<vmem>>, vector<1x16xf32>,
      %broadcast_in_dim3A_252 = arith.constant 0.000000e+00 : f32
      %broadcast_in_dim3A_253 = vector.broadcast %broadcast_in_dim3A_252 : f32 to vector<16xf32>
      %swap3A_254 = arith.index_cast %scan3A_245 : i32 to index
      %swap3A_255 = arith.constant 16 : index
      %swap3A_256 = tpu.vector_load %arg6[%swap3A_254, %swap3A_255] {strides = array<i32>} : memref<128x128xf32, #tpu.memory_space<vmem>>, vector<1x16xf32>,
      %swap3A_257 = vector.shape_cast %swap3A_256 : vector<1x16xf32> to vector<16xf32>
      %swap3A_258 = vector.shape_cast %broadcast_in_dim3A_253 : vector<16xf32> to vector<1x16xf32>
      tpu.vector_store %arg6[%swap3A_254, %swap3A_255], %swap3A_258 {strides = array<i32>} : memref<128x128xf32, #tpu.memory_space<vmem>>, vector<1x16xf32>,
      %broadcast_in_dim3A_259 = arith.constant 0.000000e+00 : f32
      %broadcast_in_dim3A_260 = vector.broadcast %broadcast_in_dim3A_259 : f32 to vector<16xf32>
      %swap3A_261 = arith.index_cast %scan3A_245 : i32 to index
      %swap3A_262 = arith.constant 32 : index
      %swap3A_263 = tpu.vector_load %arg6[%swap3A_261, %swap3A_262] {strides = array<i32>} : memref<128x128xf32, #tpu.memory_space<vmem>>, vector<1x16xf32>,
      %swap3A_264 = vector.shape_cast %swap3A_263 : vector<1x16xf32> to vector<16xf32>
      %swap3A_265 = vector.shape_cast %broadcast_in_dim3A_260 : vector<16xf32> to vector<1x16xf32>
      tpu.vector_store %arg6[%swap3A_261, %swap3A_262], %swap3A_265 {strides = array<i32>} : memref<128x128xf32, #tpu.memory_space<vmem>>, vector<1x16xf32>,
      %broadcast_in_dim3A_266 = arith.constant 0.000000e+00 : f32
      %broadcast_in_dim3A_267 = vector.broadcast %broadcast_in_dim3A_266 : f32 to vector<16xf32>
      %swap3A_268 = arith.index_cast %scan3A_245 : i32 to index
      %swap3A_269 = arith.constant 48 : index
      %swap3A_270 = tpu.vector_load %arg6[%swap3A_268, %swap3A_269] {strides = array<i32>} : memref<128x128xf32, #tpu.memory_space<vmem>>, vector<1x16xf32>,
      %swap3A_271 = vector.shape_cast %swap3A_270 : vector<1x16xf32> to vector<16xf32>
      %swap3A_272 = vector.shape_cast %broadcast_in_dim3A_267 : vector<16xf32> to vector<1x16xf32>
      tpu.vector_store %arg6[%swap3A_268, %swap3A_269], %swap3A_272 {strides = array<i32>} : memref<128x128xf32, #tpu.memory_space<vmem>>, vector<1x16xf32>,
      %broadcast_in_dim3A_273 = arith.constant 0.000000e+00 : f32
      %broadcast_in_dim3A_274 = vector.broadcast %broadcast_in_dim3A_273 : f32 to vector<16xf32>
      %swap3A_275 = arith.index_cast %scan3A_245 : i32 to index
      %swap3A_276 = arith.constant 64 : index
      %swap3A_277 = tpu.vector_load %arg6[%swap3A_275, %swap3A_276] {strides = array<i32>} : memref<128x128xf32, #tpu.memory_space<vmem>>, vector<1x16xf32>,
      %swap3A_278 = vector.shape_cast %swap3A_277 : vector<1x16xf32> to vector<16xf32>
      %swap3A_279 = vector.shape_cast %broadcast_in_dim3A_274 : vector<16xf32> to vector<1x16xf32>
      tpu.vector_store %arg6[%swap3A_275, %swap3A_276], %swap3A_279 {strides = array<i32>} : memref<128x128xf32, #tpu.memory_space<vmem>>, vector<1x16xf32>,
      %broadcast_in_dim3A_280 = arith.constant 0.000000e+00 : f32
      %broadcast_in_dim3A_281 = vector.broadcast %broadcast_in_dim3A_280 : f32 to vector<16xf32>
      %swap3A_282 = arith.index_cast %scan3A_245 : i32 to index
      %swap3A_283 = arith.constant 80 : index
      %swap3A_284 = tpu.vector_load %arg6[%swap3A_282, %swap3A_283] {strides = array<i32>} : memref<128x128xf32, #tpu.memory_space<vmem>>, vector<1x16xf32>,
      %swap3A_285 = vector.shape_cast %swap3A_284 : vector<1x16xf32> to vector<16xf32>
      %swap3A_286 = vector.shape_cast %broadcast_in_dim3A_281 : vector<16xf32> to vector<1x16xf32>
      tpu.vector_store %arg6[%swap3A_282, %swap3A_283], %swap3A_286 {strides = array<i32>} : memref<128x128xf32, #tpu.memory_space<vmem>>, vector<1x16xf32>,
      %broadcast_in_dim3A_287 = arith.constant 0.000000e+00 : f32
      %broadcast_in_dim3A_288 = vector.broadcast %broadcast_in_dim3A_287 : f32 to vector<16xf32>
      %swap3A_289 = arith.index_cast %scan3A_245 : i32 to index
      %swap3A_290 = arith.constant 96 : index
      %swap3A_291 = tpu.vector_load %arg6[%swap3A_289, %swap3A_290] {strides = array<i32>} : memref<128x128xf32, #tpu.memory_space<vmem>>, vector<1x16xf32>,
      %swap3A_292 = vector.shape_cast %swap3A_291 : vector<1x16xf32> to vector<16xf32>
      %swap3A_293 = vector.shape_cast %broadcast_in_dim3A_288 : vector<16xf32> to vector<1x16xf32>
      tpu.vector_store %arg6[%swap3A_289, %swap3A_290], %swap3A_293 {strides = array<i32>} : memref<128x128xf32, #tpu.memory_space<vmem>>, vector<1x16xf32>,
      %broadcast_in_dim3A_294 = arith.constant 0.000000e+00 : f32
      %broadcast_in_dim3A_295 = vector.broadcast %broadcast_in_dim3A_294 : f32 to vector<16xf32>
      %swap3A_296 = arith.index_cast %scan3A_245 : i32 to index
      %swap3A_297 = arith.constant 112 : index
      %swap3A_298 = tpu.vector_load %arg6[%swap3A_296, %swap3A_297] {strides = array<i32>} : memref<128x128xf32, #tpu.memory_space<vmem>>, vector<1x16xf32>,
      %swap3A_299 = vector.shape_cast %swap3A_298 : vector<1x16xf32> to vector<16xf32>
      %swap3A_300 = vector.shape_cast %broadcast_in_dim3A_295 : vector<16xf32> to vector<1x16xf32>
      tpu.vector_store %arg6[%swap3A_296, %swap3A_297], %swap3A_300 {strides = array<i32>} : memref<128x128xf32, #tpu.memory_space<vmem>>, vector<1x16xf32>,
      %scan3A_301 = arith.constant 0 : i32
      scf.yield %scan3A_301 : i32
    }
    %scan3A_6 = arith.constant 128 : i32
    %mul3A_7 = arith.constant 80 : i32
    %mul3A_8 = arith.muli %add3A, %mul3A_7 : i32
    "tpu.region"() ({
      %run_scoped3A = tpu.sem_alloc : memref<!tpu.dma_semaphore, #tpu.memory_space<semaphore_mem>>
      %dma_start3A_245 = arith.constant 0 : i32
      %dma_start3A_246 = tpu.memref_slice %arg2[%mul3A_8, %dma_start3A_245] : memref<2560x128xi32, #tpu.memory_space<hbm>> -> memref<80x128xi32, #tpu.memory_space<hbm>>
      %dma_start3A_247 = arith.constant 0 : i32
      %dma_start3A_248 = tpu.memref_slice %arg2[%mul3A_8, %dma_start3A_247] : memref<2560x128xi32, #tpu.memory_space<hbm>> -> memref<80x128xi32, #tpu.memory_space<hbm>>
      tpu.enqueue_dma source(%dma_start3A_248 : memref<80x128xi32, #tpu.memory_space<hbm>>) target(%arg4 : memref<80x128xi32, #tpu.memory_space<vmem>>) target_semaphore(%run_scoped3A : memref<!tpu.dma_semaphore, #tpu.memory_space<semaphore_mem>>)
      %dma_wait3A_249 = arith.constant 0 : i32
      %dma_wait3A_250 = tpu.memref_slice %arg2[%mul3A_8, %dma_wait3A_249] : memref<2560x128xi32, #tpu.memory_space<hbm>> -> memref<80x128xi32, #tpu.memory_space<hbm>>
      %dma_wait3A_251 = arith.constant 0 : i32
      %dma_wait3A_252 = tpu.memref_slice %arg2[%mul3A_8, %dma_wait3A_251] : memref<2560x128xi32, #tpu.memory_space<hbm>> -> memref<80x128xi32, #tpu.memory_space<hbm>>
      tpu.wait_dma2 semaphore(%run_scoped3A : memref<!tpu.dma_semaphore, #tpu.memory_space<semaphore_mem>>) src(%dma_wait3A_252 : memref<80x128xi32, #tpu.memory_space<hbm>>) dst(%arg4 : memref<80x128xi32, #tpu.memory_space<vmem>>)
      tpu.yield
    }) : () -> ()
    %mul3A_9 = arith.constant 640 : i32
    %mul3A_10 = arith.muli %arg1, %mul3A_9 : i32
    %add3A_11 = arith.constant 0 : i32
    %add3A_12 = arith.addi %mul3A_10, %add3A_11 : i32
    %dma_start3A = arith.constant 0 : i32
    %dma_start3A_13 = tpu.memref_slice %arg7[%add3A_12, %dma_start3A] : memref<10240x128xf32, #tpu.memory_space<vmem_shared>> -> memref<128x128xf32, #tpu.memory_space<vmem_shared>>
    %dma_start3A_14 = arith.constant 0 : i32
    %dma_start3A_15 = tpu.memref_slice %arg7[%add3A_12, %dma_start3A_14] : memref<10240x128xf32, #tpu.memory_space<vmem_shared>> -> memref<128x128xf32, #tpu.memory_space<vmem_shared>>
    tpu.enqueue_dma source(%arg6 : memref<128x128xf32, #tpu.memory_space<vmem>>) target(%dma_start3A_15 : memref<128x128xf32, #tpu.memory_space<vmem_shared>>) target_semaphore(%arg8 : memref<!tpu.dma_semaphore, #tpu.memory_space<semaphore_mem>>)
    %mul3A_16 = arith.constant 640 : i32
    %mul3A_17 = arith.muli %arg1, %mul3A_16 : i32
    %add3A_18 = arith.constant 128 : i32
    %add3A_19 = arith.addi %mul3A_17, %add3A_18 : i32
    %dma_start3A_20 = arith.constant 0 : i32
    %dma_start3A_21 = tpu.memref_slice %arg7[%add3A_19, %dma_start3A_20] : memref<10240x128xf32, #tpu.memory_space<vmem_shared>> -> memref<128x128xf32, #tpu.memory_space<vmem_shared>>
    %dma_start3A_22 = arith.constant 0 : i32
    %dma_start3A_23 = tpu.memref_slice %arg7[%add3A_19, %dma_start3A_22] : memref<10240x128xf32, #tpu.memory_space<vmem_shared>> -> memref<128x128xf32, #tpu.memory_space<vmem_shared>>
    tpu.enqueue_dma source(%arg6 : memref<128x128xf32, #tpu.memory_space<vmem>>) target(%dma_start3A_23 : memref<128x128xf32, #tpu.memory_space<vmem_shared>>) target_semaphore(%arg8 : memref<!tpu.dma_semaphore, #tpu.memory_space<semaphore_mem>>)
    %mul3A_24 = arith.constant 640 : i32
    %mul3A_25 = arith.muli %arg1, %mul3A_24 : i32
    %add3A_26 = arith.constant 256 : i32
    %add3A_27 = arith.addi %mul3A_25, %add3A_26 : i32
    %dma_start3A_28 = arith.constant 0 : i32
    %dma_start3A_29 = tpu.memref_slice %arg7[%add3A_27, %dma_start3A_28] : memref<10240x128xf32, #tpu.memory_space<vmem_shared>> -> memref<128x128xf32, #tpu.memory_space<vmem_shared>>
    %dma_start3A_30 = arith.constant 0 : i32
    %dma_start3A_31 = tpu.memref_slice %arg7[%add3A_27, %dma_start3A_30] : memref<10240x128xf32, #tpu.memory_space<vmem_shared>> -> memref<128x128xf32, #tpu.memory_space<vmem_shared>>
    tpu.enqueue_dma source(%arg6 : memref<128x128xf32, #tpu.memory_space<vmem>>) target(%dma_start3A_31 : memref<128x128xf32, #tpu.memory_space<vmem_shared>>) target_semaphore(%arg8 : memref<!tpu.dma_semaphore, #tpu.memory_space<semaphore_mem>>)
    %mul3A_32 = arith.constant 640 : i32
    %mul3A_33 = arith.muli %arg1, %mul3A_32 : i32
    %add3A_34 = arith.constant 384 : i32
    %add3A_35 = arith.addi %mul3A_33, %add3A_34 : i32
    %dma_start3A_36 = arith.constant 0 : i32
    %dma_start3A_37 = tpu.memref_slice %arg7[%add3A_35, %dma_start3A_36] : memref<10240x128xf32, #tpu.memory_space<vmem_shared>> -> memref<128x128xf32, #tpu.memory_space<vmem_shared>>
    %dma_start3A_38 = arith.constant 0 : i32
    %dma_start3A_39 = tpu.memref_slice %arg7[%add3A_35, %dma_start3A_38] : memref<10240x128xf32, #tpu.memory_space<vmem_shared>> -> memref<128x128xf32, #tpu.memory_space<vmem_shared>>
    tpu.enqueue_dma source(%arg6 : memref<128x128xf32, #tpu.memory_space<vmem>>) target(%dma_start3A_39 : memref<128x128xf32, #tpu.memory_space<vmem_shared>>) target_semaphore(%arg8 : memref<!tpu.dma_semaphore, #tpu.memory_space<semaphore_mem>>)
    %mul3A_40 = arith.constant 640 : i32
    %mul3A_41 = arith.muli %arg1, %mul3A_40 : i32
    %add3A_42 = arith.constant 512 : i32
    %add3A_43 = arith.addi %mul3A_41, %add3A_42 : i32
    %dma_start3A_44 = arith.constant 0 : i32
    %dma_start3A_45 = tpu.memref_slice %arg7[%add3A_43, %dma_start3A_44] : memref<10240x128xf32, #tpu.memory_space<vmem_shared>> -> memref<128x128xf32, #tpu.memory_space<vmem_shared>>
    %dma_start3A_46 = arith.constant 0 : i32
    %dma_start3A_47 = tpu.memref_slice %arg7[%add3A_43, %dma_start3A_46] : memref<10240x128xf32, #tpu.memory_space<vmem_shared>> -> memref<128x128xf32, #tpu.memory_space<vmem_shared>>
    tpu.enqueue_dma source(%arg6 : memref<128x128xf32, #tpu.memory_space<vmem>>) target(%dma_start3A_47 : memref<128x128xf32, #tpu.memory_space<vmem_shared>>) target_semaphore(%arg8 : memref<!tpu.dma_semaphore, #tpu.memory_space<semaphore_mem>>)
    %scan3A_48 = arith.constant 0 : i32
    %scan3A_49 = arith.constant 0 : i32
    %scan3A_50 = arith.constant 128 : i32
    %scan3A_51 = arith.addi %scan3A_49, %scan3A_50 : i32
    %scan3A_52 = arith.constant 1 : i32
    %scan3A_53 = scf.for %scan3A_245 = %scan3A_49 to %scan3A_51 step %scan3A_52 iter_args(%scan3A_246 = %scan3A_48) -> (i32)  : i32 {
      %broadcast_in_dim3A = arith.constant 1.000000e+00 : f32
      %broadcast_in_dim3A_247 = vector.broadcast %broadcast_in_dim3A : f32 to vector<16xf32>
      %swap3A = arith.index_cast %scan3A_245 : i32 to index
      %swap3A_248 = arith.constant 0 : index
      %swap3A_249 = tpu.vector_load %arg5[%swap3A, %swap3A_248] {strides = array<i32>} : memref<128x128xf32, #tpu.memory_space<vmem>>, vector<1x16xf32>,
      %swap3A_250 = vector.shape_cast %swap3A_249 : vector<1x16xf32> to vector<16xf32>
      %swap3A_251 = vector.shape_cast %broadcast_in_dim3A_247 : vector<16xf32> to vector<1x16xf32>
      tpu.vector_store %arg5[%swap3A, %swap3A_248], %swap3A_251 {strides = array<i32>} : memref<128x128xf32, #tpu.memory_space<vmem>>, vector<1x16xf32>,
      %broadcast_in_dim3A_252 = arith.constant 1.000000e+00 : f32
      %broadcast_in_dim3A_253 = vector.broadcast %broadcast_in_dim3A_252 : f32 to vector<16xf32>
      %swap3A_254 = arith.index_cast %scan3A_245 : i32 to index
      %swap3A_255 = arith.constant 16 : index
      %swap3A_256 = tpu.vector_load %arg5[%swap3A_254, %swap3A_255] {strides = array<i32>} : memref<128x128xf32, #tpu.memory_space<vmem>>, vector<1x16xf32>,
      %swap3A_257 = vector.shape_cast %swap3A_256 : vector<1x16xf32> to vector<16xf32>
      %swap3A_258 = vector.shape_cast %broadcast_in_dim3A_253 : vector<16xf32> to vector<1x16xf32>
      tpu.vector_store %arg5[%swap3A_254, %swap3A_255], %swap3A_258 {strides = array<i32>} : memref<128x128xf32, #tpu.memory_space<vmem>>, vector<1x16xf32>,
      %broadcast_in_dim3A_259 = arith.constant 1.000000e+00 : f32
      %broadcast_in_dim3A_260 = vector.broadcast %broadcast_in_dim3A_259 : f32 to vector<16xf32>
      %swap3A_261 = arith.index_cast %scan3A_245 : i32 to index
      %swap3A_262 = arith.constant 32 : index
      %swap3A_263 = tpu.vector_load %arg5[%swap3A_261, %swap3A_262] {strides = array<i32>} : memref<128x128xf32, #tpu.memory_space<vmem>>, vector<1x16xf32>,
      %swap3A_264 = vector.shape_cast %swap3A_263 : vector<1x16xf32> to vector<16xf32>
      %swap3A_265 = vector.shape_cast %broadcast_in_dim3A_260 : vector<16xf32> to vector<1x16xf32>
      tpu.vector_store %arg5[%swap3A_261, %swap3A_262], %swap3A_265 {strides = array<i32>} : memref<128x128xf32, #tpu.memory_space<vmem>>, vector<1x16xf32>,
      %broadcast_in_dim3A_266 = arith.constant 1.000000e+00 : f32
      %broadcast_in_dim3A_267 = vector.broadcast %broadcast_in_dim3A_266 : f32 to vector<16xf32>
      %swap3A_268 = arith.index_cast %scan3A_245 : i32 to index
      %swap3A_269 = arith.constant 48 : index
      %swap3A_270 = tpu.vector_load %arg5[%swap3A_268, %swap3A_269] {strides = array<i32>} : memref<128x128xf32, #tpu.memory_space<vmem>>, vector<1x16xf32>,
      %swap3A_271 = vector.shape_cast %swap3A_270 : vector<1x16xf32> to vector<16xf32>
      %swap3A_272 = vector.shape_cast %broadcast_in_dim3A_267 : vector<16xf32> to vector<1x16xf32>
      tpu.vector_store %arg5[%swap3A_268, %swap3A_269], %swap3A_272 {strides = array<i32>} : memref<128x128xf32, #tpu.memory_space<vmem>>, vector<1x16xf32>,
      %broadcast_in_dim3A_273 = arith.constant 1.000000e+00 : f32
      %broadcast_in_dim3A_274 = vector.broadcast %broadcast_in_dim3A_273 : f32 to vector<16xf32>
      %swap3A_275 = arith.index_cast %scan3A_245 : i32 to index
      %swap3A_276 = arith.constant 64 : index
      %swap3A_277 = tpu.vector_load %arg5[%swap3A_275, %swap3A_276] {strides = array<i32>} : memref<128x128xf32, #tpu.memory_space<vmem>>, vector<1x16xf32>,
      %swap3A_278 = vector.shape_cast %swap3A_277 : vector<1x16xf32> to vector<16xf32>
      %swap3A_279 = vector.shape_cast %broadcast_in_dim3A_274 : vector<16xf32> to vector<1x16xf32>
      tpu.vector_store %arg5[%swap3A_275, %swap3A_276], %swap3A_279 {strides = array<i32>} : memref<128x128xf32, #tpu.memory_space<vmem>>, vector<1x16xf32>,
      %broadcast_in_dim3A_280 = arith.constant 1.000000e+00 : f32
      %broadcast_in_dim3A_281 = vector.broadcast %broadcast_in_dim3A_280 : f32 to vector<16xf32>
      %swap3A_282 = arith.index_cast %scan3A_245 : i32 to index
      %swap3A_283 = arith.constant 80 : index
      %swap3A_284 = tpu.vector_load %arg5[%swap3A_282, %swap3A_283] {strides = array<i32>} : memref<128x128xf32, #tpu.memory_space<vmem>>, vector<1x16xf32>,
      %swap3A_285 = vector.shape_cast %swap3A_284 : vector<1x16xf32> to vector<16xf32>
      %swap3A_286 = vector.shape_cast %broadcast_in_dim3A_281 : vector<16xf32> to vector<1x16xf32>
      tpu.vector_store %arg5[%swap3A_282, %swap3A_283], %swap3A_286 {strides = array<i32>} : memref<128x128xf32, #tpu.memory_space<vmem>>, vector<1x16xf32>,
      %broadcast_in_dim3A_287 = arith.constant 1.000000e+00 : f32
      %broadcast_in_dim3A_288 = vector.broadcast %broadcast_in_dim3A_287 : f32 to vector<16xf32>
      %swap3A_289 = arith.index_cast %scan3A_245 : i32 to index
      %swap3A_290 = arith.constant 96 : index
      %swap3A_291 = tpu.vector_load %arg5[%swap3A_289, %swap3A_290] {strides = array<i32>} : memref<128x128xf32, #tpu.memory_space<vmem>>, vector<1x16xf32>,
      %swap3A_292 = vector.shape_cast %swap3A_291 : vector<1x16xf32> to vector<16xf32>
      %swap3A_293 = vector.shape_cast %broadcast_in_dim3A_288 : vector<16xf32> to vector<1x16xf32>
      tpu.vector_store %arg5[%swap3A_289, %swap3A_290], %swap3A_293 {strides = array<i32>} : memref<128x128xf32, #tpu.memory_space<vmem>>, vector<1x16xf32>,
      %broadcast_in_dim3A_294 = arith.constant 1.000000e+00 : f32
      %broadcast_in_dim3A_295 = vector.broadcast %broadcast_in_dim3A_294 : f32 to vector<16xf32>
      %swap3A_296 = arith.index_cast %scan3A_245 : i32 to index
      %swap3A_297 = arith.constant 112 : index
      %swap3A_298 = tpu.vector_load %arg5[%swap3A_296, %swap3A_297] {strides = array<i32>} : memref<128x128xf32, #tpu.memory_space<vmem>>, vector<1x16xf32>,
      %swap3A_299 = vector.shape_cast %swap3A_298 : vector<1x16xf32> to vector<16xf32>
      %swap3A_300 = vector.shape_cast %broadcast_in_dim3A_295 : vector<16xf32> to vector<1x16xf32>
      tpu.vector_store %arg5[%swap3A_296, %swap3A_297], %swap3A_300 {strides = array<i32>} : memref<128x128xf32, #tpu.memory_space<vmem>>, vector<1x16xf32>,
      %scan3A_301 = arith.constant 0 : i32
      scf.yield %scan3A_301 : i32
    }
    %scan3A_54 = arith.constant 128 : i32
    %dma_wait3A = arith.constant 0 : i32
    %dma_wait3A_55 = arith.constant 0 : i32
    %dma_wait3A_56 = tpu.memref_slice %arg7[%dma_wait3A, %dma_wait3A_55] : memref<10240x128xf32, #tpu.memory_space<vmem_shared>> -> memref<128x128xf32, #tpu.memory_space<vmem_shared>>
    %dma_wait3A_57 = arith.constant 0 : i32
    %dma_wait3A_58 = arith.constant 0 : i32
    %dma_wait3A_59 = tpu.memref_slice %arg7[%dma_wait3A_57, %dma_wait3A_58] : memref<10240x128xf32, #tpu.memory_space<vmem_shared>> -> memref<128x128xf32, #tpu.memory_space<vmem_shared>>
    tpu.wait_dma2 semaphore(%arg8 : memref<!tpu.dma_semaphore, #tpu.memory_space<semaphore_mem>>) src(%arg6 : memref<128x128xf32, #tpu.memory_space<vmem>>) dst(%dma_wait3A_59 : memref<128x128xf32, #tpu.memory_space<vmem_shared>>)
    %dma_wait3A_60 = arith.constant 0 : i32
    %dma_wait3A_61 = arith.constant 0 : i32
    %dma_wait3A_62 = tpu.memref_slice %arg7[%dma_wait3A_60, %dma_wait3A_61] : memref<10240x128xf32, #tpu.memory_space<vmem_shared>> -> memref<128x128xf32, #tpu.memory_space<vmem_shared>>
    %dma_wait3A_63 = arith.constant 0 : i32
    %dma_wait3A_64 = arith.constant 0 : i32
    %dma_wait3A_65 = tpu.memref_slice %arg7[%dma_wait3A_63, %dma_wait3A_64] : memref<10240x128xf32, #tpu.memory_space<vmem_shared>> -> memref<128x128xf32, #tpu.memory_space<vmem_shared>>
    tpu.wait_dma2 semaphore(%arg8 : memref<!tpu.dma_semaphore, #tpu.memory_space<semaphore_mem>>) src(%arg6 : memref<128x128xf32, #tpu.memory_space<vmem>>) dst(%dma_wait3A_65 : memref<128x128xf32, #tpu.memory_space<vmem_shared>>)
    %dma_wait3A_66 = arith.constant 0 : i32
    %dma_wait3A_67 = arith.constant 0 : i32
    %dma_wait3A_68 = tpu.memref_slice %arg7[%dma_wait3A_66, %dma_wait3A_67] : memref<10240x128xf32, #tpu.memory_space<vmem_shared>> -> memref<128x128xf32, #tpu.memory_space<vmem_shared>>
    %dma_wait3A_69 = arith.constant 0 : i32
    %dma_wait3A_70 = arith.constant 0 : i32
    %dma_wait3A_71 = tpu.memref_slice %arg7[%dma_wait3A_69, %dma_wait3A_70] : memref<10240x128xf32, #tpu.memory_space<vmem_shared>> -> memref<128x128xf32, #tpu.memory_space<vmem_shared>>
    tpu.wait_dma2 semaphore(%arg8 : memref<!tpu.dma_semaphore, #tpu.memory_space<semaphore_mem>>) src(%arg6 : memref<128x128xf32, #tpu.memory_space<vmem>>) dst(%dma_wait3A_71 : memref<128x128xf32, #tpu.memory_space<vmem_shared>>)
    %dma_wait3A_72 = arith.constant 0 : i32
    %dma_wait3A_73 = arith.constant 0 : i32
    %dma_wait3A_74 = tpu.memref_slice %arg7[%dma_wait3A_72, %dma_wait3A_73] : memref<10240x128xf32, #tpu.memory_space<vmem_shared>> -> memref<128x128xf32, #tpu.memory_space<vmem_shared>>
    %dma_wait3A_75 = arith.constant 0 : i32
    %dma_wait3A_76 = arith.constant 0 : i32
    %dma_wait3A_77 = tpu.memref_slice %arg7[%dma_wait3A_75, %dma_wait3A_76] : memref<10240x128xf32, #tpu.memory_space<vmem_shared>> -> memref<128x128xf32, #tpu.memory_space<vmem_shared>>
    tpu.wait_dma2 semaphore(%arg8 : memref<!tpu.dma_semaphore, #tpu.memory_space<semaphore_mem>>) src(%arg6 : memref<128x128xf32, #tpu.memory_space<vmem>>) dst(%dma_wait3A_77 : memref<128x128xf32, #tpu.memory_space<vmem_shared>>)
    %dma_wait3A_78 = arith.constant 0 : i32
    %dma_wait3A_79 = arith.constant 0 : i32
    %dma_wait3A_80 = tpu.memref_slice %arg7[%dma_wait3A_78, %dma_wait3A_79] : memref<10240x128xf32, #tpu.memory_space<vmem_shared>> -> memref<128x128xf32, #tpu.memory_space<vmem_shared>>
    %dma_wait3A_81 = arith.constant 0 : i32
    %dma_wait3A_82 = arith.constant 0 : i32
    %dma_wait3A_83 = tpu.memref_slice %arg7[%dma_wait3A_81, %dma_wait3A_82] : memref<10240x128xf32, #tpu.memory_space<vmem_shared>> -> memref<128x128xf32, #tpu.memory_space<vmem_shared>>
    tpu.wait_dma2 semaphore(%arg8 : memref<!tpu.dma_semaphore, #tpu.memory_space<semaphore_mem>>) src(%arg6 : memref<128x128xf32, #tpu.memory_space<vmem>>) dst(%dma_wait3A_83 : memref<128x128xf32, #tpu.memory_space<vmem_shared>>)
    %barrier3A = arith.constant 0 : index
    tpu.barrier barrier_id(%barrier3A)
    %scan3A_84 = arith.constant 0 : i32
    %scan3A_85 = arith.constant 0 : i32
    %scan3A_86 = arith.constant 80 : i32
    %scan3A_87 = arith.addi %scan3A_85, %scan3A_86 : i32
    %scan3A_88 = arith.constant 1 : i32
    %scan3A_89 = scf.for %scan3A_245 = %scan3A_85 to %scan3A_87 step %scan3A_88 iter_args(%scan3A_246 = %scan3A_84) -> (i32)  : i32 {
      "tpu.region"() ({
        %run_scoped3A = tpu.sem_alloc : memref<!tpu.dma_semaphore, #tpu.memory_space<semaphore_mem>>
        %dma_start3A_248 = arith.constant 0 : i32
        %dma_start3A_249 = tpu.memref_slice %arg4[%scan3A_245, %dma_start3A_248] : memref<80x128xi32, #tpu.memory_space<vmem>> -> memref<1x128xi32, #tpu.memory_space<vmem>>
        %dma_start3A_250 = tpu.memref_squeeze %dma_start3A_249 : memref<1x128xi32, #tpu.memory_space<vmem>> -> memref<128xi32, #tpu.memory_space<vmem>>
        %dma_start3A_251 = arith.constant 0 : i32
        %dma_start3A_252 = arith.constant 0 : i32
        %dma_start3A_253 = tpu.memref_slice %arg7[%dma_start3A_251, %dma_start3A_252] : memref<10240x128xf32, #tpu.memory_space<vmem_shared>> -> memref<10240x128xf32, #tpu.memory_space<vmem_shared>>
        tpu.enqueue_indirect_dma source(%arg5 : memref<128x128xf32, #tpu.memory_space<vmem>>) target(%dma_start3A_253 : memref<10240x128xf32, #tpu.memory_space<vmem_shared>>) offsets(%dma_start3A_250 : memref<128xi32, #tpu.memory_space<vmem>>) semaphore(%run_scoped3A : memref<!tpu.dma_semaphore, #tpu.memory_space<semaphore_mem>>) {add = true}
        %dma_wait3A_254 = arith.constant 0 : i32
        %dma_wait3A_255 = tpu.memref_slice %arg4[%scan3A_245, %dma_wait3A_254] : memref<80x128xi32, #tpu.memory_space<vmem>> -> memref<1x128xi32, #tpu.memory_space<vmem>>
        %dma_wait3A_256 = tpu.memref_squeeze %dma_wait3A_255 : memref<1x128xi32, #tpu.memory_space<vmem>> -> memref<128xi32, #tpu.memory_space<vmem>>
        %dma_wait3A_257 = arith.constant 0 : i32
        %dma_wait3A_258 = arith.constant 0 : i32
        %dma_wait3A_259 = tpu.memref_slice %arg7[%dma_wait3A_257, %dma_wait3A_258] : memref<10240x128xf32, #tpu.memory_space<vmem_shared>> -> memref<10240x128xf32, #tpu.memory_space<vmem_shared>>
        tpu.wait_indirect_dma semaphore(%run_scoped3A : memref<!tpu.dma_semaphore, #tpu.memory_space<semaphore_mem>>) src(%arg5 : memref<128x128xf32, #tpu.memory_space<vmem>>) dst(%dma_wait3A_259 : memref<10240x128xf32, #tpu.memory_space<vmem_shared>>)
        tpu.yield
      }) : () -> ()
      %scan3A_247 = arith.constant 0 : i32
      scf.yield %scan3A_247 : i32
    }
    %scan3A_90 = arith.constant 80 : i32
    %barrier3A_91 = arith.constant 0 : index
    tpu.barrier barrier_id(%barrier3A_91)
    %mul3A_92 = arith.constant 640 : i32
    %mul3A_93 = arith.muli %arg1, %mul3A_92 : i32
    %dma_start3A_94 = arith.constant 0 : i32
    %dma_start3A_95 = tpu.memref_slice %arg7[%mul3A_93, %dma_start3A_94] : memref<10240x128xf32, #tpu.memory_space<vmem_shared>> -> memref<128x128xf32, #tpu.memory_space<vmem_shared>>
    %dma_start3A_96 = arith.constant 0 : i32
    %dma_start3A_97 = tpu.memref_slice %arg7[%mul3A_93, %dma_start3A_96] : memref<10240x128xf32, #tpu.memory_space<vmem_shared>> -> memref<128x128xf32, #tpu.memory_space<vmem_shared>>
    tpu.enqueue_dma source(%dma_start3A_97 : memref<128x128xf32, #tpu.memory_space<vmem_shared>>) target(%arg5 : memref<128x128xf32, #tpu.memory_space<vmem>>) target_semaphore(%arg8 : memref<!tpu.dma_semaphore, #tpu.memory_space<semaphore_mem>>)
    %dma_wait3A_98 = arith.constant 0 : i32
    %dma_wait3A_99 = arith.constant 0 : i32
    %dma_wait3A_100 = tpu.memref_slice %arg7[%dma_wait3A_98, %dma_wait3A_99] : memref<10240x128xf32, #tpu.memory_space<vmem_shared>> -> memref<128x128xf32, #tpu.memory_space<vmem_shared>>
    %dma_wait3A_101 = arith.constant 0 : i32
    %dma_wait3A_102 = arith.constant 0 : i32
    %dma_wait3A_103 = tpu.memref_slice %arg7[%dma_wait3A_101, %dma_wait3A_102] : memref<10240x128xf32, #tpu.memory_space<vmem_shared>> -> memref<128x128xf32, #tpu.memory_space<vmem_shared>>
    tpu.wait_dma2 semaphore(%arg8 : memref<!tpu.dma_semaphore, #tpu.memory_space<semaphore_mem>>) src(%dma_wait3A_103 : memref<128x128xf32, #tpu.memory_space<vmem_shared>>) dst(%arg5 : memref<128x128xf32, #tpu.memory_space<vmem>>)
    %mul3A_104 = arith.constant 10240 : i32
    %mul3A_105 = arith.muli %arg0, %mul3A_104 : i32
    %mul3A_106 = arith.constant 640 : i32
    %mul3A_107 = arith.muli %arg1, %mul3A_106 : i32
    %add3A_108 = arith.addi %mul3A_105, %mul3A_107 : i32
    %add3A_109 = arith.constant 0 : i32
    %add3A_110 = arith.addi %add3A_108, %add3A_109 : i32
    %dma_start3A_111 = arith.constant 0 : i32
    %dma_start3A_112 = tpu.memref_slice %arg3[%add3A_110, %dma_start3A_111] : memref<20480x128xf32, #tpu.memory_space<hbm>> -> memref<128x128xf32, #tpu.memory_space<hbm>>
    %dma_start3A_113 = arith.constant 0 : i32
    %dma_start3A_114 = tpu.memref_slice %arg3[%add3A_110, %dma_start3A_113] : memref<20480x128xf32, #tpu.memory_space<hbm>> -> memref<128x128xf32, #tpu.memory_space<hbm>>
    tpu.enqueue_dma source(%arg5 : memref<128x128xf32, #tpu.memory_space<vmem>>) target(%dma_start3A_114 : memref<128x128xf32, #tpu.memory_space<hbm>>) target_semaphore(%arg10 : memref<!tpu.dma_semaphore, #tpu.memory_space<semaphore_mem>>)
    %mul3A_115 = arith.constant 640 : i32
    %mul3A_116 = arith.muli %arg1, %mul3A_115 : i32
    %add3A_117 = arith.constant 128 : i32
    %add3A_118 = arith.addi %mul3A_116, %add3A_117 : i32
    %dma_start3A_119 = arith.constant 0 : i32
    %dma_start3A_120 = tpu.memref_slice %arg7[%add3A_118, %dma_start3A_119] : memref<10240x128xf32, #tpu.memory_space<vmem_shared>> -> memref<128x128xf32, #tpu.memory_space<vmem_shared>>
    %dma_start3A_121 = arith.constant 0 : i32
    %dma_start3A_122 = tpu.memref_slice %arg7[%add3A_118, %dma_start3A_121] : memref<10240x128xf32, #tpu.memory_space<vmem_shared>> -> memref<128x128xf32, #tpu.memory_space<vmem_shared>>
    tpu.enqueue_dma source(%dma_start3A_122 : memref<128x128xf32, #tpu.memory_space<vmem_shared>>) target(%arg6 : memref<128x128xf32, #tpu.memory_space<vmem>>) target_semaphore(%arg9 : memref<!tpu.dma_semaphore, #tpu.memory_space<semaphore_mem>>)
    %dma_wait3A_123 = arith.constant 0 : i32
    %dma_wait3A_124 = arith.constant 0 : i32
    %dma_wait3A_125 = tpu.memref_slice %arg7[%dma_wait3A_123, %dma_wait3A_124] : memref<10240x128xf32, #tpu.memory_space<vmem_shared>> -> memref<128x128xf32, #tpu.memory_space<vmem_shared>>
    %dma_wait3A_126 = arith.constant 0 : i32
    %dma_wait3A_127 = arith.constant 0 : i32
    %dma_wait3A_128 = tpu.memref_slice %arg7[%dma_wait3A_126, %dma_wait3A_127] : memref<10240x128xf32, #tpu.memory_space<vmem_shared>> -> memref<128x128xf32, #tpu.memory_space<vmem_shared>>
    tpu.wait_dma2 semaphore(%arg9 : memref<!tpu.dma_semaphore, #tpu.memory_space<semaphore_mem>>) src(%dma_wait3A_128 : memref<128x128xf32, #tpu.memory_space<vmem_shared>>) dst(%arg6 : memref<128x128xf32, #tpu.memory_space<vmem>>)
    %mul3A_129 = arith.constant 10240 : i32
    %mul3A_130 = arith.muli %arg0, %mul3A_129 : i32
    %mul3A_131 = arith.constant 640 : i32
    %mul3A_132 = arith.muli %arg1, %mul3A_131 : i32
    %add3A_133 = arith.addi %mul3A_130, %mul3A_132 : i32
    %add3A_134 = arith.constant 128 : i32
    %add3A_135 = arith.addi %add3A_133, %add3A_134 : i32
    %dma_start3A_136 = arith.constant 0 : i32
    %dma_start3A_137 = tpu.memref_slice %arg3[%add3A_135, %dma_start3A_136] : memref<20480x128xf32, #tpu.memory_space<hbm>> -> memref<128x128xf32, #tpu.memory_space<hbm>>
    %dma_start3A_138 = arith.constant 0 : i32
    %dma_start3A_139 = tpu.memref_slice %arg3[%add3A_135, %dma_start3A_138] : memref<20480x128xf32, #tpu.memory_space<hbm>> -> memref<128x128xf32, #tpu.memory_space<hbm>>
    tpu.enqueue_dma source(%arg6 : memref<128x128xf32, #tpu.memory_space<vmem>>) target(%dma_start3A_139 : memref<128x128xf32, #tpu.memory_space<hbm>>) target_semaphore(%arg11 : memref<!tpu.dma_semaphore, #tpu.memory_space<semaphore_mem>>)
    %dma_wait3A_140 = arith.constant 0 : i32
    %dma_wait3A_141 = arith.constant 0 : i32
    %dma_wait3A_142 = tpu.memref_slice %arg3[%dma_wait3A_140, %dma_wait3A_141] : memref<20480x128xf32, #tpu.memory_space<hbm>> -> memref<128x128xf32, #tpu.memory_space<hbm>>
    %dma_wait3A_143 = arith.constant 0 : i32
    %dma_wait3A_144 = arith.constant 0 : i32
    %dma_wait3A_145 = tpu.memref_slice %arg3[%dma_wait3A_143, %dma_wait3A_144] : memref<20480x128xf32, #tpu.memory_space<hbm>> -> memref<128x128xf32, #tpu.memory_space<hbm>>
    tpu.wait_dma2 semaphore(%arg10 : memref<!tpu.dma_semaphore, #tpu.memory_space<semaphore_mem>>) src(%arg5 : memref<128x128xf32, #tpu.memory_space<vmem>>) dst(%dma_wait3A_145 : memref<128x128xf32, #tpu.memory_space<hbm>>)
    %mul3A_146 = arith.constant 640 : i32
    %mul3A_147 = arith.muli %arg1, %mul3A_146 : i32
    %add3A_148 = arith.constant 256 : i32
    %add3A_149 = arith.addi %mul3A_147, %add3A_148 : i32
    %dma_start3A_150 = arith.constant 0 : i32
    %dma_start3A_151 = tpu.memref_slice %arg7[%add3A_149, %dma_start3A_150] : memref<10240x128xf32, #tpu.memory_space<vmem_shared>> -> memref<128x128xf32, #tpu.memory_space<vmem_shared>>
    %dma_start3A_152 = arith.constant 0 : i32
    %dma_start3A_153 = tpu.memref_slice %arg7[%add3A_149, %dma_start3A_152] : memref<10240x128xf32, #tpu.memory_space<vmem_shared>> -> memref<128x128xf32, #tpu.memory_space<vmem_shared>>
    tpu.enqueue_dma source(%dma_start3A_153 : memref<128x128xf32, #tpu.memory_space<vmem_shared>>) target(%arg5 : memref<128x128xf32, #tpu.memory_space<vmem>>) target_semaphore(%arg8 : memref<!tpu.dma_semaphore, #tpu.memory_space<semaphore_mem>>)
    %dma_wait3A_154 = arith.constant 0 : i32
    %dma_wait3A_155 = arith.constant 0 : i32
    %dma_wait3A_156 = tpu.memref_slice %arg7[%dma_wait3A_154, %dma_wait3A_155] : memref<10240x128xf32, #tpu.memory_space<vmem_shared>> -> memref<128x128xf32, #tpu.memory_space<vmem_shared>>
    %dma_wait3A_157 = arith.constant 0 : i32
    %dma_wait3A_158 = arith.constant 0 : i32
    %dma_wait3A_159 = tpu.memref_slice %arg7[%dma_wait3A_157, %dma_wait3A_158] : memref<10240x128xf32, #tpu.memory_space<vmem_shared>> -> memref<128x128xf32, #tpu.memory_space<vmem_shared>>
    tpu.wait_dma2 semaphore(%arg8 : memref<!tpu.dma_semaphore, #tpu.memory_space<semaphore_mem>>) src(%dma_wait3A_159 : memref<128x128xf32, #tpu.memory_space<vmem_shared>>) dst(%arg5 : memref<128x128xf32, #tpu.memory_space<vmem>>)
    %mul3A_160 = arith.constant 10240 : i32
    %mul3A_161 = arith.muli %arg0, %mul3A_160 : i32
    %mul3A_162 = arith.constant 640 : i32
    %mul3A_163 = arith.muli %arg1, %mul3A_162 : i32
    %add3A_164 = arith.addi %mul3A_161, %mul3A_163 : i32
    %add3A_165 = arith.constant 256 : i32
    %add3A_166 = arith.addi %add3A_164, %add3A_165 : i32
    %dma_start3A_167 = arith.constant 0 : i32
    %dma_start3A_168 = tpu.memref_slice %arg3[%add3A_166, %dma_start3A_167] : memref<20480x128xf32, #tpu.memory_space<hbm>> -> memref<128x128xf32, #tpu.memory_space<hbm>>
    %dma_start3A_169 = arith.constant 0 : i32
    %dma_start3A_170 = tpu.memref_slice %arg3[%add3A_166, %dma_start3A_169] : memref<20480x128xf32, #tpu.memory_space<hbm>> -> memref<128x128xf32, #tpu.memory_space<hbm>>
    tpu.enqueue_dma source(%arg5 : memref<128x128xf32, #tpu.memory_space<vmem>>) target(%dma_start3A_170 : memref<128x128xf32, #tpu.memory_space<hbm>>) target_semaphore(%arg10 : memref<!tpu.dma_semaphore, #tpu.memory_space<semaphore_mem>>)
    %dma_wait3A_171 = arith.constant 0 : i32
    %dma_wait3A_172 = arith.constant 0 : i32
    %dma_wait3A_173 = tpu.memref_slice %arg3[%dma_wait3A_171, %dma_wait3A_172] : memref<20480x128xf32, #tpu.memory_space<hbm>> -> memref<128x128xf32, #tpu.memory_space<hbm>>
    %dma_wait3A_174 = arith.constant 0 : i32
    %dma_wait3A_175 = arith.constant 0 : i32
    %dma_wait3A_176 = tpu.memref_slice %arg3[%dma_wait3A_174, %dma_wait3A_175] : memref<20480x128xf32, #tpu.memory_space<hbm>> -> memref<128x128xf32, #tpu.memory_space<hbm>>
    tpu.wait_dma2 semaphore(%arg11 : memref<!tpu.dma_semaphore, #tpu.memory_space<semaphore_mem>>) src(%arg6 : memref<128x128xf32, #tpu.memory_space<vmem>>) dst(%dma_wait3A_176 : memref<128x128xf32, #tpu.memory_space<hbm>>)
    %mul3A_177 = arith.constant 640 : i32
    %mul3A_178 = arith.muli %arg1, %mul3A_177 : i32
    %add3A_179 = arith.constant 384 : i32
    %add3A_180 = arith.addi %mul3A_178, %add3A_179 : i32
    %dma_start3A_181 = arith.constant 0 : i32
    %dma_start3A_182 = tpu.memref_slice %arg7[%add3A_180, %dma_start3A_181] : memref<10240x128xf32, #tpu.memory_space<vmem_shared>> -> memref<128x128xf32, #tpu.memory_space<vmem_shared>>
    %dma_start3A_183 = arith.constant 0 : i32
    %dma_start3A_184 = tpu.memref_slice %arg7[%add3A_180, %dma_start3A_183] : memref<10240x128xf32, #tpu.memory_space<vmem_shared>> -> memref<128x128xf32, #tpu.memory_space<vmem_shared>>
    tpu.enqueue_dma source(%dma_start3A_184 : memref<128x128xf32, #tpu.memory_space<vmem_shared>>) target(%arg6 : memref<128x128xf32, #tpu.memory_space<vmem>>) target_semaphore(%arg9 : memref<!tpu.dma_semaphore, #tpu.memory_space<semaphore_mem>>)
    %dma_wait3A_185 = arith.constant 0 : i32
    %dma_wait3A_186 = arith.constant 0 : i32
    %dma_wait3A_187 = tpu.memref_slice %arg7[%dma_wait3A_185, %dma_wait3A_186] : memref<10240x128xf32, #tpu.memory_space<vmem_shared>> -> memref<128x128xf32, #tpu.memory_space<vmem_shared>>
    %dma_wait3A_188 = arith.constant 0 : i32
    %dma_wait3A_189 = arith.constant 0 : i32
    %dma_wait3A_190 = tpu.memref_slice %arg7[%dma_wait3A_188, %dma_wait3A_189] : memref<10240x128xf32, #tpu.memory_space<vmem_shared>> -> memref<128x128xf32, #tpu.memory_space<vmem_shared>>
    tpu.wait_dma2 semaphore(%arg9 : memref<!tpu.dma_semaphore, #tpu.memory_space<semaphore_mem>>) src(%dma_wait3A_190 : memref<128x128xf32, #tpu.memory_space<vmem_shared>>) dst(%arg6 : memref<128x128xf32, #tpu.memory_space<vmem>>)
    %mul3A_191 = arith.constant 10240 : i32
    %mul3A_192 = arith.muli %arg0, %mul3A_191 : i32
    %mul3A_193 = arith.constant 640 : i32
    %mul3A_194 = arith.muli %arg1, %mul3A_193 : i32
    %add3A_195 = arith.addi %mul3A_192, %mul3A_194 : i32
    %add3A_196 = arith.constant 384 : i32
    %add3A_197 = arith.addi %add3A_195, %add3A_196 : i32
    %dma_start3A_198 = arith.constant 0 : i32
    %dma_start3A_199 = tpu.memref_slice %arg3[%add3A_197, %dma_start3A_198] : memref<20480x128xf32, #tpu.memory_space<hbm>> -> memref<128x128xf32, #tpu.memory_space<hbm>>
    %dma_start3A_200 = arith.constant 0 : i32
    %dma_start3A_201 = tpu.memref_slice %arg3[%add3A_197, %dma_start3A_200] : memref<20480x128xf32, #tpu.memory_space<hbm>> -> memref<128x128xf32, #tpu.memory_space<hbm>>
    tpu.enqueue_dma source(%arg6 : memref<128x128xf32, #tpu.memory_space<vmem>>) target(%dma_start3A_201 : memref<128x128xf32, #tpu.memory_space<hbm>>) target_semaphore(%arg11 : memref<!tpu.dma_semaphore, #tpu.memory_space<semaphore_mem>>)
    %dma_wait3A_202 = arith.constant 0 : i32
    %dma_wait3A_203 = arith.constant 0 : i32
    %dma_wait3A_204 = tpu.memref_slice %arg3[%dma_wait3A_202, %dma_wait3A_203] : memref<20480x128xf32, #tpu.memory_space<hbm>> -> memref<128x128xf32, #tpu.memory_space<hbm>>
    %dma_wait3A_205 = arith.constant 0 : i32
    %dma_wait3A_206 = arith.constant 0 : i32
    %dma_wait3A_207 = tpu.memref_slice %arg3[%dma_wait3A_205, %dma_wait3A_206] : memref<20480x128xf32, #tpu.memory_space<hbm>> -> memref<128x128xf32, #tpu.memory_space<hbm>>
    tpu.wait_dma2 semaphore(%arg10 : memref<!tpu.dma_semaphore, #tpu.memory_space<semaphore_mem>>) src(%arg5 : memref<128x128xf32, #tpu.memory_space<vmem>>) dst(%dma_wait3A_207 : memref<128x128xf32, #tpu.memory_space<hbm>>)
    %mul3A_208 = arith.constant 640 : i32
    %mul3A_209 = arith.muli %arg1, %mul3A_208 : i32
    %add3A_210 = arith.constant 512 : i32
    %add3A_211 = arith.addi %mul3A_209, %add3A_210 : i32
    %dma_start3A_212 = arith.constant 0 : i32
    %dma_start3A_213 = tpu.memref_slice %arg7[%add3A_211, %dma_start3A_212] : memref<10240x128xf32, #tpu.memory_space<vmem_shared>> -> memref<128x128xf32, #tpu.memory_space<vmem_shared>>
    %dma_start3A_214 = arith.constant 0 : i32
    %dma_start3A_215 = tpu.memref_slice %arg7[%add3A_211, %dma_start3A_214] : memref<10240x128xf32, #tpu.memory_space<vmem_shared>> -> memref<128x128xf32, #tpu.memory_space<vmem_shared>>
    tpu.enqueue_dma source(%dma_start3A_215 : memref<128x128xf32, #tpu.memory_space<vmem_shared>>) target(%arg5 : memref<128x128xf32, #tpu.memory_space<vmem>>) target_semaphore(%arg8 : memref<!tpu.dma_semaphore, #tpu.memory_space<semaphore_mem>>)
    %dma_wait3A_216 = arith.constant 0 : i32
    %dma_wait3A_217 = arith.constant 0 : i32
    %dma_wait3A_218 = tpu.memref_slice %arg7[%dma_wait3A_216, %dma_wait3A_217] : memref<10240x128xf32, #tpu.memory_space<vmem_shared>> -> memref<128x128xf32, #tpu.memory_space<vmem_shared>>
    %dma_wait3A_219 = arith.constant 0 : i32
    %dma_wait3A_220 = arith.constant 0 : i32
    %dma_wait3A_221 = tpu.memref_slice %arg7[%dma_wait3A_219, %dma_wait3A_220] : memref<10240x128xf32, #tpu.memory_space<vmem_shared>> -> memref<128x128xf32, #tpu.memory_space<vmem_shared>>
    tpu.wait_dma2 semaphore(%arg8 : memref<!tpu.dma_semaphore, #tpu.memory_space<semaphore_mem>>) src(%dma_wait3A_221 : memref<128x128xf32, #tpu.memory_space<vmem_shared>>) dst(%arg5 : memref<128x128xf32, #tpu.memory_space<vmem>>)
    %mul3A_222 = arith.constant 10240 : i32
    %mul3A_223 = arith.muli %arg0, %mul3A_222 : i32
    %mul3A_224 = arith.constant 640 : i32
    %mul3A_225 = arith.muli %arg1, %mul3A_224 : i32
    %add3A_226 = arith.addi %mul3A_223, %mul3A_225 : i32
    %add3A_227 = arith.constant 512 : i32
    %add3A_228 = arith.addi %add3A_226, %add3A_227 : i32
    %dma_start3A_229 = arith.constant 0 : i32
    %dma_start3A_230 = tpu.memref_slice %arg3[%add3A_228, %dma_start3A_229] : memref<20480x128xf32, #tpu.memory_space<hbm>> -> memref<128x128xf32, #tpu.memory_space<hbm>>
    %dma_start3A_231 = arith.constant 0 : i32
    %dma_start3A_232 = tpu.memref_slice %arg3[%add3A_228, %dma_start3A_231] : memref<20480x128xf32, #tpu.memory_space<hbm>> -> memref<128x128xf32, #tpu.memory_space<hbm>>
    tpu.enqueue_dma source(%arg5 : memref<128x128xf32, #tpu.memory_space<vmem>>) target(%dma_start3A_232 : memref<128x128xf32, #tpu.memory_space<hbm>>) target_semaphore(%arg10 : memref<!tpu.dma_semaphore, #tpu.memory_space<semaphore_mem>>)
    %dma_wait3A_233 = arith.constant 0 : i32
    %dma_wait3A_234 = arith.constant 0 : i32
    %dma_wait3A_235 = tpu.memref_slice %arg3[%dma_wait3A_233, %dma_wait3A_234] : memref<20480x128xf32, #tpu.memory_space<hbm>> -> memref<128x128xf32, #tpu.memory_space<hbm>>
    %dma_wait3A_236 = arith.constant 0 : i32
    %dma_wait3A_237 = arith.constant 0 : i32
    %dma_wait3A_238 = tpu.memref_slice %arg3[%dma_wait3A_236, %dma_wait3A_237] : memref<20480x128xf32, #tpu.memory_space<hbm>> -> memref<128x128xf32, #tpu.memory_space<hbm>>
    tpu.wait_dma2 semaphore(%arg11 : memref<!tpu.dma_semaphore, #tpu.memory_space<semaphore_mem>>) src(%arg6 : memref<128x128xf32, #tpu.memory_space<vmem>>) dst(%dma_wait3A_238 : memref<128x128xf32, #tpu.memory_space<hbm>>)
    %dma_wait3A_239 = arith.constant 0 : i32
    %dma_wait3A_240 = arith.constant 0 : i32
    %dma_wait3A_241 = tpu.memref_slice %arg3[%dma_wait3A_239, %dma_wait3A_240] : memref<20480x128xf32, #tpu.memory_space<hbm>> -> memref<128x128xf32, #tpu.memory_space<hbm>>
    %dma_wait3A_242 = arith.constant 0 : i32
    %dma_wait3A_243 = arith.constant 0 : i32
    %dma_wait3A_244 = tpu.memref_slice %arg3[%dma_wait3A_242, %dma_wait3A_243] : memref<20480x128xf32, #tpu.memory_space<hbm>> -> memref<128x128xf32, #tpu.memory_space<hbm>>
    tpu.wait_dma2 semaphore(%arg10 : memref<!tpu.dma_semaphore, #tpu.memory_space<semaphore_mem>>) src(%arg5 : memref<128x128xf32, #tpu.memory_space<vmem>>) dst(%dma_wait3A_244 : memref<128x128xf32, #tpu.memory_space<hbm>>)
    return
  }
}

#map = affine_map<(d0, d1) -> (0, 0)>
#map1 = affine_map<(d0, d1) -> (0)>
module attributes {stable_mosaic.version = 14 : i64} {
  func.func @_scatter_kernel(%arg0: i32, %arg1: i32, %arg2: memref<10000x128xf32, #tpu.memory_space<hbm>>, %arg3: memref<2560x128xi32, #tpu.memory_space<hbm>>, %arg4: memref<327680xi32, #tpu.memory_space<hbm>>, %arg5: memref<20480x128xf32, #tpu.memory_space<hbm>>, %arg6: memref<80x128xi32, #tpu.memory_space<vmem>>, %arg7: memref<128xi32, #tpu.memory_space<vmem>>, %arg8: memref<128xi32, #tpu.memory_space<vmem>>, %arg9: memref<128x128xf32, #tpu.memory_space<vmem>>, %arg10: memref<128x128xf32, #tpu.memory_space<vmem>>, %arg11: memref<10240x128xf32, #tpu.memory_space<vmem_shared>>, %arg12: memref<!tpu.dma_semaphore, #tpu.memory_space<semaphore_mem>>, %arg13: memref<!tpu.dma_semaphore, #tpu.memory_space<semaphore_mem>>, %arg14: memref<!tpu.dma_semaphore, #tpu.memory_space<semaphore_mem>>, %arg15: memref<!tpu.dma_semaphore, #tpu.memory_space<semaphore_mem>>) attributes {dimension_semantics = [#tpu.dimension_semantics<core_parallel>, #tpu.dimension_semantics<subcore_parallel>], iteration_bounds = array<i64: 2, 16>, scalar_prefetch = 0 : i64, scratch_operands = 10 : i64, tpu.core_type = #tpu.core_type<sc_vector_subcore>, window_params = [{transform_indices = #map}, {transform_indices = #map}, {transform_indices = #map1}, {transform_indices = #map}]} {
    %mul3A = arith.constant 16 : i32
    %mul3A_0 = arith.muli %arg0, %mul3A : i32
    %add3A = arith.addi %mul3A_0, %arg1 : i32
    %scan3A = arith.constant 0 : i32
    %scan3A_1 = arith.constant 0 : i32
    %scan3A_2 = arith.constant 128 : i32
    %scan3A_3 = arith.addi %scan3A_1, %scan3A_2 : i32
    %scan3A_4 = arith.constant 1 : i32
    %scan3A_5 = scf.for %scan3A_282 = %scan3A_1 to %scan3A_3 step %scan3A_4 iter_args(%scan3A_283 = %scan3A) -> (i32)  : i32 {
      %broadcast_in_dim3A = arith.constant 0.000000e+00 : f32
      %broadcast_in_dim3A_284 = vector.broadcast %broadcast_in_dim3A : f32 to vector<16xf32>
      %swap3A = arith.index_cast %scan3A_282 : i32 to index
      %swap3A_285 = arith.constant 0 : index
      %swap3A_286 = tpu.vector_load %arg10[%swap3A, %swap3A_285] {strides = array<i32>} : memref<128x128xf32, #tpu.memory_space<vmem>>, vector<1x16xf32>,
      %swap3A_287 = vector.shape_cast %swap3A_286 : vector<1x16xf32> to vector<16xf32>
      %swap3A_288 = vector.shape_cast %broadcast_in_dim3A_284 : vector<16xf32> to vector<1x16xf32>
      tpu.vector_store %arg10[%swap3A, %swap3A_285], %swap3A_288 {strides = array<i32>} : memref<128x128xf32, #tpu.memory_space<vmem>>, vector<1x16xf32>,
      %broadcast_in_dim3A_289 = arith.constant 0.000000e+00 : f32
      %broadcast_in_dim3A_290 = vector.broadcast %broadcast_in_dim3A_289 : f32 to vector<16xf32>
      %swap3A_291 = arith.index_cast %scan3A_282 : i32 to index
      %swap3A_292 = arith.constant 16 : index
      %swap3A_293 = tpu.vector_load %arg10[%swap3A_291, %swap3A_292] {strides = array<i32>} : memref<128x128xf32, #tpu.memory_space<vmem>>, vector<1x16xf32>,
      %swap3A_294 = vector.shape_cast %swap3A_293 : vector<1x16xf32> to vector<16xf32>
      %swap3A_295 = vector.shape_cast %broadcast_in_dim3A_290 : vector<16xf32> to vector<1x16xf32>
      tpu.vector_store %arg10[%swap3A_291, %swap3A_292], %swap3A_295 {strides = array<i32>} : memref<128x128xf32, #tpu.memory_space<vmem>>, vector<1x16xf32>,
      %broadcast_in_dim3A_296 = arith.constant 0.000000e+00 : f32
      %broadcast_in_dim3A_297 = vector.broadcast %broadcast_in_dim3A_296 : f32 to vector<16xf32>
      %swap3A_298 = arith.index_cast %scan3A_282 : i32 to index
      %swap3A_299 = arith.constant 32 : index
      %swap3A_300 = tpu.vector_load %arg10[%swap3A_298, %swap3A_299] {strides = array<i32>} : memref<128x128xf32, #tpu.memory_space<vmem>>, vector<1x16xf32>,
      %swap3A_301 = vector.shape_cast %swap3A_300 : vector<1x16xf32> to vector<16xf32>
      %swap3A_302 = vector.shape_cast %broadcast_in_dim3A_297 : vector<16xf32> to vector<1x16xf32>
      tpu.vector_store %arg10[%swap3A_298, %swap3A_299], %swap3A_302 {strides = array<i32>} : memref<128x128xf32, #tpu.memory_space<vmem>>, vector<1x16xf32>,
      %broadcast_in_dim3A_303 = arith.constant 0.000000e+00 : f32
      %broadcast_in_dim3A_304 = vector.broadcast %broadcast_in_dim3A_303 : f32 to vector<16xf32>
      %swap3A_305 = arith.index_cast %scan3A_282 : i32 to index
      %swap3A_306 = arith.constant 48 : index
      %swap3A_307 = tpu.vector_load %arg10[%swap3A_305, %swap3A_306] {strides = array<i32>} : memref<128x128xf32, #tpu.memory_space<vmem>>, vector<1x16xf32>,
      %swap3A_308 = vector.shape_cast %swap3A_307 : vector<1x16xf32> to vector<16xf32>
      %swap3A_309 = vector.shape_cast %broadcast_in_dim3A_304 : vector<16xf32> to vector<1x16xf32>
      tpu.vector_store %arg10[%swap3A_305, %swap3A_306], %swap3A_309 {strides = array<i32>} : memref<128x128xf32, #tpu.memory_space<vmem>>, vector<1x16xf32>,
      %broadcast_in_dim3A_310 = arith.constant 0.000000e+00 : f32
      %broadcast_in_dim3A_311 = vector.broadcast %broadcast_in_dim3A_310 : f32 to vector<16xf32>
      %swap3A_312 = arith.index_cast %scan3A_282 : i32 to index
      %swap3A_313 = arith.constant 64 : index
      %swap3A_314 = tpu.vector_load %arg10[%swap3A_312, %swap3A_313] {strides = array<i32>} : memref<128x128xf32, #tpu.memory_space<vmem>>, vector<1x16xf32>,
      %swap3A_315 = vector.shape_cast %swap3A_314 : vector<1x16xf32> to vector<16xf32>
      %swap3A_316 = vector.shape_cast %broadcast_in_dim3A_311 : vector<16xf32> to vector<1x16xf32>
      tpu.vector_store %arg10[%swap3A_312, %swap3A_313], %swap3A_316 {strides = array<i32>} : memref<128x128xf32, #tpu.memory_space<vmem>>, vector<1x16xf32>,
      %broadcast_in_dim3A_317 = arith.constant 0.000000e+00 : f32
      %broadcast_in_dim3A_318 = vector.broadcast %broadcast_in_dim3A_317 : f32 to vector<16xf32>
      %swap3A_319 = arith.index_cast %scan3A_282 : i32 to index
      %swap3A_320 = arith.constant 80 : index
      %swap3A_321 = tpu.vector_load %arg10[%swap3A_319, %swap3A_320] {strides = array<i32>} : memref<128x128xf32, #tpu.memory_space<vmem>>, vector<1x16xf32>,
      %swap3A_322 = vector.shape_cast %swap3A_321 : vector<1x16xf32> to vector<16xf32>
      %swap3A_323 = vector.shape_cast %broadcast_in_dim3A_318 : vector<16xf32> to vector<1x16xf32>
      tpu.vector_store %arg10[%swap3A_319, %swap3A_320], %swap3A_323 {strides = array<i32>} : memref<128x128xf32, #tpu.memory_space<vmem>>, vector<1x16xf32>,
      %broadcast_in_dim3A_324 = arith.constant 0.000000e+00 : f32
      %broadcast_in_dim3A_325 = vector.broadcast %broadcast_in_dim3A_324 : f32 to vector<16xf32>
      %swap3A_326 = arith.index_cast %scan3A_282 : i32 to index
      %swap3A_327 = arith.constant 96 : index
      %swap3A_328 = tpu.vector_load %arg10[%swap3A_326, %swap3A_327] {strides = array<i32>} : memref<128x128xf32, #tpu.memory_space<vmem>>, vector<1x16xf32>,
      %swap3A_329 = vector.shape_cast %swap3A_328 : vector<1x16xf32> to vector<16xf32>
      %swap3A_330 = vector.shape_cast %broadcast_in_dim3A_325 : vector<16xf32> to vector<1x16xf32>
      tpu.vector_store %arg10[%swap3A_326, %swap3A_327], %swap3A_330 {strides = array<i32>} : memref<128x128xf32, #tpu.memory_space<vmem>>, vector<1x16xf32>,
      %broadcast_in_dim3A_331 = arith.constant 0.000000e+00 : f32
      %broadcast_in_dim3A_332 = vector.broadcast %broadcast_in_dim3A_331 : f32 to vector<16xf32>
      %swap3A_333 = arith.index_cast %scan3A_282 : i32 to index
      %swap3A_334 = arith.constant 112 : index
      %swap3A_335 = tpu.vector_load %arg10[%swap3A_333, %swap3A_334] {strides = array<i32>} : memref<128x128xf32, #tpu.memory_space<vmem>>, vector<1x16xf32>,
      %swap3A_336 = vector.shape_cast %swap3A_335 : vector<1x16xf32> to vector<16xf32>
      %swap3A_337 = vector.shape_cast %broadcast_in_dim3A_332 : vector<16xf32> to vector<1x16xf32>
      tpu.vector_store %arg10[%swap3A_333, %swap3A_334], %swap3A_337 {strides = array<i32>} : memref<128x128xf32, #tpu.memory_space<vmem>>, vector<1x16xf32>,
      %scan3A_338 = arith.constant 0 : i32
      scf.yield %scan3A_338 : i32
    }
    %scan3A_6 = arith.constant 128 : i32
    %mul3A_7 = arith.constant 80 : i32
    %mul3A_8 = arith.muli %add3A, %mul3A_7 : i32
    "tpu.region"() ({
      %run_scoped3A = tpu.sem_alloc : memref<!tpu.dma_semaphore, #tpu.memory_space<semaphore_mem>>
      %dma_start3A_282 = arith.constant 0 : i32
      %dma_start3A_283 = tpu.memref_slice %arg3[%mul3A_8, %dma_start3A_282] : memref<2560x128xi32, #tpu.memory_space<hbm>> -> memref<80x128xi32, #tpu.memory_space<hbm>>
      %dma_start3A_284 = arith.constant 0 : i32
      %dma_start3A_285 = tpu.memref_slice %arg3[%mul3A_8, %dma_start3A_284] : memref<2560x128xi32, #tpu.memory_space<hbm>> -> memref<80x128xi32, #tpu.memory_space<hbm>>
      tpu.enqueue_dma source(%dma_start3A_285 : memref<80x128xi32, #tpu.memory_space<hbm>>) target(%arg6 : memref<80x128xi32, #tpu.memory_space<vmem>>) target_semaphore(%run_scoped3A : memref<!tpu.dma_semaphore, #tpu.memory_space<semaphore_mem>>)
      %dma_wait3A_286 = arith.constant 0 : i32
      %dma_wait3A_287 = tpu.memref_slice %arg3[%mul3A_8, %dma_wait3A_286] : memref<2560x128xi32, #tpu.memory_space<hbm>> -> memref<80x128xi32, #tpu.memory_space<hbm>>
      %dma_wait3A_288 = arith.constant 0 : i32
      %dma_wait3A_289 = tpu.memref_slice %arg3[%mul3A_8, %dma_wait3A_288] : memref<2560x128xi32, #tpu.memory_space<hbm>> -> memref<80x128xi32, #tpu.memory_space<hbm>>
      tpu.wait_dma2 semaphore(%run_scoped3A : memref<!tpu.dma_semaphore, #tpu.memory_space<semaphore_mem>>) src(%dma_wait3A_289 : memref<80x128xi32, #tpu.memory_space<hbm>>) dst(%arg6 : memref<80x128xi32, #tpu.memory_space<vmem>>)
      tpu.yield
    }) : () -> ()
    %dma_start3A = arith.constant 0 : i32
    %dma_start3A_9 = arith.constant 0 : i32
    %dma_start3A_10 = tpu.memref_slice %arg6[%dma_start3A, %dma_start3A_9] : memref<80x128xi32, #tpu.memory_space<vmem>> -> memref<1x128xi32, #tpu.memory_space<vmem>>
    %dma_start3A_11 = tpu.memref_squeeze %dma_start3A_10 : memref<1x128xi32, #tpu.memory_space<vmem>> -> memref<128xi32, #tpu.memory_space<vmem>>
    %dma_start3A_12 = arith.constant 0 : i32
    %dma_start3A_13 = arith.constant 0 : i32
    %dma_start3A_14 = tpu.memref_slice %arg2[%dma_start3A_12, %dma_start3A_13] : memref<10000x128xf32, #tpu.memory_space<hbm>> -> memref<10000x128xf32, #tpu.memory_space<hbm>>
    tpu.enqueue_indirect_dma source(%dma_start3A_14 : memref<10000x128xf32, #tpu.memory_space<hbm>>) target(%arg9 : memref<128x128xf32, #tpu.memory_space<vmem>>) offsets(%dma_start3A_11 : memref<128xi32, #tpu.memory_space<vmem>>) semaphore(%arg12 : memref<!tpu.dma_semaphore, #tpu.memory_space<semaphore_mem>>)
    %mul3A_15 = arith.constant 10240 : i32
    %mul3A_16 = arith.muli %add3A, %mul3A_15 : i32
    %dma_start3A_17 = tpu.memref_slice %arg4[%mul3A_16] : memref<327680xi32, #tpu.memory_space<hbm>> -> memref<128xi32, #tpu.memory_space<hbm>>
    %dma_start3A_18 = tpu.memref_slice %arg4[%mul3A_16] : memref<327680xi32, #tpu.memory_space<hbm>> -> memref<128xi32, #tpu.memory_space<hbm>>
    tpu.enqueue_dma source(%dma_start3A_18 : memref<128xi32, #tpu.memory_space<hbm>>) target(%arg7 : memref<128xi32, #tpu.memory_space<vmem>>) target_semaphore(%arg14 : memref<!tpu.dma_semaphore, #tpu.memory_space<semaphore_mem>>)
    %mul3A_19 = arith.constant 640 : i32
    %mul3A_20 = arith.muli %arg1, %mul3A_19 : i32
    %add3A_21 = arith.constant 0 : i32
    %add3A_22 = arith.addi %mul3A_20, %add3A_21 : i32
    %dma_start3A_23 = arith.constant 0 : i32
    %dma_start3A_24 = tpu.memref_slice %arg11[%add3A_22, %dma_start3A_23] : memref<10240x128xf32, #tpu.memory_space<vmem_shared>> -> memref<128x128xf32, #tpu.memory_space<vmem_shared>>
    %dma_start3A_25 = arith.constant 0 : i32
    %dma_start3A_26 = tpu.memref_slice %arg11[%add3A_22, %dma_start3A_25] : memref<10240x128xf32, #tpu.memory_space<vmem_shared>> -> memref<128x128xf32, #tpu.memory_space<vmem_shared>>
    tpu.enqueue_dma source(%arg10 : memref<128x128xf32, #tpu.memory_space<vmem>>) target(%dma_start3A_26 : memref<128x128xf32, #tpu.memory_space<vmem_shared>>) target_semaphore(%arg15 : memref<!tpu.dma_semaphore, #tpu.memory_space<semaphore_mem>>)
    %mul3A_27 = arith.constant 640 : i32
    %mul3A_28 = arith.muli %arg1, %mul3A_27 : i32
    %add3A_29 = arith.constant 128 : i32
    %add3A_30 = arith.addi %mul3A_28, %add3A_29 : i32
    %dma_start3A_31 = arith.constant 0 : i32
    %dma_start3A_32 = tpu.memref_slice %arg11[%add3A_30, %dma_start3A_31] : memref<10240x128xf32, #tpu.memory_space<vmem_shared>> -> memref<128x128xf32, #tpu.memory_space<vmem_shared>>
    %dma_start3A_33 = arith.constant 0 : i32
    %dma_start3A_34 = tpu.memref_slice %arg11[%add3A_30, %dma_start3A_33] : memref<10240x128xf32, #tpu.memory_space<vmem_shared>> -> memref<128x128xf32, #tpu.memory_space<vmem_shared>>
    tpu.enqueue_dma source(%arg10 : memref<128x128xf32, #tpu.memory_space<vmem>>) target(%dma_start3A_34 : memref<128x128xf32, #tpu.memory_space<vmem_shared>>) target_semaphore(%arg15 : memref<!tpu.dma_semaphore, #tpu.memory_space<semaphore_mem>>)
    %mul3A_35 = arith.constant 640 : i32
    %mul3A_36 = arith.muli %arg1, %mul3A_35 : i32
    %add3A_37 = arith.constant 256 : i32
    %add3A_38 = arith.addi %mul3A_36, %add3A_37 : i32
    %dma_start3A_39 = arith.constant 0 : i32
    %dma_start3A_40 = tpu.memref_slice %arg11[%add3A_38, %dma_start3A_39] : memref<10240x128xf32, #tpu.memory_space<vmem_shared>> -> memref<128x128xf32, #tpu.memory_space<vmem_shared>>
    %dma_start3A_41 = arith.constant 0 : i32
    %dma_start3A_42 = tpu.memref_slice %arg11[%add3A_38, %dma_start3A_41] : memref<10240x128xf32, #tpu.memory_space<vmem_shared>> -> memref<128x128xf32, #tpu.memory_space<vmem_shared>>
    tpu.enqueue_dma source(%arg10 : memref<128x128xf32, #tpu.memory_space<vmem>>) target(%dma_start3A_42 : memref<128x128xf32, #tpu.memory_space<vmem_shared>>) target_semaphore(%arg15 : memref<!tpu.dma_semaphore, #tpu.memory_space<semaphore_mem>>)
    %mul3A_43 = arith.constant 640 : i32
    %mul3A_44 = arith.muli %arg1, %mul3A_43 : i32
    %add3A_45 = arith.constant 384 : i32
    %add3A_46 = arith.addi %mul3A_44, %add3A_45 : i32
    %dma_start3A_47 = arith.constant 0 : i32
    %dma_start3A_48 = tpu.memref_slice %arg11[%add3A_46, %dma_start3A_47] : memref<10240x128xf32, #tpu.memory_space<vmem_shared>> -> memref<128x128xf32, #tpu.memory_space<vmem_shared>>
    %dma_start3A_49 = arith.constant 0 : i32
    %dma_start3A_50 = tpu.memref_slice %arg11[%add3A_46, %dma_start3A_49] : memref<10240x128xf32, #tpu.memory_space<vmem_shared>> -> memref<128x128xf32, #tpu.memory_space<vmem_shared>>
    tpu.enqueue_dma source(%arg10 : memref<128x128xf32, #tpu.memory_space<vmem>>) target(%dma_start3A_50 : memref<128x128xf32, #tpu.memory_space<vmem_shared>>) target_semaphore(%arg15 : memref<!tpu.dma_semaphore, #tpu.memory_space<semaphore_mem>>)
    %mul3A_51 = arith.constant 640 : i32
    %mul3A_52 = arith.muli %arg1, %mul3A_51 : i32
    %add3A_53 = arith.constant 512 : i32
    %add3A_54 = arith.addi %mul3A_52, %add3A_53 : i32
    %dma_start3A_55 = arith.constant 0 : i32
    %dma_start3A_56 = tpu.memref_slice %arg11[%add3A_54, %dma_start3A_55] : memref<10240x128xf32, #tpu.memory_space<vmem_shared>> -> memref<128x128xf32, #tpu.memory_space<vmem_shared>>
    %dma_start3A_57 = arith.constant 0 : i32
    %dma_start3A_58 = tpu.memref_slice %arg11[%add3A_54, %dma_start3A_57] : memref<10240x128xf32, #tpu.memory_space<vmem_shared>> -> memref<128x128xf32, #tpu.memory_space<vmem_shared>>
    tpu.enqueue_dma source(%arg10 : memref<128x128xf32, #tpu.memory_space<vmem>>) target(%dma_start3A_58 : memref<128x128xf32, #tpu.memory_space<vmem_shared>>) target_semaphore(%arg15 : memref<!tpu.dma_semaphore, #tpu.memory_space<semaphore_mem>>)
    %dma_wait3A = arith.constant 0 : i32
    %dma_wait3A_59 = arith.constant 0 : i32
    %dma_wait3A_60 = tpu.memref_slice %arg11[%dma_wait3A, %dma_wait3A_59] : memref<10240x128xf32, #tpu.memory_space<vmem_shared>> -> memref<128x128xf32, #tpu.memory_space<vmem_shared>>
    %dma_wait3A_61 = arith.constant 0 : i32
    %dma_wait3A_62 = arith.constant 0 : i32
    %dma_wait3A_63 = tpu.memref_slice %arg11[%dma_wait3A_61, %dma_wait3A_62] : memref<10240x128xf32, #tpu.memory_space<vmem_shared>> -> memref<128x128xf32, #tpu.memory_space<vmem_shared>>
    tpu.wait_dma2 semaphore(%arg15 : memref<!tpu.dma_semaphore, #tpu.memory_space<semaphore_mem>>) src(%arg10 : memref<128x128xf32, #tpu.memory_space<vmem>>) dst(%dma_wait3A_63 : memref<128x128xf32, #tpu.memory_space<vmem_shared>>)
    %dma_wait3A_64 = arith.constant 0 : i32
    %dma_wait3A_65 = arith.constant 0 : i32
    %dma_wait3A_66 = tpu.memref_slice %arg11[%dma_wait3A_64, %dma_wait3A_65] : memref<10240x128xf32, #tpu.memory_space<vmem_shared>> -> memref<128x128xf32, #tpu.memory_space<vmem_shared>>
    %dma_wait3A_67 = arith.constant 0 : i32
    %dma_wait3A_68 = arith.constant 0 : i32
    %dma_wait3A_69 = tpu.memref_slice %arg11[%dma_wait3A_67, %dma_wait3A_68] : memref<10240x128xf32, #tpu.memory_space<vmem_shared>> -> memref<128x128xf32, #tpu.memory_space<vmem_shared>>
    tpu.wait_dma2 semaphore(%arg15 : memref<!tpu.dma_semaphore, #tpu.memory_space<semaphore_mem>>) src(%arg10 : memref<128x128xf32, #tpu.memory_space<vmem>>) dst(%dma_wait3A_69 : memref<128x128xf32, #tpu.memory_space<vmem_shared>>)
    %dma_wait3A_70 = arith.constant 0 : i32
    %dma_wait3A_71 = arith.constant 0 : i32
    %dma_wait3A_72 = tpu.memref_slice %arg11[%dma_wait3A_70, %dma_wait3A_71] : memref<10240x128xf32, #tpu.memory_space<vmem_shared>> -> memref<128x128xf32, #tpu.memory_space<vmem_shared>>
    %dma_wait3A_73 = arith.constant 0 : i32
    %dma_wait3A_74 = arith.constant 0 : i32
    %dma_wait3A_75 = tpu.memref_slice %arg11[%dma_wait3A_73, %dma_wait3A_74] : memref<10240x128xf32, #tpu.memory_space<vmem_shared>> -> memref<128x128xf32, #tpu.memory_space<vmem_shared>>
    tpu.wait_dma2 semaphore(%arg15 : memref<!tpu.dma_semaphore, #tpu.memory_space<semaphore_mem>>) src(%arg10 : memref<128x128xf32, #tpu.memory_space<vmem>>) dst(%dma_wait3A_75 : memref<128x128xf32, #tpu.memory_space<vmem_shared>>)
    %dma_wait3A_76 = arith.constant 0 : i32
    %dma_wait3A_77 = arith.constant 0 : i32
    %dma_wait3A_78 = tpu.memref_slice %arg11[%dma_wait3A_76, %dma_wait3A_77] : memref<10240x128xf32, #tpu.memory_space<vmem_shared>> -> memref<128x128xf32, #tpu.memory_space<vmem_shared>>
    %dma_wait3A_79 = arith.constant 0 : i32
    %dma_wait3A_80 = arith.constant 0 : i32
    %dma_wait3A_81 = tpu.memref_slice %arg11[%dma_wait3A_79, %dma_wait3A_80] : memref<10240x128xf32, #tpu.memory_space<vmem_shared>> -> memref<128x128xf32, #tpu.memory_space<vmem_shared>>
    tpu.wait_dma2 semaphore(%arg15 : memref<!tpu.dma_semaphore, #tpu.memory_space<semaphore_mem>>) src(%arg10 : memref<128x128xf32, #tpu.memory_space<vmem>>) dst(%dma_wait3A_81 : memref<128x128xf32, #tpu.memory_space<vmem_shared>>)
    %dma_wait3A_82 = arith.constant 0 : i32
    %dma_wait3A_83 = arith.constant 0 : i32
    %dma_wait3A_84 = tpu.memref_slice %arg11[%dma_wait3A_82, %dma_wait3A_83] : memref<10240x128xf32, #tpu.memory_space<vmem_shared>> -> memref<128x128xf32, #tpu.memory_space<vmem_shared>>
    %dma_wait3A_85 = arith.constant 0 : i32
    %dma_wait3A_86 = arith.constant 0 : i32
    %dma_wait3A_87 = tpu.memref_slice %arg11[%dma_wait3A_85, %dma_wait3A_86] : memref<10240x128xf32, #tpu.memory_space<vmem_shared>> -> memref<128x128xf32, #tpu.memory_space<vmem_shared>>
    tpu.wait_dma2 semaphore(%arg15 : memref<!tpu.dma_semaphore, #tpu.memory_space<semaphore_mem>>) src(%arg10 : memref<128x128xf32, #tpu.memory_space<vmem>>) dst(%dma_wait3A_87 : memref<128x128xf32, #tpu.memory_space<vmem_shared>>)
    %barrier3A = arith.constant 0 : index
    tpu.barrier barrier_id(%barrier3A)
    %scan3A_88 = arith.constant 0 : i32
    %scan3A_89 = arith.constant 0 : i32
    %scan3A_90 = arith.constant 39 : i32
    %scan3A_91 = arith.addi %scan3A_89, %scan3A_90 : i32
    %scan3A_92 = arith.constant 1 : i32
    %scan3A_93 = scf.for %scan3A_282 = %scan3A_89 to %scan3A_91 step %scan3A_92 iter_args(%scan3A_283 = %scan3A_88) -> (i32)  : i32 {
      %mul3A_284 = arith.constant 10240 : i32
      %mul3A_285 = arith.muli %add3A, %mul3A_284 : i32
      %mul3A_286 = arith.constant 2 : i32
      %mul3A_287 = arith.muli %mul3A_286, %scan3A_282 : i32
      %add3A_288 = arith.constant 1 : i32
      %add3A_289 = arith.addi %mul3A_287, %add3A_288 : i32
      %dma_start3A_290 = arith.constant 0 : i32
      %dma_start3A_291 = tpu.memref_slice %arg6[%add3A_289, %dma_start3A_290] : memref<80x128xi32, #tpu.memory_space<vmem>> -> memref<1x128xi32, #tpu.memory_space<vmem>>
      %dma_start3A_292 = tpu.memref_squeeze %dma_start3A_291 : memref<1x128xi32, #tpu.memory_space<vmem>> -> memref<128xi32, #tpu.memory_space<vmem>>
      %dma_start3A_293 = arith.constant 0 : i32
      %dma_start3A_294 = arith.constant 0 : i32
      %dma_start3A_295 = tpu.memref_slice %arg2[%dma_start3A_293, %dma_start3A_294] : memref<10000x128xf32, #tpu.memory_space<hbm>> -> memref<10000x128xf32, #tpu.memory_space<hbm>>
      tpu.enqueue_indirect_dma source(%dma_start3A_295 : memref<10000x128xf32, #tpu.memory_space<hbm>>) target(%arg10 : memref<128x128xf32, #tpu.memory_space<vmem>>) offsets(%dma_start3A_292 : memref<128xi32, #tpu.memory_space<vmem>>) semaphore(%arg13 : memref<!tpu.dma_semaphore, #tpu.memory_space<semaphore_mem>>)
      %mul3A_296 = arith.constant 2 : i32
      %mul3A_297 = arith.muli %mul3A_296, %scan3A_282 : i32
      %add3A_298 = arith.constant 1 : i32
      %add3A_299 = arith.addi %mul3A_297, %add3A_298 : i32
      %mul3A_300 = arith.constant 128 : i32
      %mul3A_301 = arith.muli %add3A_299, %mul3A_300 : i32
      %add3A_302 = arith.addi %mul3A_285, %mul3A_301 : i32
      %dma_start3A_303 = tpu.memref_slice %arg4[%add3A_302] : memref<327680xi32, #tpu.memory_space<hbm>> -> memref<128xi32, #tpu.memory_space<hbm>>
      %dma_start3A_304 = tpu.memref_slice %arg4[%add3A_302] : memref<327680xi32, #tpu.memory_space<hbm>> -> memref<128xi32, #tpu.memory_space<hbm>>
      tpu.enqueue_dma source(%dma_start3A_304 : memref<128xi32, #tpu.memory_space<hbm>>) target(%arg8 : memref<128xi32, #tpu.memory_space<vmem>>) target_semaphore(%arg15 : memref<!tpu.dma_semaphore, #tpu.memory_space<semaphore_mem>>)
      %dma_wait3A_305 = arith.constant 0 : i32
      %dma_wait3A_306 = arith.constant 0 : i32
      %dma_wait3A_307 = tpu.memref_slice %arg2[%dma_wait3A_305, %dma_wait3A_306] : memref<10000x128xf32, #tpu.memory_space<hbm>> -> memref<128x128xf32, #tpu.memory_space<hbm>>
      %dma_wait3A_308 = arith.constant 0 : i32
      %dma_wait3A_309 = arith.constant 0 : i32
      %dma_wait3A_310 = tpu.memref_slice %arg2[%dma_wait3A_308, %dma_wait3A_309] : memref<10000x128xf32, #tpu.memory_space<hbm>> -> memref<128x128xf32, #tpu.memory_space<hbm>>
      tpu.wait_dma2 semaphore(%arg12 : memref<!tpu.dma_semaphore, #tpu.memory_space<semaphore_mem>>) src(%dma_wait3A_310 : memref<128x128xf32, #tpu.memory_space<hbm>>) dst(%arg9 : memref<128x128xf32, #tpu.memory_space<vmem>>)
      %dma_wait3A_311 = arith.constant 0 : i32
      %dma_wait3A_312 = tpu.memref_slice %arg4[%dma_wait3A_311] : memref<327680xi32, #tpu.memory_space<hbm>> -> memref<128xi32, #tpu.memory_space<hbm>>
      %dma_wait3A_313 = arith.constant 0 : i32
      %dma_wait3A_314 = tpu.memref_slice %arg4[%dma_wait3A_313] : memref<327680xi32, #tpu.memory_space<hbm>> -> memref<128xi32, #tpu.memory_space<hbm>>
      tpu.wait_dma2 semaphore(%arg14 : memref<!tpu.dma_semaphore, #tpu.memory_space<semaphore_mem>>) src(%dma_wait3A_314 : memref<128xi32, #tpu.memory_space<hbm>>) dst(%arg7 : memref<128xi32, #tpu.memory_space<vmem>>)
      "tpu.region"() ({
        %run_scoped3A = tpu.sem_alloc : memref<!tpu.dma_semaphore, #tpu.memory_space<semaphore_mem>>
        %dma_start3A_345 = arith.constant 0 : i32
        %dma_start3A_346 = arith.constant 0 : i32
        %dma_start3A_347 = tpu.memref_slice %arg11[%dma_start3A_345, %dma_start3A_346] : memref<10240x128xf32, #tpu.memory_space<vmem_shared>> -> memref<10240x128xf32, #tpu.memory_space<vmem_shared>>
        tpu.enqueue_indirect_dma source(%arg9 : memref<128x128xf32, #tpu.memory_space<vmem>>) target(%dma_start3A_347 : memref<10240x128xf32, #tpu.memory_space<vmem_shared>>) offsets(%arg7 : memref<128xi32, #tpu.memory_space<vmem>>) semaphore(%run_scoped3A : memref<!tpu.dma_semaphore, #tpu.memory_space<semaphore_mem>>) {add = true}
        %dma_wait3A_348 = arith.constant 0 : i32
        %dma_wait3A_349 = arith.constant 0 : i32
        %dma_wait3A_350 = tpu.memref_slice %arg11[%dma_wait3A_348, %dma_wait3A_349] : memref<10240x128xf32, #tpu.memory_space<vmem_shared>> -> memref<10240x128xf32, #tpu.memory_space<vmem_shared>>
        tpu.wait_indirect_dma semaphore(%run_scoped3A : memref<!tpu.dma_semaphore, #tpu.memory_space<semaphore_mem>>) src(%arg9 : memref<128x128xf32, #tpu.memory_space<vmem>>) dst(%dma_wait3A_350 : memref<10240x128xf32, #tpu.memory_space<vmem_shared>>)
        tpu.yield
      }) : () -> ()
      %mul3A_315 = arith.constant 2 : i32
      %mul3A_316 = arith.muli %mul3A_315, %scan3A_282 : i32
      %add3A_317 = arith.constant 2 : i32
      %add3A_318 = arith.addi %mul3A_316, %add3A_317 : i32
      %dma_start3A_319 = arith.constant 0 : i32
      %dma_start3A_320 = tpu.memref_slice %arg6[%add3A_318, %dma_start3A_319] : memref<80x128xi32, #tpu.memory_space<vmem>> -> memref<1x128xi32, #tpu.memory_space<vmem>>
      %dma_start3A_321 = tpu.memref_squeeze %dma_start3A_320 : memref<1x128xi32, #tpu.memory_space<vmem>> -> memref<128xi32, #tpu.memory_space<vmem>>
      %dma_start3A_322 = arith.constant 0 : i32
      %dma_start3A_323 = arith.constant 0 : i32
      %dma_start3A_324 = tpu.memref_slice %arg2[%dma_start3A_322, %dma_start3A_323] : memref<10000x128xf32, #tpu.memory_space<hbm>> -> memref<10000x128xf32, #tpu.memory_space<hbm>>
      tpu.enqueue_indirect_dma source(%dma_start3A_324 : memref<10000x128xf32, #tpu.memory_space<hbm>>) target(%arg9 : memref<128x128xf32, #tpu.memory_space<vmem>>) offsets(%dma_start3A_321 : memref<128xi32, #tpu.memory_space<vmem>>) semaphore(%arg12 : memref<!tpu.dma_semaphore, #tpu.memory_space<semaphore_mem>>)
      %mul3A_325 = arith.constant 2 : i32
      %mul3A_326 = arith.muli %mul3A_325, %scan3A_282 : i32
      %add3A_327 = arith.constant 2 : i32
      %add3A_328 = arith.addi %mul3A_326, %add3A_327 : i32
      %mul3A_329 = arith.constant 128 : i32
      %mul3A_330 = arith.muli %add3A_328, %mul3A_329 : i32
      %add3A_331 = arith.addi %mul3A_285, %mul3A_330 : i32
      %dma_start3A_332 = tpu.memref_slice %arg4[%add3A_331] : memref<327680xi32, #tpu.memory_space<hbm>> -> memref<128xi32, #tpu.memory_space<hbm>>
      %dma_start3A_333 = tpu.memref_slice %arg4[%add3A_331] : memref<327680xi32, #tpu.memory_space<hbm>> -> memref<128xi32, #tpu.memory_space<hbm>>
      tpu.enqueue_dma source(%dma_start3A_333 : memref<128xi32, #tpu.memory_space<hbm>>) target(%arg7 : memref<128xi32, #tpu.memory_space<vmem>>) target_semaphore(%arg14 : memref<!tpu.dma_semaphore, #tpu.memory_space<semaphore_mem>>)
      %dma_wait3A_334 = arith.constant 0 : i32
      %dma_wait3A_335 = arith.constant 0 : i32
      %dma_wait3A_336 = tpu.memref_slice %arg2[%dma_wait3A_334, %dma_wait3A_335] : memref<10000x128xf32, #tpu.memory_space<hbm>> -> memref<128x128xf32, #tpu.memory_space<hbm>>
      %dma_wait3A_337 = arith.constant 0 : i32
      %dma_wait3A_338 = arith.constant 0 : i32
      %dma_wait3A_339 = tpu.memref_slice %arg2[%dma_wait3A_337, %dma_wait3A_338] : memref<10000x128xf32, #tpu.memory_space<hbm>> -> memref<128x128xf32, #tpu.memory_space<hbm>>
      tpu.wait_dma2 semaphore(%arg13 : memref<!tpu.dma_semaphore, #tpu.memory_space<semaphore_mem>>) src(%dma_wait3A_339 : memref<128x128xf32, #tpu.memory_space<hbm>>) dst(%arg10 : memref<128x128xf32, #tpu.memory_space<vmem>>)
      %dma_wait3A_340 = arith.constant 0 : i32
      %dma_wait3A_341 = tpu.memref_slice %arg4[%dma_wait3A_340] : memref<327680xi32, #tpu.memory_space<hbm>> -> memref<128xi32, #tpu.memory_space<hbm>>
      %dma_wait3A_342 = arith.constant 0 : i32
      %dma_wait3A_343 = tpu.memref_slice %arg4[%dma_wait3A_342] : memref<327680xi32, #tpu.memory_space<hbm>> -> memref<128xi32, #tpu.memory_space<hbm>>
      tpu.wait_dma2 semaphore(%arg15 : memref<!tpu.dma_semaphore, #tpu.memory_space<semaphore_mem>>) src(%dma_wait3A_343 : memref<128xi32, #tpu.memory_space<hbm>>) dst(%arg8 : memref<128xi32, #tpu.memory_space<vmem>>)
      "tpu.region"() ({
        %run_scoped3A = tpu.sem_alloc : memref<!tpu.dma_semaphore, #tpu.memory_space<semaphore_mem>>
        %dma_start3A_345 = arith.constant 0 : i32
        %dma_start3A_346 = arith.constant 0 : i32
        %dma_start3A_347 = tpu.memref_slice %arg11[%dma_start3A_345, %dma_start3A_346] : memref<10240x128xf32, #tpu.memory_space<vmem_shared>> -> memref<10240x128xf32, #tpu.memory_space<vmem_shared>>
        tpu.enqueue_indirect_dma source(%arg10 : memref<128x128xf32, #tpu.memory_space<vmem>>) target(%dma_start3A_347 : memref<10240x128xf32, #tpu.memory_space<vmem_shared>>) offsets(%arg8 : memref<128xi32, #tpu.memory_space<vmem>>) semaphore(%run_scoped3A : memref<!tpu.dma_semaphore, #tpu.memory_space<semaphore_mem>>) {add = true}
        %dma_wait3A_348 = arith.constant 0 : i32
        %dma_wait3A_349 = arith.constant 0 : i32
        %dma_wait3A_350 = tpu.memref_slice %arg11[%dma_wait3A_348, %dma_wait3A_349] : memref<10240x128xf32, #tpu.memory_space<vmem_shared>> -> memref<10240x128xf32, #tpu.memory_space<vmem_shared>>
        tpu.wait_indirect_dma semaphore(%run_scoped3A : memref<!tpu.dma_semaphore, #tpu.memory_space<semaphore_mem>>) src(%arg10 : memref<128x128xf32, #tpu.memory_space<vmem>>) dst(%dma_wait3A_350 : memref<10240x128xf32, #tpu.memory_space<vmem_shared>>)
        tpu.yield
      }) : () -> ()
      %scan3A_344 = arith.constant 0 : i32
      scf.yield %scan3A_344 : i32
    }
    %scan3A_94 = arith.constant 39 : i32
    %dma_start3A_95 = arith.constant 79 : i32
    %dma_start3A_96 = arith.constant 0 : i32
    %dma_start3A_97 = tpu.memref_slice %arg6[%dma_start3A_95, %dma_start3A_96] : memref<80x128xi32, #tpu.memory_space<vmem>> -> memref<1x128xi32, #tpu.memory_space<vmem>>
    %dma_start3A_98 = tpu.memref_squeeze %dma_start3A_97 : memref<1x128xi32, #tpu.memory_space<vmem>> -> memref<128xi32, #tpu.memory_space<vmem>>
    %dma_start3A_99 = arith.constant 0 : i32
    %dma_start3A_100 = arith.constant 0 : i32
    %dma_start3A_101 = tpu.memref_slice %arg2[%dma_start3A_99, %dma_start3A_100] : memref<10000x128xf32, #tpu.memory_space<hbm>> -> memref<10000x128xf32, #tpu.memory_space<hbm>>
    tpu.enqueue_indirect_dma source(%dma_start3A_101 : memref<10000x128xf32, #tpu.memory_space<hbm>>) target(%arg10 : memref<128x128xf32, #tpu.memory_space<vmem>>) offsets(%dma_start3A_98 : memref<128xi32, #tpu.memory_space<vmem>>) semaphore(%arg13 : memref<!tpu.dma_semaphore, #tpu.memory_space<semaphore_mem>>)
    %mul3A_102 = arith.constant 10240 : i32
    %mul3A_103 = arith.muli %add3A, %mul3A_102 : i32
    %add3A_104 = arith.constant 10112 : i32
    %add3A_105 = arith.addi %mul3A_103, %add3A_104 : i32
    %dma_start3A_106 = tpu.memref_slice %arg4[%add3A_105] : memref<327680xi32, #tpu.memory_space<hbm>> -> memref<128xi32, #tpu.memory_space<hbm>>
    %dma_start3A_107 = tpu.memref_slice %arg4[%add3A_105] : memref<327680xi32, #tpu.memory_space<hbm>> -> memref<128xi32, #tpu.memory_space<hbm>>
    tpu.enqueue_dma source(%dma_start3A_107 : memref<128xi32, #tpu.memory_space<hbm>>) target(%arg8 : memref<128xi32, #tpu.memory_space<vmem>>) target_semaphore(%arg15 : memref<!tpu.dma_semaphore, #tpu.memory_space<semaphore_mem>>)
    %dma_wait3A_108 = arith.constant 0 : i32
    %dma_wait3A_109 = arith.constant 0 : i32
    %dma_wait3A_110 = tpu.memref_slice %arg2[%dma_wait3A_108, %dma_wait3A_109] : memref<10000x128xf32, #tpu.memory_space<hbm>> -> memref<128x128xf32, #tpu.memory_space<hbm>>
    %dma_wait3A_111 = arith.constant 0 : i32
    %dma_wait3A_112 = arith.constant 0 : i32
    %dma_wait3A_113 = tpu.memref_slice %arg2[%dma_wait3A_111, %dma_wait3A_112] : memref<10000x128xf32, #tpu.memory_space<hbm>> -> memref<128x128xf32, #tpu.memory_space<hbm>>
    tpu.wait_dma2 semaphore(%arg12 : memref<!tpu.dma_semaphore, #tpu.memory_space<semaphore_mem>>) src(%dma_wait3A_113 : memref<128x128xf32, #tpu.memory_space<hbm>>) dst(%arg9 : memref<128x128xf32, #tpu.memory_space<vmem>>)
    %dma_wait3A_114 = arith.constant 0 : i32
    %dma_wait3A_115 = tpu.memref_slice %arg4[%dma_wait3A_114] : memref<327680xi32, #tpu.memory_space<hbm>> -> memref<128xi32, #tpu.memory_space<hbm>>
    %dma_wait3A_116 = arith.constant 0 : i32
    %dma_wait3A_117 = tpu.memref_slice %arg4[%dma_wait3A_116] : memref<327680xi32, #tpu.memory_space<hbm>> -> memref<128xi32, #tpu.memory_space<hbm>>
    tpu.wait_dma2 semaphore(%arg14 : memref<!tpu.dma_semaphore, #tpu.memory_space<semaphore_mem>>) src(%dma_wait3A_117 : memref<128xi32, #tpu.memory_space<hbm>>) dst(%arg7 : memref<128xi32, #tpu.memory_space<vmem>>)
    "tpu.region"() ({
      %run_scoped3A = tpu.sem_alloc : memref<!tpu.dma_semaphore, #tpu.memory_space<semaphore_mem>>
      %dma_start3A_282 = arith.constant 0 : i32
      %dma_start3A_283 = arith.constant 0 : i32
      %dma_start3A_284 = tpu.memref_slice %arg11[%dma_start3A_282, %dma_start3A_283] : memref<10240x128xf32, #tpu.memory_space<vmem_shared>> -> memref<10240x128xf32, #tpu.memory_space<vmem_shared>>
      tpu.enqueue_indirect_dma source(%arg9 : memref<128x128xf32, #tpu.memory_space<vmem>>) target(%dma_start3A_284 : memref<10240x128xf32, #tpu.memory_space<vmem_shared>>) offsets(%arg7 : memref<128xi32, #tpu.memory_space<vmem>>) semaphore(%run_scoped3A : memref<!tpu.dma_semaphore, #tpu.memory_space<semaphore_mem>>) {add = true}
      %dma_wait3A_285 = arith.constant 0 : i32
      %dma_wait3A_286 = arith.constant 0 : i32
      %dma_wait3A_287 = tpu.memref_slice %arg11[%dma_wait3A_285, %dma_wait3A_286] : memref<10240x128xf32, #tpu.memory_space<vmem_shared>> -> memref<10240x128xf32, #tpu.memory_space<vmem_shared>>
      tpu.wait_indirect_dma semaphore(%run_scoped3A : memref<!tpu.dma_semaphore, #tpu.memory_space<semaphore_mem>>) src(%arg9 : memref<128x128xf32, #tpu.memory_space<vmem>>) dst(%dma_wait3A_287 : memref<10240x128xf32, #tpu.memory_space<vmem_shared>>)
      tpu.yield
    }) : () -> ()
    %dma_wait3A_118 = arith.constant 0 : i32
    %dma_wait3A_119 = arith.constant 0 : i32
    %dma_wait3A_120 = tpu.memref_slice %arg2[%dma_wait3A_118, %dma_wait3A_119] : memref<10000x128xf32, #tpu.memory_space<hbm>> -> memref<128x128xf32, #tpu.memory_space<hbm>>
    %dma_wait3A_121 = arith.constant 0 : i32
    %dma_wait3A_122 = arith.constant 0 : i32
    %dma_wait3A_123 = tpu.memref_slice %arg2[%dma_wait3A_121, %dma_wait3A_122] : memref<10000x128xf32, #tpu.memory_space<hbm>> -> memref<128x128xf32, #tpu.memory_space<hbm>>
    tpu.wait_dma2 semaphore(%arg13 : memref<!tpu.dma_semaphore, #tpu.memory_space<semaphore_mem>>) src(%dma_wait3A_123 : memref<128x128xf32, #tpu.memory_space<hbm>>) dst(%arg10 : memref<128x128xf32, #tpu.memory_space<vmem>>)
    %dma_wait3A_124 = arith.constant 0 : i32
    %dma_wait3A_125 = tpu.memref_slice %arg4[%dma_wait3A_124] : memref<327680xi32, #tpu.memory_space<hbm>> -> memref<128xi32, #tpu.memory_space<hbm>>
    %dma_wait3A_126 = arith.constant 0 : i32
    %dma_wait3A_127 = tpu.memref_slice %arg4[%dma_wait3A_126] : memref<327680xi32, #tpu.memory_space<hbm>> -> memref<128xi32, #tpu.memory_space<hbm>>
    tpu.wait_dma2 semaphore(%arg15 : memref<!tpu.dma_semaphore, #tpu.memory_space<semaphore_mem>>) src(%dma_wait3A_127 : memref<128xi32, #tpu.memory_space<hbm>>) dst(%arg8 : memref<128xi32, #tpu.memory_space<vmem>>)
    "tpu.region"() ({
      %run_scoped3A = tpu.sem_alloc : memref<!tpu.dma_semaphore, #tpu.memory_space<semaphore_mem>>
      %dma_start3A_282 = arith.constant 0 : i32
      %dma_start3A_283 = arith.constant 0 : i32
      %dma_start3A_284 = tpu.memref_slice %arg11[%dma_start3A_282, %dma_start3A_283] : memref<10240x128xf32, #tpu.memory_space<vmem_shared>> -> memref<10240x128xf32, #tpu.memory_space<vmem_shared>>
      tpu.enqueue_indirect_dma source(%arg10 : memref<128x128xf32, #tpu.memory_space<vmem>>) target(%dma_start3A_284 : memref<10240x128xf32, #tpu.memory_space<vmem_shared>>) offsets(%arg8 : memref<128xi32, #tpu.memory_space<vmem>>) semaphore(%run_scoped3A : memref<!tpu.dma_semaphore, #tpu.memory_space<semaphore_mem>>) {add = true}
      %dma_wait3A_285 = arith.constant 0 : i32
      %dma_wait3A_286 = arith.constant 0 : i32
      %dma_wait3A_287 = tpu.memref_slice %arg11[%dma_wait3A_285, %dma_wait3A_286] : memref<10240x128xf32, #tpu.memory_space<vmem_shared>> -> memref<10240x128xf32, #tpu.memory_space<vmem_shared>>
      tpu.wait_indirect_dma semaphore(%run_scoped3A : memref<!tpu.dma_semaphore, #tpu.memory_space<semaphore_mem>>) src(%arg10 : memref<128x128xf32, #tpu.memory_space<vmem>>) dst(%dma_wait3A_287 : memref<10240x128xf32, #tpu.memory_space<vmem_shared>>)
      tpu.yield
    }) : () -> ()
    %barrier3A_128 = arith.constant 0 : index
    tpu.barrier barrier_id(%barrier3A_128)
    %mul3A_129 = arith.constant 640 : i32
    %mul3A_130 = arith.muli %arg1, %mul3A_129 : i32
    %dma_start3A_131 = arith.constant 0 : i32
    %dma_start3A_132 = tpu.memref_slice %arg11[%mul3A_130, %dma_start3A_131] : memref<10240x128xf32, #tpu.memory_space<vmem_shared>> -> memref<128x128xf32, #tpu.memory_space<vmem_shared>>
    %dma_start3A_133 = arith.constant 0 : i32
    %dma_start3A_134 = tpu.memref_slice %arg11[%mul3A_130, %dma_start3A_133] : memref<10240x128xf32, #tpu.memory_space<vmem_shared>> -> memref<128x128xf32, #tpu.memory_space<vmem_shared>>
    tpu.enqueue_dma source(%dma_start3A_134 : memref<128x128xf32, #tpu.memory_space<vmem_shared>>) target(%arg9 : memref<128x128xf32, #tpu.memory_space<vmem>>) target_semaphore(%arg12 : memref<!tpu.dma_semaphore, #tpu.memory_space<semaphore_mem>>)
    %dma_wait3A_135 = arith.constant 0 : i32
    %dma_wait3A_136 = arith.constant 0 : i32
    %dma_wait3A_137 = tpu.memref_slice %arg11[%dma_wait3A_135, %dma_wait3A_136] : memref<10240x128xf32, #tpu.memory_space<vmem_shared>> -> memref<128x128xf32, #tpu.memory_space<vmem_shared>>
    %dma_wait3A_138 = arith.constant 0 : i32
    %dma_wait3A_139 = arith.constant 0 : i32
    %dma_wait3A_140 = tpu.memref_slice %arg11[%dma_wait3A_138, %dma_wait3A_139] : memref<10240x128xf32, #tpu.memory_space<vmem_shared>> -> memref<128x128xf32, #tpu.memory_space<vmem_shared>>
    tpu.wait_dma2 semaphore(%arg12 : memref<!tpu.dma_semaphore, #tpu.memory_space<semaphore_mem>>) src(%dma_wait3A_140 : memref<128x128xf32, #tpu.memory_space<vmem_shared>>) dst(%arg9 : memref<128x128xf32, #tpu.memory_space<vmem>>)
    %mul3A_141 = arith.constant 10240 : i32
    %mul3A_142 = arith.muli %arg0, %mul3A_141 : i32
    %mul3A_143 = arith.constant 640 : i32
    %mul3A_144 = arith.muli %arg1, %mul3A_143 : i32
    %add3A_145 = arith.addi %mul3A_142, %mul3A_144 : i32
    %add3A_146 = arith.constant 0 : i32
    %add3A_147 = arith.addi %add3A_145, %add3A_146 : i32
    %dma_start3A_148 = arith.constant 0 : i32
    %dma_start3A_149 = tpu.memref_slice %arg5[%add3A_147, %dma_start3A_148] : memref<20480x128xf32, #tpu.memory_space<hbm>> -> memref<128x128xf32, #tpu.memory_space<hbm>>
    %dma_start3A_150 = arith.constant 0 : i32
    %dma_start3A_151 = tpu.memref_slice %arg5[%add3A_147, %dma_start3A_150] : memref<20480x128xf32, #tpu.memory_space<hbm>> -> memref<128x128xf32, #tpu.memory_space<hbm>>
    tpu.enqueue_dma source(%arg9 : memref<128x128xf32, #tpu.memory_space<vmem>>) target(%dma_start3A_151 : memref<128x128xf32, #tpu.memory_space<hbm>>) target_semaphore(%arg14 : memref<!tpu.dma_semaphore, #tpu.memory_space<semaphore_mem>>)
    %mul3A_152 = arith.constant 640 : i32
    %mul3A_153 = arith.muli %arg1, %mul3A_152 : i32
    %add3A_154 = arith.constant 128 : i32
    %add3A_155 = arith.addi %mul3A_153, %add3A_154 : i32
    %dma_start3A_156 = arith.constant 0 : i32
    %dma_start3A_157 = tpu.memref_slice %arg11[%add3A_155, %dma_start3A_156] : memref<10240x128xf32, #tpu.memory_space<vmem_shared>> -> memref<128x128xf32, #tpu.memory_space<vmem_shared>>
    %dma_start3A_158 = arith.constant 0 : i32
    %dma_start3A_159 = tpu.memref_slice %arg11[%add3A_155, %dma_start3A_158] : memref<10240x128xf32, #tpu.memory_space<vmem_shared>> -> memref<128x128xf32, #tpu.memory_space<vmem_shared>>
    tpu.enqueue_dma source(%dma_start3A_159 : memref<128x128xf32, #tpu.memory_space<vmem_shared>>) target(%arg10 : memref<128x128xf32, #tpu.memory_space<vmem>>) target_semaphore(%arg13 : memref<!tpu.dma_semaphore, #tpu.memory_space<semaphore_mem>>)
    %dma_wait3A_160 = arith.constant 0 : i32
    %dma_wait3A_161 = arith.constant 0 : i32
    %dma_wait3A_162 = tpu.memref_slice %arg11[%dma_wait3A_160, %dma_wait3A_161] : memref<10240x128xf32, #tpu.memory_space<vmem_shared>> -> memref<128x128xf32, #tpu.memory_space<vmem_shared>>
    %dma_wait3A_163 = arith.constant 0 : i32
    %dma_wait3A_164 = arith.constant 0 : i32
    %dma_wait3A_165 = tpu.memref_slice %arg11[%dma_wait3A_163, %dma_wait3A_164] : memref<10240x128xf32, #tpu.memory_space<vmem_shared>> -> memref<128x128xf32, #tpu.memory_space<vmem_shared>>
    tpu.wait_dma2 semaphore(%arg13 : memref<!tpu.dma_semaphore, #tpu.memory_space<semaphore_mem>>) src(%dma_wait3A_165 : memref<128x128xf32, #tpu.memory_space<vmem_shared>>) dst(%arg10 : memref<128x128xf32, #tpu.memory_space<vmem>>)
    %mul3A_166 = arith.constant 10240 : i32
    %mul3A_167 = arith.muli %arg0, %mul3A_166 : i32
    %mul3A_168 = arith.constant 640 : i32
    %mul3A_169 = arith.muli %arg1, %mul3A_168 : i32
    %add3A_170 = arith.addi %mul3A_167, %mul3A_169 : i32
    %add3A_171 = arith.constant 128 : i32
    %add3A_172 = arith.addi %add3A_170, %add3A_171 : i32
    %dma_start3A_173 = arith.constant 0 : i32
    %dma_start3A_174 = tpu.memref_slice %arg5[%add3A_172, %dma_start3A_173] : memref<20480x128xf32, #tpu.memory_space<hbm>> -> memref<128x128xf32, #tpu.memory_space<hbm>>
    %dma_start3A_175 = arith.constant 0 : i32
    %dma_start3A_176 = tpu.memref_slice %arg5[%add3A_172, %dma_start3A_175] : memref<20480x128xf32, #tpu.memory_space<hbm>> -> memref<128x128xf32, #tpu.memory_space<hbm>>
    tpu.enqueue_dma source(%arg10 : memref<128x128xf32, #tpu.memory_space<vmem>>) target(%dma_start3A_176 : memref<128x128xf32, #tpu.memory_space<hbm>>) target_semaphore(%arg15 : memref<!tpu.dma_semaphore, #tpu.memory_space<semaphore_mem>>)
    %dma_wait3A_177 = arith.constant 0 : i32
    %dma_wait3A_178 = arith.constant 0 : i32
    %dma_wait3A_179 = tpu.memref_slice %arg5[%dma_wait3A_177, %dma_wait3A_178] : memref<20480x128xf32, #tpu.memory_space<hbm>> -> memref<128x128xf32, #tpu.memory_space<hbm>>
    %dma_wait3A_180 = arith.constant 0 : i32
    %dma_wait3A_181 = arith.constant 0 : i32
    %dma_wait3A_182 = tpu.memref_slice %arg5[%dma_wait3A_180, %dma_wait3A_181] : memref<20480x128xf32, #tpu.memory_space<hbm>> -> memref<128x128xf32, #tpu.memory_space<hbm>>
    tpu.wait_dma2 semaphore(%arg14 : memref<!tpu.dma_semaphore, #tpu.memory_space<semaphore_mem>>) src(%arg9 : memref<128x128xf32, #tpu.memory_space<vmem>>) dst(%dma_wait3A_182 : memref<128x128xf32, #tpu.memory_space<hbm>>)
    %mul3A_183 = arith.constant 640 : i32
    %mul3A_184 = arith.muli %arg1, %mul3A_183 : i32
    %add3A_185 = arith.constant 256 : i32
    %add3A_186 = arith.addi %mul3A_184, %add3A_185 : i32
    %dma_start3A_187 = arith.constant 0 : i32
    %dma_start3A_188 = tpu.memref_slice %arg11[%add3A_186, %dma_start3A_187] : memref<10240x128xf32, #tpu.memory_space<vmem_shared>> -> memref<128x128xf32, #tpu.memory_space<vmem_shared>>
    %dma_start3A_189 = arith.constant 0 : i32
    %dma_start3A_190 = tpu.memref_slice %arg11[%add3A_186, %dma_start3A_189] : memref<10240x128xf32, #tpu.memory_space<vmem_shared>> -> memref<128x128xf32, #tpu.memory_space<vmem_shared>>
    tpu.enqueue_dma source(%dma_start3A_190 : memref<128x128xf32, #tpu.memory_space<vmem_shared>>) target(%arg9 : memref<128x128xf32, #tpu.memory_space<vmem>>) target_semaphore(%arg12 : memref<!tpu.dma_semaphore, #tpu.memory_space<semaphore_mem>>)
    %dma_wait3A_191 = arith.constant 0 : i32
    %dma_wait3A_192 = arith.constant 0 : i32
    %dma_wait3A_193 = tpu.memref_slice %arg11[%dma_wait3A_191, %dma_wait3A_192] : memref<10240x128xf32, #tpu.memory_space<vmem_shared>> -> memref<128x128xf32, #tpu.memory_space<vmem_shared>>
    %dma_wait3A_194 = arith.constant 0 : i32
    %dma_wait3A_195 = arith.constant 0 : i32
    %dma_wait3A_196 = tpu.memref_slice %arg11[%dma_wait3A_194, %dma_wait3A_195] : memref<10240x128xf32, #tpu.memory_space<vmem_shared>> -> memref<128x128xf32, #tpu.memory_space<vmem_shared>>
    tpu.wait_dma2 semaphore(%arg12 : memref<!tpu.dma_semaphore, #tpu.memory_space<semaphore_mem>>) src(%dma_wait3A_196 : memref<128x128xf32, #tpu.memory_space<vmem_shared>>) dst(%arg9 : memref<128x128xf32, #tpu.memory_space<vmem>>)
    %mul3A_197 = arith.constant 10240 : i32
    %mul3A_198 = arith.muli %arg0, %mul3A_197 : i32
    %mul3A_199 = arith.constant 640 : i32
    %mul3A_200 = arith.muli %arg1, %mul3A_199 : i32
    %add3A_201 = arith.addi %mul3A_198, %mul3A_200 : i32
    %add3A_202 = arith.constant 256 : i32
    %add3A_203 = arith.addi %add3A_201, %add3A_202 : i32
    %dma_start3A_204 = arith.constant 0 : i32
    %dma_start3A_205 = tpu.memref_slice %arg5[%add3A_203, %dma_start3A_204] : memref<20480x128xf32, #tpu.memory_space<hbm>> -> memref<128x128xf32, #tpu.memory_space<hbm>>
    %dma_start3A_206 = arith.constant 0 : i32
    %dma_start3A_207 = tpu.memref_slice %arg5[%add3A_203, %dma_start3A_206] : memref<20480x128xf32, #tpu.memory_space<hbm>> -> memref<128x128xf32, #tpu.memory_space<hbm>>
    tpu.enqueue_dma source(%arg9 : memref<128x128xf32, #tpu.memory_space<vmem>>) target(%dma_start3A_207 : memref<128x128xf32, #tpu.memory_space<hbm>>) target_semaphore(%arg14 : memref<!tpu.dma_semaphore, #tpu.memory_space<semaphore_mem>>)
    %dma_wait3A_208 = arith.constant 0 : i32
    %dma_wait3A_209 = arith.constant 0 : i32
    %dma_wait3A_210 = tpu.memref_slice %arg5[%dma_wait3A_208, %dma_wait3A_209] : memref<20480x128xf32, #tpu.memory_space<hbm>> -> memref<128x128xf32, #tpu.memory_space<hbm>>
    %dma_wait3A_211 = arith.constant 0 : i32
    %dma_wait3A_212 = arith.constant 0 : i32
    %dma_wait3A_213 = tpu.memref_slice %arg5[%dma_wait3A_211, %dma_wait3A_212] : memref<20480x128xf32, #tpu.memory_space<hbm>> -> memref<128x128xf32, #tpu.memory_space<hbm>>
    tpu.wait_dma2 semaphore(%arg15 : memref<!tpu.dma_semaphore, #tpu.memory_space<semaphore_mem>>) src(%arg10 : memref<128x128xf32, #tpu.memory_space<vmem>>) dst(%dma_wait3A_213 : memref<128x128xf32, #tpu.memory_space<hbm>>)
    %mul3A_214 = arith.constant 640 : i32
    %mul3A_215 = arith.muli %arg1, %mul3A_214 : i32
    %add3A_216 = arith.constant 384 : i32
    %add3A_217 = arith.addi %mul3A_215, %add3A_216 : i32
    %dma_start3A_218 = arith.constant 0 : i32
    %dma_start3A_219 = tpu.memref_slice %arg11[%add3A_217, %dma_start3A_218] : memref<10240x128xf32, #tpu.memory_space<vmem_shared>> -> memref<128x128xf32, #tpu.memory_space<vmem_shared>>
    %dma_start3A_220 = arith.constant 0 : i32
    %dma_start3A_221 = tpu.memref_slice %arg11[%add3A_217, %dma_start3A_220] : memref<10240x128xf32, #tpu.memory_space<vmem_shared>> -> memref<128x128xf32, #tpu.memory_space<vmem_shared>>
    tpu.enqueue_dma source(%dma_start3A_221 : memref<128x128xf32, #tpu.memory_space<vmem_shared>>) target(%arg10 : memref<128x128xf32, #tpu.memory_space<vmem>>) target_semaphore(%arg13 : memref<!tpu.dma_semaphore, #tpu.memory_space<semaphore_mem>>)
    %dma_wait3A_222 = arith.constant 0 : i32
    %dma_wait3A_223 = arith.constant 0 : i32
    %dma_wait3A_224 = tpu.memref_slice %arg11[%dma_wait3A_222, %dma_wait3A_223] : memref<10240x128xf32, #tpu.memory_space<vmem_shared>> -> memref<128x128xf32, #tpu.memory_space<vmem_shared>>
    %dma_wait3A_225 = arith.constant 0 : i32
    %dma_wait3A_226 = arith.constant 0 : i32
    %dma_wait3A_227 = tpu.memref_slice %arg11[%dma_wait3A_225, %dma_wait3A_226] : memref<10240x128xf32, #tpu.memory_space<vmem_shared>> -> memref<128x128xf32, #tpu.memory_space<vmem_shared>>
    tpu.wait_dma2 semaphore(%arg13 : memref<!tpu.dma_semaphore, #tpu.memory_space<semaphore_mem>>) src(%dma_wait3A_227 : memref<128x128xf32, #tpu.memory_space<vmem_shared>>) dst(%arg10 : memref<128x128xf32, #tpu.memory_space<vmem>>)
    %mul3A_228 = arith.constant 10240 : i32
    %mul3A_229 = arith.muli %arg0, %mul3A_228 : i32
    %mul3A_230 = arith.constant 640 : i32
    %mul3A_231 = arith.muli %arg1, %mul3A_230 : i32
    %add3A_232 = arith.addi %mul3A_229, %mul3A_231 : i32
    %add3A_233 = arith.constant 384 : i32
    %add3A_234 = arith.addi %add3A_232, %add3A_233 : i32
    %dma_start3A_235 = arith.constant 0 : i32
    %dma_start3A_236 = tpu.memref_slice %arg5[%add3A_234, %dma_start3A_235] : memref<20480x128xf32, #tpu.memory_space<hbm>> -> memref<128x128xf32, #tpu.memory_space<hbm>>
    %dma_start3A_237 = arith.constant 0 : i32
    %dma_start3A_238 = tpu.memref_slice %arg5[%add3A_234, %dma_start3A_237] : memref<20480x128xf32, #tpu.memory_space<hbm>> -> memref<128x128xf32, #tpu.memory_space<hbm>>
    tpu.enqueue_dma source(%arg10 : memref<128x128xf32, #tpu.memory_space<vmem>>) target(%dma_start3A_238 : memref<128x128xf32, #tpu.memory_space<hbm>>) target_semaphore(%arg15 : memref<!tpu.dma_semaphore, #tpu.memory_space<semaphore_mem>>)
    %dma_wait3A_239 = arith.constant 0 : i32
    %dma_wait3A_240 = arith.constant 0 : i32
    %dma_wait3A_241 = tpu.memref_slice %arg5[%dma_wait3A_239, %dma_wait3A_240] : memref<20480x128xf32, #tpu.memory_space<hbm>> -> memref<128x128xf32, #tpu.memory_space<hbm>>
    %dma_wait3A_242 = arith.constant 0 : i32
    %dma_wait3A_243 = arith.constant 0 : i32
    %dma_wait3A_244 = tpu.memref_slice %arg5[%dma_wait3A_242, %dma_wait3A_243] : memref<20480x128xf32, #tpu.memory_space<hbm>> -> memref<128x128xf32, #tpu.memory_space<hbm>>
    tpu.wait_dma2 semaphore(%arg14 : memref<!tpu.dma_semaphore, #tpu.memory_space<semaphore_mem>>) src(%arg9 : memref<128x128xf32, #tpu.memory_space<vmem>>) dst(%dma_wait3A_244 : memref<128x128xf32, #tpu.memory_space<hbm>>)
    %mul3A_245 = arith.constant 640 : i32
    %mul3A_246 = arith.muli %arg1, %mul3A_245 : i32
    %add3A_247 = arith.constant 512 : i32
    %add3A_248 = arith.addi %mul3A_246, %add3A_247 : i32
    %dma_start3A_249 = arith.constant 0 : i32
    %dma_start3A_250 = tpu.memref_slice %arg11[%add3A_248, %dma_start3A_249] : memref<10240x128xf32, #tpu.memory_space<vmem_shared>> -> memref<128x128xf32, #tpu.memory_space<vmem_shared>>
    %dma_start3A_251 = arith.constant 0 : i32
    %dma_start3A_252 = tpu.memref_slice %arg11[%add3A_248, %dma_start3A_251] : memref<10240x128xf32, #tpu.memory_space<vmem_shared>> -> memref<128x128xf32, #tpu.memory_space<vmem_shared>>
    tpu.enqueue_dma source(%dma_start3A_252 : memref<128x128xf32, #tpu.memory_space<vmem_shared>>) target(%arg9 : memref<128x128xf32, #tpu.memory_space<vmem>>) target_semaphore(%arg12 : memref<!tpu.dma_semaphore, #tpu.memory_space<semaphore_mem>>)
    %dma_wait3A_253 = arith.constant 0 : i32
    %dma_wait3A_254 = arith.constant 0 : i32
    %dma_wait3A_255 = tpu.memref_slice %arg11[%dma_wait3A_253, %dma_wait3A_254] : memref<10240x128xf32, #tpu.memory_space<vmem_shared>> -> memref<128x128xf32, #tpu.memory_space<vmem_shared>>
    %dma_wait3A_256 = arith.constant 0 : i32
    %dma_wait3A_257 = arith.constant 0 : i32
    %dma_wait3A_258 = tpu.memref_slice %arg11[%dma_wait3A_256, %dma_wait3A_257] : memref<10240x128xf32, #tpu.memory_space<vmem_shared>> -> memref<128x128xf32, #tpu.memory_space<vmem_shared>>
    tpu.wait_dma2 semaphore(%arg12 : memref<!tpu.dma_semaphore, #tpu.memory_space<semaphore_mem>>) src(%dma_wait3A_258 : memref<128x128xf32, #tpu.memory_space<vmem_shared>>) dst(%arg9 : memref<128x128xf32, #tpu.memory_space<vmem>>)
    %mul3A_259 = arith.constant 10240 : i32
    %mul3A_260 = arith.muli %arg0, %mul3A_259 : i32
    %mul3A_261 = arith.constant 640 : i32
    %mul3A_262 = arith.muli %arg1, %mul3A_261 : i32
    %add3A_263 = arith.addi %mul3A_260, %mul3A_262 : i32
    %add3A_264 = arith.constant 512 : i32
    %add3A_265 = arith.addi %add3A_263, %add3A_264 : i32
    %dma_start3A_266 = arith.constant 0 : i32
    %dma_start3A_267 = tpu.memref_slice %arg5[%add3A_265, %dma_start3A_266] : memref<20480x128xf32, #tpu.memory_space<hbm>> -> memref<128x128xf32, #tpu.memory_space<hbm>>
    %dma_start3A_268 = arith.constant 0 : i32
    %dma_start3A_269 = tpu.memref_slice %arg5[%add3A_265, %dma_start3A_268] : memref<20480x128xf32, #tpu.memory_space<hbm>> -> memref<128x128xf32, #tpu.memory_space<hbm>>
    tpu.enqueue_dma source(%arg9 : memref<128x128xf32, #tpu.memory_space<vmem>>) target(%dma_start3A_269 : memref<128x128xf32, #tpu.memory_space<hbm>>) target_semaphore(%arg14 : memref<!tpu.dma_semaphore, #tpu.memory_space<semaphore_mem>>)
    %dma_wait3A_270 = arith.constant 0 : i32
    %dma_wait3A_271 = arith.constant 0 : i32
    %dma_wait3A_272 = tpu.memref_slice %arg5[%dma_wait3A_270, %dma_wait3A_271] : memref<20480x128xf32, #tpu.memory_space<hbm>> -> memref<128x128xf32, #tpu.memory_space<hbm>>
    %dma_wait3A_273 = arith.constant 0 : i32
    %dma_wait3A_274 = arith.constant 0 : i32
    %dma_wait3A_275 = tpu.memref_slice %arg5[%dma_wait3A_273, %dma_wait3A_274] : memref<20480x128xf32, #tpu.memory_space<hbm>> -> memref<128x128xf32, #tpu.memory_space<hbm>>
    tpu.wait_dma2 semaphore(%arg15 : memref<!tpu.dma_semaphore, #tpu.memory_space<semaphore_mem>>) src(%arg10 : memref<128x128xf32, #tpu.memory_space<vmem>>) dst(%dma_wait3A_275 : memref<128x128xf32, #tpu.memory_space<hbm>>)
    %dma_wait3A_276 = arith.constant 0 : i32
    %dma_wait3A_277 = arith.constant 0 : i32
    %dma_wait3A_278 = tpu.memref_slice %arg5[%dma_wait3A_276, %dma_wait3A_277] : memref<20480x128xf32, #tpu.memory_space<hbm>> -> memref<128x128xf32, #tpu.memory_space<hbm>>
    %dma_wait3A_279 = arith.constant 0 : i32
    %dma_wait3A_280 = arith.constant 0 : i32
    %dma_wait3A_281 = tpu.memref_slice %arg5[%dma_wait3A_279, %dma_wait3A_280] : memref<20480x128xf32, #tpu.memory_space<hbm>> -> memref<128x128xf32, #tpu.memory_space<hbm>>
    tpu.wait_dma2 semaphore(%arg14 : memref<!tpu.dma_semaphore, #tpu.memory_space<semaphore_mem>>) src(%arg9 : memref<128x128xf32, #tpu.memory_space<vmem>>) dst(%dma_wait3A_281 : memref<128x128xf32, #tpu.memory_space<hbm>>)
    return
  }
}

#map = affine_map<(d0, d1) -> (0, 0)>
#map1 = affine_map<(d0, d1) -> (0)>
module attributes {stable_mosaic.version = 14 : i64} {
  func.func @_scatter_kernel(%arg0: i32, %arg1: i32, %arg2: memref<10000x128xf32, #tpu.memory_space<hbm>>, %arg3: memref<2560x128xi32, #tpu.memory_space<hbm>>, %arg4: memref<327680xi32, #tpu.memory_space<hbm>>, %arg5: memref<20480x128xf32, #tpu.memory_space<hbm>>, %arg6: memref<80x128xi32, #tpu.memory_space<vmem>>, %arg7: memref<128xi32, #tpu.memory_space<vmem>>, %arg8: memref<128xi32, #tpu.memory_space<vmem>>, %arg9: memref<128x128xf32, #tpu.memory_space<vmem>>, %arg10: memref<128x128xf32, #tpu.memory_space<vmem>>, %arg11: memref<10240x128xf32, #tpu.memory_space<vmem_shared>>, %arg12: memref<!tpu.dma_semaphore, #tpu.memory_space<semaphore_mem>>, %arg13: memref<!tpu.dma_semaphore, #tpu.memory_space<semaphore_mem>>, %arg14: memref<!tpu.dma_semaphore, #tpu.memory_space<semaphore_mem>>, %arg15: memref<!tpu.dma_semaphore, #tpu.memory_space<semaphore_mem>>) attributes {dimension_semantics = [#tpu.dimension_semantics<core_parallel>, #tpu.dimension_semantics<subcore_parallel>], iteration_bounds = array<i64: 2, 16>, scalar_prefetch = 0 : i64, scratch_operands = 10 : i64, tpu.core_type = #tpu.core_type<sc_vector_subcore>, window_params = [{transform_indices = #map}, {transform_indices = #map}, {transform_indices = #map1}, {transform_indices = #map}]} {
    %mul3A = arith.constant 16 : i32
    %mul3A_0 = arith.muli %arg0, %mul3A : i32
    %add3A = arith.addi %mul3A_0, %arg1 : i32
    %scan3A = arith.constant 0 : i32
    %scan3A_1 = arith.constant 0 : i32
    %scan3A_2 = arith.constant 128 : i32
    %scan3A_3 = arith.addi %scan3A_1, %scan3A_2 : i32
    %scan3A_4 = arith.constant 1 : i32
    %scan3A_5 = scf.for %scan3A_282 = %scan3A_1 to %scan3A_3 step %scan3A_4 iter_args(%scan3A_283 = %scan3A) -> (i32)  : i32 {
      %broadcast_in_dim3A = arith.constant 0.000000e+00 : f32
      %broadcast_in_dim3A_284 = vector.broadcast %broadcast_in_dim3A : f32 to vector<16xf32>
      %swap3A = arith.index_cast %scan3A_282 : i32 to index
      %swap3A_285 = arith.constant 0 : index
      %swap3A_286 = tpu.vector_load %arg10[%swap3A, %swap3A_285] {strides = array<i32>} : memref<128x128xf32, #tpu.memory_space<vmem>>, vector<1x16xf32>,
      %swap3A_287 = vector.shape_cast %swap3A_286 : vector<1x16xf32> to vector<16xf32>
      %swap3A_288 = vector.shape_cast %broadcast_in_dim3A_284 : vector<16xf32> to vector<1x16xf32>
      tpu.vector_store %arg10[%swap3A, %swap3A_285], %swap3A_288 {strides = array<i32>} : memref<128x128xf32, #tpu.memory_space<vmem>>, vector<1x16xf32>,
      %broadcast_in_dim3A_289 = arith.constant 0.000000e+00 : f32
      %broadcast_in_dim3A_290 = vector.broadcast %broadcast_in_dim3A_289 : f32 to vector<16xf32>
      %swap3A_291 = arith.index_cast %scan3A_282 : i32 to index
      %swap3A_292 = arith.constant 16 : index
      %swap3A_293 = tpu.vector_load %arg10[%swap3A_291, %swap3A_292] {strides = array<i32>} : memref<128x128xf32, #tpu.memory_space<vmem>>, vector<1x16xf32>,
      %swap3A_294 = vector.shape_cast %swap3A_293 : vector<1x16xf32> to vector<16xf32>
      %swap3A_295 = vector.shape_cast %broadcast_in_dim3A_290 : vector<16xf32> to vector<1x16xf32>
      tpu.vector_store %arg10[%swap3A_291, %swap3A_292], %swap3A_295 {strides = array<i32>} : memref<128x128xf32, #tpu.memory_space<vmem>>, vector<1x16xf32>,
      %broadcast_in_dim3A_296 = arith.constant 0.000000e+00 : f32
      %broadcast_in_dim3A_297 = vector.broadcast %broadcast_in_dim3A_296 : f32 to vector<16xf32>
      %swap3A_298 = arith.index_cast %scan3A_282 : i32 to index
      %swap3A_299 = arith.constant 32 : index
      %swap3A_300 = tpu.vector_load %arg10[%swap3A_298, %swap3A_299] {strides = array<i32>} : memref<128x128xf32, #tpu.memory_space<vmem>>, vector<1x16xf32>,
      %swap3A_301 = vector.shape_cast %swap3A_300 : vector<1x16xf32> to vector<16xf32>
      %swap3A_302 = vector.shape_cast %broadcast_in_dim3A_297 : vector<16xf32> to vector<1x16xf32>
      tpu.vector_store %arg10[%swap3A_298, %swap3A_299], %swap3A_302 {strides = array<i32>} : memref<128x128xf32, #tpu.memory_space<vmem>>, vector<1x16xf32>,
      %broadcast_in_dim3A_303 = arith.constant 0.000000e+00 : f32
      %broadcast_in_dim3A_304 = vector.broadcast %broadcast_in_dim3A_303 : f32 to vector<16xf32>
      %swap3A_305 = arith.index_cast %scan3A_282 : i32 to index
      %swap3A_306 = arith.constant 48 : index
      %swap3A_307 = tpu.vector_load %arg10[%swap3A_305, %swap3A_306] {strides = array<i32>} : memref<128x128xf32, #tpu.memory_space<vmem>>, vector<1x16xf32>,
      %swap3A_308 = vector.shape_cast %swap3A_307 : vector<1x16xf32> to vector<16xf32>
      %swap3A_309 = vector.shape_cast %broadcast_in_dim3A_304 : vector<16xf32> to vector<1x16xf32>
      tpu.vector_store %arg10[%swap3A_305, %swap3A_306], %swap3A_309 {strides = array<i32>} : memref<128x128xf32, #tpu.memory_space<vmem>>, vector<1x16xf32>,
      %broadcast_in_dim3A_310 = arith.constant 0.000000e+00 : f32
      %broadcast_in_dim3A_311 = vector.broadcast %broadcast_in_dim3A_310 : f32 to vector<16xf32>
      %swap3A_312 = arith.index_cast %scan3A_282 : i32 to index
      %swap3A_313 = arith.constant 64 : index
      %swap3A_314 = tpu.vector_load %arg10[%swap3A_312, %swap3A_313] {strides = array<i32>} : memref<128x128xf32, #tpu.memory_space<vmem>>, vector<1x16xf32>,
      %swap3A_315 = vector.shape_cast %swap3A_314 : vector<1x16xf32> to vector<16xf32>
      %swap3A_316 = vector.shape_cast %broadcast_in_dim3A_311 : vector<16xf32> to vector<1x16xf32>
      tpu.vector_store %arg10[%swap3A_312, %swap3A_313], %swap3A_316 {strides = array<i32>} : memref<128x128xf32, #tpu.memory_space<vmem>>, vector<1x16xf32>,
      %broadcast_in_dim3A_317 = arith.constant 0.000000e+00 : f32
      %broadcast_in_dim3A_318 = vector.broadcast %broadcast_in_dim3A_317 : f32 to vector<16xf32>
      %swap3A_319 = arith.index_cast %scan3A_282 : i32 to index
      %swap3A_320 = arith.constant 80 : index
      %swap3A_321 = tpu.vector_load %arg10[%swap3A_319, %swap3A_320] {strides = array<i32>} : memref<128x128xf32, #tpu.memory_space<vmem>>, vector<1x16xf32>,
      %swap3A_322 = vector.shape_cast %swap3A_321 : vector<1x16xf32> to vector<16xf32>
      %swap3A_323 = vector.shape_cast %broadcast_in_dim3A_318 : vector<16xf32> to vector<1x16xf32>
      tpu.vector_store %arg10[%swap3A_319, %swap3A_320], %swap3A_323 {strides = array<i32>} : memref<128x128xf32, #tpu.memory_space<vmem>>, vector<1x16xf32>,
      %broadcast_in_dim3A_324 = arith.constant 0.000000e+00 : f32
      %broadcast_in_dim3A_325 = vector.broadcast %broadcast_in_dim3A_324 : f32 to vector<16xf32>
      %swap3A_326 = arith.index_cast %scan3A_282 : i32 to index
      %swap3A_327 = arith.constant 96 : index
      %swap3A_328 = tpu.vector_load %arg10[%swap3A_326, %swap3A_327] {strides = array<i32>} : memref<128x128xf32, #tpu.memory_space<vmem>>, vector<1x16xf32>,
      %swap3A_329 = vector.shape_cast %swap3A_328 : vector<1x16xf32> to vector<16xf32>
      %swap3A_330 = vector.shape_cast %broadcast_in_dim3A_325 : vector<16xf32> to vector<1x16xf32>
      tpu.vector_store %arg10[%swap3A_326, %swap3A_327], %swap3A_330 {strides = array<i32>} : memref<128x128xf32, #tpu.memory_space<vmem>>, vector<1x16xf32>,
      %broadcast_in_dim3A_331 = arith.constant 0.000000e+00 : f32
      %broadcast_in_dim3A_332 = vector.broadcast %broadcast_in_dim3A_331 : f32 to vector<16xf32>
      %swap3A_333 = arith.index_cast %scan3A_282 : i32 to index
      %swap3A_334 = arith.constant 112 : index
      %swap3A_335 = tpu.vector_load %arg10[%swap3A_333, %swap3A_334] {strides = array<i32>} : memref<128x128xf32, #tpu.memory_space<vmem>>, vector<1x16xf32>,
      %swap3A_336 = vector.shape_cast %swap3A_335 : vector<1x16xf32> to vector<16xf32>
      %swap3A_337 = vector.shape_cast %broadcast_in_dim3A_332 : vector<16xf32> to vector<1x16xf32>
      tpu.vector_store %arg10[%swap3A_333, %swap3A_334], %swap3A_337 {strides = array<i32>} : memref<128x128xf32, #tpu.memory_space<vmem>>, vector<1x16xf32>,
      %scan3A_338 = arith.constant 0 : i32
      scf.yield %scan3A_338 : i32
    }
    %scan3A_6 = arith.constant 128 : i32
    %mul3A_7 = arith.constant 80 : i32
    %mul3A_8 = arith.muli %add3A, %mul3A_7 : i32
    "tpu.region"() ({
      %run_scoped3A = tpu.sem_alloc : memref<!tpu.dma_semaphore, #tpu.memory_space<semaphore_mem>>
      %dma_start3A_282 = arith.constant 0 : i32
      %dma_start3A_283 = tpu.memref_slice %arg3[%mul3A_8, %dma_start3A_282] : memref<2560x128xi32, #tpu.memory_space<hbm>> -> memref<80x128xi32, #tpu.memory_space<hbm>>
      %dma_start3A_284 = arith.constant 0 : i32
      %dma_start3A_285 = tpu.memref_slice %arg3[%mul3A_8, %dma_start3A_284] : memref<2560x128xi32, #tpu.memory_space<hbm>> -> memref<80x128xi32, #tpu.memory_space<hbm>>
      tpu.enqueue_dma source(%dma_start3A_285 : memref<80x128xi32, #tpu.memory_space<hbm>>) target(%arg6 : memref<80x128xi32, #tpu.memory_space<vmem>>) target_semaphore(%run_scoped3A : memref<!tpu.dma_semaphore, #tpu.memory_space<semaphore_mem>>)
      %dma_wait3A_286 = arith.constant 0 : i32
      %dma_wait3A_287 = tpu.memref_slice %arg3[%mul3A_8, %dma_wait3A_286] : memref<2560x128xi32, #tpu.memory_space<hbm>> -> memref<80x128xi32, #tpu.memory_space<hbm>>
      %dma_wait3A_288 = arith.constant 0 : i32
      %dma_wait3A_289 = tpu.memref_slice %arg3[%mul3A_8, %dma_wait3A_288] : memref<2560x128xi32, #tpu.memory_space<hbm>> -> memref<80x128xi32, #tpu.memory_space<hbm>>
      tpu.wait_dma2 semaphore(%run_scoped3A : memref<!tpu.dma_semaphore, #tpu.memory_space<semaphore_mem>>) src(%dma_wait3A_289 : memref<80x128xi32, #tpu.memory_space<hbm>>) dst(%arg6 : memref<80x128xi32, #tpu.memory_space<vmem>>)
      tpu.yield
    }) : () -> ()
    %dma_start3A = arith.constant 0 : i32
    %dma_start3A_9 = arith.constant 0 : i32
    %dma_start3A_10 = tpu.memref_slice %arg6[%dma_start3A, %dma_start3A_9] : memref<80x128xi32, #tpu.memory_space<vmem>> -> memref<1x128xi32, #tpu.memory_space<vmem>>
    %dma_start3A_11 = tpu.memref_squeeze %dma_start3A_10 : memref<1x128xi32, #tpu.memory_space<vmem>> -> memref<128xi32, #tpu.memory_space<vmem>>
    %dma_start3A_12 = arith.constant 0 : i32
    %dma_start3A_13 = arith.constant 0 : i32
    %dma_start3A_14 = tpu.memref_slice %arg2[%dma_start3A_12, %dma_start3A_13] : memref<10000x128xf32, #tpu.memory_space<hbm>> -> memref<10000x128xf32, #tpu.memory_space<hbm>>
    tpu.enqueue_indirect_dma source(%dma_start3A_14 : memref<10000x128xf32, #tpu.memory_space<hbm>>) target(%arg9 : memref<128x128xf32, #tpu.memory_space<vmem>>) offsets(%dma_start3A_11 : memref<128xi32, #tpu.memory_space<vmem>>) semaphore(%arg12 : memref<!tpu.dma_semaphore, #tpu.memory_space<semaphore_mem>>)
    %mul3A_15 = arith.constant 10240 : i32
    %mul3A_16 = arith.muli %add3A, %mul3A_15 : i32
    %dma_start3A_17 = tpu.memref_slice %arg4[%mul3A_16] : memref<327680xi32, #tpu.memory_space<hbm>> -> memref<128xi32, #tpu.memory_space<hbm>>
    %dma_start3A_18 = tpu.memref_slice %arg4[%mul3A_16] : memref<327680xi32, #tpu.memory_space<hbm>> -> memref<128xi32, #tpu.memory_space<hbm>>
    tpu.enqueue_dma source(%dma_start3A_18 : memref<128xi32, #tpu.memory_space<hbm>>) target(%arg7 : memref<128xi32, #tpu.memory_space<vmem>>) target_semaphore(%arg14 : memref<!tpu.dma_semaphore, #tpu.memory_space<semaphore_mem>>)
    %mul3A_19 = arith.constant 640 : i32
    %mul3A_20 = arith.muli %arg1, %mul3A_19 : i32
    %add3A_21 = arith.constant 0 : i32
    %add3A_22 = arith.addi %mul3A_20, %add3A_21 : i32
    %dma_start3A_23 = arith.constant 0 : i32
    %dma_start3A_24 = tpu.memref_slice %arg11[%add3A_22, %dma_start3A_23] : memref<10240x128xf32, #tpu.memory_space<vmem_shared>> -> memref<128x128xf32, #tpu.memory_space<vmem_shared>>
    %dma_start3A_25 = arith.constant 0 : i32
    %dma_start3A_26 = tpu.memref_slice %arg11[%add3A_22, %dma_start3A_25] : memref<10240x128xf32, #tpu.memory_space<vmem_shared>> -> memref<128x128xf32, #tpu.memory_space<vmem_shared>>
    tpu.enqueue_dma source(%arg10 : memref<128x128xf32, #tpu.memory_space<vmem>>) target(%dma_start3A_26 : memref<128x128xf32, #tpu.memory_space<vmem_shared>>) target_semaphore(%arg15 : memref<!tpu.dma_semaphore, #tpu.memory_space<semaphore_mem>>)
    %mul3A_27 = arith.constant 640 : i32
    %mul3A_28 = arith.muli %arg1, %mul3A_27 : i32
    %add3A_29 = arith.constant 128 : i32
    %add3A_30 = arith.addi %mul3A_28, %add3A_29 : i32
    %dma_start3A_31 = arith.constant 0 : i32
    %dma_start3A_32 = tpu.memref_slice %arg11[%add3A_30, %dma_start3A_31] : memref<10240x128xf32, #tpu.memory_space<vmem_shared>> -> memref<128x128xf32, #tpu.memory_space<vmem_shared>>
    %dma_start3A_33 = arith.constant 0 : i32
    %dma_start3A_34 = tpu.memref_slice %arg11[%add3A_30, %dma_start3A_33] : memref<10240x128xf32, #tpu.memory_space<vmem_shared>> -> memref<128x128xf32, #tpu.memory_space<vmem_shared>>
    tpu.enqueue_dma source(%arg10 : memref<128x128xf32, #tpu.memory_space<vmem>>) target(%dma_start3A_34 : memref<128x128xf32, #tpu.memory_space<vmem_shared>>) target_semaphore(%arg15 : memref<!tpu.dma_semaphore, #tpu.memory_space<semaphore_mem>>)
    %mul3A_35 = arith.constant 640 : i32
    %mul3A_36 = arith.muli %arg1, %mul3A_35 : i32
    %add3A_37 = arith.constant 256 : i32
    %add3A_38 = arith.addi %mul3A_36, %add3A_37 : i32
    %dma_start3A_39 = arith.constant 0 : i32
    %dma_start3A_40 = tpu.memref_slice %arg11[%add3A_38, %dma_start3A_39] : memref<10240x128xf32, #tpu.memory_space<vmem_shared>> -> memref<128x128xf32, #tpu.memory_space<vmem_shared>>
    %dma_start3A_41 = arith.constant 0 : i32
    %dma_start3A_42 = tpu.memref_slice %arg11[%add3A_38, %dma_start3A_41] : memref<10240x128xf32, #tpu.memory_space<vmem_shared>> -> memref<128x128xf32, #tpu.memory_space<vmem_shared>>
    tpu.enqueue_dma source(%arg10 : memref<128x128xf32, #tpu.memory_space<vmem>>) target(%dma_start3A_42 : memref<128x128xf32, #tpu.memory_space<vmem_shared>>) target_semaphore(%arg15 : memref<!tpu.dma_semaphore, #tpu.memory_space<semaphore_mem>>)
    %mul3A_43 = arith.constant 640 : i32
    %mul3A_44 = arith.muli %arg1, %mul3A_43 : i32
    %add3A_45 = arith.constant 384 : i32
    %add3A_46 = arith.addi %mul3A_44, %add3A_45 : i32
    %dma_start3A_47 = arith.constant 0 : i32
    %dma_start3A_48 = tpu.memref_slice %arg11[%add3A_46, %dma_start3A_47] : memref<10240x128xf32, #tpu.memory_space<vmem_shared>> -> memref<128x128xf32, #tpu.memory_space<vmem_shared>>
    %dma_start3A_49 = arith.constant 0 : i32
    %dma_start3A_50 = tpu.memref_slice %arg11[%add3A_46, %dma_start3A_49] : memref<10240x128xf32, #tpu.memory_space<vmem_shared>> -> memref<128x128xf32, #tpu.memory_space<vmem_shared>>
    tpu.enqueue_dma source(%arg10 : memref<128x128xf32, #tpu.memory_space<vmem>>) target(%dma_start3A_50 : memref<128x128xf32, #tpu.memory_space<vmem_shared>>) target_semaphore(%arg15 : memref<!tpu.dma_semaphore, #tpu.memory_space<semaphore_mem>>)
    %mul3A_51 = arith.constant 640 : i32
    %mul3A_52 = arith.muli %arg1, %mul3A_51 : i32
    %add3A_53 = arith.constant 512 : i32
    %add3A_54 = arith.addi %mul3A_52, %add3A_53 : i32
    %dma_start3A_55 = arith.constant 0 : i32
    %dma_start3A_56 = tpu.memref_slice %arg11[%add3A_54, %dma_start3A_55] : memref<10240x128xf32, #tpu.memory_space<vmem_shared>> -> memref<128x128xf32, #tpu.memory_space<vmem_shared>>
    %dma_start3A_57 = arith.constant 0 : i32
    %dma_start3A_58 = tpu.memref_slice %arg11[%add3A_54, %dma_start3A_57] : memref<10240x128xf32, #tpu.memory_space<vmem_shared>> -> memref<128x128xf32, #tpu.memory_space<vmem_shared>>
    tpu.enqueue_dma source(%arg10 : memref<128x128xf32, #tpu.memory_space<vmem>>) target(%dma_start3A_58 : memref<128x128xf32, #tpu.memory_space<vmem_shared>>) target_semaphore(%arg15 : memref<!tpu.dma_semaphore, #tpu.memory_space<semaphore_mem>>)
    %dma_wait3A = arith.constant 0 : i32
    %dma_wait3A_59 = arith.constant 0 : i32
    %dma_wait3A_60 = tpu.memref_slice %arg11[%dma_wait3A, %dma_wait3A_59] : memref<10240x128xf32, #tpu.memory_space<vmem_shared>> -> memref<128x128xf32, #tpu.memory_space<vmem_shared>>
    %dma_wait3A_61 = arith.constant 0 : i32
    %dma_wait3A_62 = arith.constant 0 : i32
    %dma_wait3A_63 = tpu.memref_slice %arg11[%dma_wait3A_61, %dma_wait3A_62] : memref<10240x128xf32, #tpu.memory_space<vmem_shared>> -> memref<128x128xf32, #tpu.memory_space<vmem_shared>>
    tpu.wait_dma2 semaphore(%arg15 : memref<!tpu.dma_semaphore, #tpu.memory_space<semaphore_mem>>) src(%arg10 : memref<128x128xf32, #tpu.memory_space<vmem>>) dst(%dma_wait3A_63 : memref<128x128xf32, #tpu.memory_space<vmem_shared>>)
    %dma_wait3A_64 = arith.constant 0 : i32
    %dma_wait3A_65 = arith.constant 0 : i32
    %dma_wait3A_66 = tpu.memref_slice %arg11[%dma_wait3A_64, %dma_wait3A_65] : memref<10240x128xf32, #tpu.memory_space<vmem_shared>> -> memref<128x128xf32, #tpu.memory_space<vmem_shared>>
    %dma_wait3A_67 = arith.constant 0 : i32
    %dma_wait3A_68 = arith.constant 0 : i32
    %dma_wait3A_69 = tpu.memref_slice %arg11[%dma_wait3A_67, %dma_wait3A_68] : memref<10240x128xf32, #tpu.memory_space<vmem_shared>> -> memref<128x128xf32, #tpu.memory_space<vmem_shared>>
    tpu.wait_dma2 semaphore(%arg15 : memref<!tpu.dma_semaphore, #tpu.memory_space<semaphore_mem>>) src(%arg10 : memref<128x128xf32, #tpu.memory_space<vmem>>) dst(%dma_wait3A_69 : memref<128x128xf32, #tpu.memory_space<vmem_shared>>)
    %dma_wait3A_70 = arith.constant 0 : i32
    %dma_wait3A_71 = arith.constant 0 : i32
    %dma_wait3A_72 = tpu.memref_slice %arg11[%dma_wait3A_70, %dma_wait3A_71] : memref<10240x128xf32, #tpu.memory_space<vmem_shared>> -> memref<128x128xf32, #tpu.memory_space<vmem_shared>>
    %dma_wait3A_73 = arith.constant 0 : i32
    %dma_wait3A_74 = arith.constant 0 : i32
    %dma_wait3A_75 = tpu.memref_slice %arg11[%dma_wait3A_73, %dma_wait3A_74] : memref<10240x128xf32, #tpu.memory_space<vmem_shared>> -> memref<128x128xf32, #tpu.memory_space<vmem_shared>>
    tpu.wait_dma2 semaphore(%arg15 : memref<!tpu.dma_semaphore, #tpu.memory_space<semaphore_mem>>) src(%arg10 : memref<128x128xf32, #tpu.memory_space<vmem>>) dst(%dma_wait3A_75 : memref<128x128xf32, #tpu.memory_space<vmem_shared>>)
    %dma_wait3A_76 = arith.constant 0 : i32
    %dma_wait3A_77 = arith.constant 0 : i32
    %dma_wait3A_78 = tpu.memref_slice %arg11[%dma_wait3A_76, %dma_wait3A_77] : memref<10240x128xf32, #tpu.memory_space<vmem_shared>> -> memref<128x128xf32, #tpu.memory_space<vmem_shared>>
    %dma_wait3A_79 = arith.constant 0 : i32
    %dma_wait3A_80 = arith.constant 0 : i32
    %dma_wait3A_81 = tpu.memref_slice %arg11[%dma_wait3A_79, %dma_wait3A_80] : memref<10240x128xf32, #tpu.memory_space<vmem_shared>> -> memref<128x128xf32, #tpu.memory_space<vmem_shared>>
    tpu.wait_dma2 semaphore(%arg15 : memref<!tpu.dma_semaphore, #tpu.memory_space<semaphore_mem>>) src(%arg10 : memref<128x128xf32, #tpu.memory_space<vmem>>) dst(%dma_wait3A_81 : memref<128x128xf32, #tpu.memory_space<vmem_shared>>)
    %dma_wait3A_82 = arith.constant 0 : i32
    %dma_wait3A_83 = arith.constant 0 : i32
    %dma_wait3A_84 = tpu.memref_slice %arg11[%dma_wait3A_82, %dma_wait3A_83] : memref<10240x128xf32, #tpu.memory_space<vmem_shared>> -> memref<128x128xf32, #tpu.memory_space<vmem_shared>>
    %dma_wait3A_85 = arith.constant 0 : i32
    %dma_wait3A_86 = arith.constant 0 : i32
    %dma_wait3A_87 = tpu.memref_slice %arg11[%dma_wait3A_85, %dma_wait3A_86] : memref<10240x128xf32, #tpu.memory_space<vmem_shared>> -> memref<128x128xf32, #tpu.memory_space<vmem_shared>>
    tpu.wait_dma2 semaphore(%arg15 : memref<!tpu.dma_semaphore, #tpu.memory_space<semaphore_mem>>) src(%arg10 : memref<128x128xf32, #tpu.memory_space<vmem>>) dst(%dma_wait3A_87 : memref<128x128xf32, #tpu.memory_space<vmem_shared>>)
    %barrier3A = arith.constant 0 : index
    tpu.barrier barrier_id(%barrier3A)
    %scan3A_88 = arith.constant 0 : i32
    %scan3A_89 = arith.constant 0 : i32
    %scan3A_90 = arith.constant 39 : i32
    %scan3A_91 = arith.addi %scan3A_89, %scan3A_90 : i32
    %scan3A_92 = arith.constant 1 : i32
    %scan3A_93 = scf.for %scan3A_282 = %scan3A_89 to %scan3A_91 step %scan3A_92 iter_args(%scan3A_283 = %scan3A_88) -> (i32)  : i32 {
      %mul3A_284 = arith.constant 10240 : i32
      %mul3A_285 = arith.muli %add3A, %mul3A_284 : i32
      %mul3A_286 = arith.constant 2 : i32
      %mul3A_287 = arith.muli %mul3A_286, %scan3A_282 : i32
      %add3A_288 = arith.constant 1 : i32
      %add3A_289 = arith.addi %mul3A_287, %add3A_288 : i32
      %dma_start3A_290 = arith.constant 0 : i32
      %dma_start3A_291 = tpu.memref_slice %arg6[%add3A_289, %dma_start3A_290] : memref<80x128xi32, #tpu.memory_space<vmem>> -> memref<1x128xi32, #tpu.memory_space<vmem>>
      %dma_start3A_292 = tpu.memref_squeeze %dma_start3A_291 : memref<1x128xi32, #tpu.memory_space<vmem>> -> memref<128xi32, #tpu.memory_space<vmem>>
      %dma_start3A_293 = arith.constant 0 : i32
      %dma_start3A_294 = arith.constant 0 : i32
      %dma_start3A_295 = tpu.memref_slice %arg2[%dma_start3A_293, %dma_start3A_294] : memref<10000x128xf32, #tpu.memory_space<hbm>> -> memref<10000x128xf32, #tpu.memory_space<hbm>>
      tpu.enqueue_indirect_dma source(%dma_start3A_295 : memref<10000x128xf32, #tpu.memory_space<hbm>>) target(%arg10 : memref<128x128xf32, #tpu.memory_space<vmem>>) offsets(%dma_start3A_292 : memref<128xi32, #tpu.memory_space<vmem>>) semaphore(%arg13 : memref<!tpu.dma_semaphore, #tpu.memory_space<semaphore_mem>>)
      %mul3A_296 = arith.constant 2 : i32
      %mul3A_297 = arith.muli %mul3A_296, %scan3A_282 : i32
      %add3A_298 = arith.constant 1 : i32
      %add3A_299 = arith.addi %mul3A_297, %add3A_298 : i32
      %mul3A_300 = arith.constant 128 : i32
      %mul3A_301 = arith.muli %add3A_299, %mul3A_300 : i32
      %add3A_302 = arith.addi %mul3A_285, %mul3A_301 : i32
      %dma_start3A_303 = tpu.memref_slice %arg4[%add3A_302] : memref<327680xi32, #tpu.memory_space<hbm>> -> memref<128xi32, #tpu.memory_space<hbm>>
      %dma_start3A_304 = tpu.memref_slice %arg4[%add3A_302] : memref<327680xi32, #tpu.memory_space<hbm>> -> memref<128xi32, #tpu.memory_space<hbm>>
      tpu.enqueue_dma source(%dma_start3A_304 : memref<128xi32, #tpu.memory_space<hbm>>) target(%arg8 : memref<128xi32, #tpu.memory_space<vmem>>) target_semaphore(%arg15 : memref<!tpu.dma_semaphore, #tpu.memory_space<semaphore_mem>>)
      %dma_wait3A_305 = arith.constant 0 : i32
      %dma_wait3A_306 = arith.constant 0 : i32
      %dma_wait3A_307 = tpu.memref_slice %arg2[%dma_wait3A_305, %dma_wait3A_306] : memref<10000x128xf32, #tpu.memory_space<hbm>> -> memref<128x128xf32, #tpu.memory_space<hbm>>
      %dma_wait3A_308 = arith.constant 0 : i32
      %dma_wait3A_309 = arith.constant 0 : i32
      %dma_wait3A_310 = tpu.memref_slice %arg2[%dma_wait3A_308, %dma_wait3A_309] : memref<10000x128xf32, #tpu.memory_space<hbm>> -> memref<128x128xf32, #tpu.memory_space<hbm>>
      tpu.wait_dma2 semaphore(%arg12 : memref<!tpu.dma_semaphore, #tpu.memory_space<semaphore_mem>>) src(%dma_wait3A_310 : memref<128x128xf32, #tpu.memory_space<hbm>>) dst(%arg9 : memref<128x128xf32, #tpu.memory_space<vmem>>)
      %dma_wait3A_311 = arith.constant 0 : i32
      %dma_wait3A_312 = tpu.memref_slice %arg4[%dma_wait3A_311] : memref<327680xi32, #tpu.memory_space<hbm>> -> memref<128xi32, #tpu.memory_space<hbm>>
      %dma_wait3A_313 = arith.constant 0 : i32
      %dma_wait3A_314 = tpu.memref_slice %arg4[%dma_wait3A_313] : memref<327680xi32, #tpu.memory_space<hbm>> -> memref<128xi32, #tpu.memory_space<hbm>>
      tpu.wait_dma2 semaphore(%arg14 : memref<!tpu.dma_semaphore, #tpu.memory_space<semaphore_mem>>) src(%dma_wait3A_314 : memref<128xi32, #tpu.memory_space<hbm>>) dst(%arg7 : memref<128xi32, #tpu.memory_space<vmem>>)
      "tpu.region"() ({
        %run_scoped3A = tpu.sem_alloc : memref<!tpu.dma_semaphore, #tpu.memory_space<semaphore_mem>>
        %dma_start3A_345 = arith.constant 0 : i32
        %dma_start3A_346 = arith.constant 0 : i32
        %dma_start3A_347 = tpu.memref_slice %arg11[%dma_start3A_345, %dma_start3A_346] : memref<10240x128xf32, #tpu.memory_space<vmem_shared>> -> memref<10240x128xf32, #tpu.memory_space<vmem_shared>>
        tpu.enqueue_indirect_dma source(%arg9 : memref<128x128xf32, #tpu.memory_space<vmem>>) target(%dma_start3A_347 : memref<10240x128xf32, #tpu.memory_space<vmem_shared>>) offsets(%arg7 : memref<128xi32, #tpu.memory_space<vmem>>) semaphore(%run_scoped3A : memref<!tpu.dma_semaphore, #tpu.memory_space<semaphore_mem>>) {add = true}
        %dma_wait3A_348 = arith.constant 0 : i32
        %dma_wait3A_349 = arith.constant 0 : i32
        %dma_wait3A_350 = tpu.memref_slice %arg11[%dma_wait3A_348, %dma_wait3A_349] : memref<10240x128xf32, #tpu.memory_space<vmem_shared>> -> memref<10240x128xf32, #tpu.memory_space<vmem_shared>>
        tpu.wait_indirect_dma semaphore(%run_scoped3A : memref<!tpu.dma_semaphore, #tpu.memory_space<semaphore_mem>>) src(%arg9 : memref<128x128xf32, #tpu.memory_space<vmem>>) dst(%dma_wait3A_350 : memref<10240x128xf32, #tpu.memory_space<vmem_shared>>)
        tpu.yield
      }) : () -> ()
      %mul3A_315 = arith.constant 2 : i32
      %mul3A_316 = arith.muli %mul3A_315, %scan3A_282 : i32
      %add3A_317 = arith.constant 2 : i32
      %add3A_318 = arith.addi %mul3A_316, %add3A_317 : i32
      %dma_start3A_319 = arith.constant 0 : i32
      %dma_start3A_320 = tpu.memref_slice %arg6[%add3A_318, %dma_start3A_319] : memref<80x128xi32, #tpu.memory_space<vmem>> -> memref<1x128xi32, #tpu.memory_space<vmem>>
      %dma_start3A_321 = tpu.memref_squeeze %dma_start3A_320 : memref<1x128xi32, #tpu.memory_space<vmem>> -> memref<128xi32, #tpu.memory_space<vmem>>
      %dma_start3A_322 = arith.constant 0 : i32
      %dma_start3A_323 = arith.constant 0 : i32
      %dma_start3A_324 = tpu.memref_slice %arg2[%dma_start3A_322, %dma_start3A_323] : memref<10000x128xf32, #tpu.memory_space<hbm>> -> memref<10000x128xf32, #tpu.memory_space<hbm>>
      tpu.enqueue_indirect_dma source(%dma_start3A_324 : memref<10000x128xf32, #tpu.memory_space<hbm>>) target(%arg9 : memref<128x128xf32, #tpu.memory_space<vmem>>) offsets(%dma_start3A_321 : memref<128xi32, #tpu.memory_space<vmem>>) semaphore(%arg12 : memref<!tpu.dma_semaphore, #tpu.memory_space<semaphore_mem>>)
      %mul3A_325 = arith.constant 2 : i32
      %mul3A_326 = arith.muli %mul3A_325, %scan3A_282 : i32
      %add3A_327 = arith.constant 2 : i32
      %add3A_328 = arith.addi %mul3A_326, %add3A_327 : i32
      %mul3A_329 = arith.constant 128 : i32
      %mul3A_330 = arith.muli %add3A_328, %mul3A_329 : i32
      %add3A_331 = arith.addi %mul3A_285, %mul3A_330 : i32
      %dma_start3A_332 = tpu.memref_slice %arg4[%add3A_331] : memref<327680xi32, #tpu.memory_space<hbm>> -> memref<128xi32, #tpu.memory_space<hbm>>
      %dma_start3A_333 = tpu.memref_slice %arg4[%add3A_331] : memref<327680xi32, #tpu.memory_space<hbm>> -> memref<128xi32, #tpu.memory_space<hbm>>
      tpu.enqueue_dma source(%dma_start3A_333 : memref<128xi32, #tpu.memory_space<hbm>>) target(%arg7 : memref<128xi32, #tpu.memory_space<vmem>>) target_semaphore(%arg14 : memref<!tpu.dma_semaphore, #tpu.memory_space<semaphore_mem>>)
      %dma_wait3A_334 = arith.constant 0 : i32
      %dma_wait3A_335 = arith.constant 0 : i32
      %dma_wait3A_336 = tpu.memref_slice %arg2[%dma_wait3A_334, %dma_wait3A_335] : memref<10000x128xf32, #tpu.memory_space<hbm>> -> memref<128x128xf32, #tpu.memory_space<hbm>>
      %dma_wait3A_337 = arith.constant 0 : i32
      %dma_wait3A_338 = arith.constant 0 : i32
      %dma_wait3A_339 = tpu.memref_slice %arg2[%dma_wait3A_337, %dma_wait3A_338] : memref<10000x128xf32, #tpu.memory_space<hbm>> -> memref<128x128xf32, #tpu.memory_space<hbm>>
      tpu.wait_dma2 semaphore(%arg13 : memref<!tpu.dma_semaphore, #tpu.memory_space<semaphore_mem>>) src(%dma_wait3A_339 : memref<128x128xf32, #tpu.memory_space<hbm>>) dst(%arg10 : memref<128x128xf32, #tpu.memory_space<vmem>>)
      %dma_wait3A_340 = arith.constant 0 : i32
      %dma_wait3A_341 = tpu.memref_slice %arg4[%dma_wait3A_340] : memref<327680xi32, #tpu.memory_space<hbm>> -> memref<128xi32, #tpu.memory_space<hbm>>
      %dma_wait3A_342 = arith.constant 0 : i32
      %dma_wait3A_343 = tpu.memref_slice %arg4[%dma_wait3A_342] : memref<327680xi32, #tpu.memory_space<hbm>> -> memref<128xi32, #tpu.memory_space<hbm>>
      tpu.wait_dma2 semaphore(%arg15 : memref<!tpu.dma_semaphore, #tpu.memory_space<semaphore_mem>>) src(%dma_wait3A_343 : memref<128xi32, #tpu.memory_space<hbm>>) dst(%arg8 : memref<128xi32, #tpu.memory_space<vmem>>)
      "tpu.region"() ({
        %run_scoped3A = tpu.sem_alloc : memref<!tpu.dma_semaphore, #tpu.memory_space<semaphore_mem>>
        %dma_start3A_345 = arith.constant 0 : i32
        %dma_start3A_346 = arith.constant 0 : i32
        %dma_start3A_347 = tpu.memref_slice %arg11[%dma_start3A_345, %dma_start3A_346] : memref<10240x128xf32, #tpu.memory_space<vmem_shared>> -> memref<10240x128xf32, #tpu.memory_space<vmem_shared>>
        tpu.enqueue_indirect_dma source(%arg10 : memref<128x128xf32, #tpu.memory_space<vmem>>) target(%dma_start3A_347 : memref<10240x128xf32, #tpu.memory_space<vmem_shared>>) offsets(%arg8 : memref<128xi32, #tpu.memory_space<vmem>>) semaphore(%run_scoped3A : memref<!tpu.dma_semaphore, #tpu.memory_space<semaphore_mem>>) {add = true}
        %dma_wait3A_348 = arith.constant 0 : i32
        %dma_wait3A_349 = arith.constant 0 : i32
        %dma_wait3A_350 = tpu.memref_slice %arg11[%dma_wait3A_348, %dma_wait3A_349] : memref<10240x128xf32, #tpu.memory_space<vmem_shared>> -> memref<10240x128xf32, #tpu.memory_space<vmem_shared>>
        tpu.wait_indirect_dma semaphore(%run_scoped3A : memref<!tpu.dma_semaphore, #tpu.memory_space<semaphore_mem>>) src(%arg10 : memref<128x128xf32, #tpu.memory_space<vmem>>) dst(%dma_wait3A_350 : memref<10240x128xf32, #tpu.memory_space<vmem_shared>>)
        tpu.yield
      }) : () -> ()
      %scan3A_344 = arith.constant 0 : i32
      scf.yield %scan3A_344 : i32
    }
    %scan3A_94 = arith.constant 39 : i32
    %dma_start3A_95 = arith.constant 79 : i32
    %dma_start3A_96 = arith.constant 0 : i32
    %dma_start3A_97 = tpu.memref_slice %arg6[%dma_start3A_95, %dma_start3A_96] : memref<80x128xi32, #tpu.memory_space<vmem>> -> memref<1x128xi32, #tpu.memory_space<vmem>>
    %dma_start3A_98 = tpu.memref_squeeze %dma_start3A_97 : memref<1x128xi32, #tpu.memory_space<vmem>> -> memref<128xi32, #tpu.memory_space<vmem>>
    %dma_start3A_99 = arith.constant 0 : i32
    %dma_start3A_100 = arith.constant 0 : i32
    %dma_start3A_101 = tpu.memref_slice %arg2[%dma_start3A_99, %dma_start3A_100] : memref<10000x128xf32, #tpu.memory_space<hbm>> -> memref<10000x128xf32, #tpu.memory_space<hbm>>
    tpu.enqueue_indirect_dma source(%dma_start3A_101 : memref<10000x128xf32, #tpu.memory_space<hbm>>) target(%arg10 : memref<128x128xf32, #tpu.memory_space<vmem>>) offsets(%dma_start3A_98 : memref<128xi32, #tpu.memory_space<vmem>>) semaphore(%arg13 : memref<!tpu.dma_semaphore, #tpu.memory_space<semaphore_mem>>)
    %mul3A_102 = arith.constant 10240 : i32
    %mul3A_103 = arith.muli %add3A, %mul3A_102 : i32
    %add3A_104 = arith.constant 10112 : i32
    %add3A_105 = arith.addi %mul3A_103, %add3A_104 : i32
    %dma_start3A_106 = tpu.memref_slice %arg4[%add3A_105] : memref<327680xi32, #tpu.memory_space<hbm>> -> memref<128xi32, #tpu.memory_space<hbm>>
    %dma_start3A_107 = tpu.memref_slice %arg4[%add3A_105] : memref<327680xi32, #tpu.memory_space<hbm>> -> memref<128xi32, #tpu.memory_space<hbm>>
    tpu.enqueue_dma source(%dma_start3A_107 : memref<128xi32, #tpu.memory_space<hbm>>) target(%arg8 : memref<128xi32, #tpu.memory_space<vmem>>) target_semaphore(%arg15 : memref<!tpu.dma_semaphore, #tpu.memory_space<semaphore_mem>>)
    %dma_wait3A_108 = arith.constant 0 : i32
    %dma_wait3A_109 = arith.constant 0 : i32
    %dma_wait3A_110 = tpu.memref_slice %arg2[%dma_wait3A_108, %dma_wait3A_109] : memref<10000x128xf32, #tpu.memory_space<hbm>> -> memref<128x128xf32, #tpu.memory_space<hbm>>
    %dma_wait3A_111 = arith.constant 0 : i32
    %dma_wait3A_112 = arith.constant 0 : i32
    %dma_wait3A_113 = tpu.memref_slice %arg2[%dma_wait3A_111, %dma_wait3A_112] : memref<10000x128xf32, #tpu.memory_space<hbm>> -> memref<128x128xf32, #tpu.memory_space<hbm>>
    tpu.wait_dma2 semaphore(%arg12 : memref<!tpu.dma_semaphore, #tpu.memory_space<semaphore_mem>>) src(%dma_wait3A_113 : memref<128x128xf32, #tpu.memory_space<hbm>>) dst(%arg9 : memref<128x128xf32, #tpu.memory_space<vmem>>)
    %dma_wait3A_114 = arith.constant 0 : i32
    %dma_wait3A_115 = tpu.memref_slice %arg4[%dma_wait3A_114] : memref<327680xi32, #tpu.memory_space<hbm>> -> memref<128xi32, #tpu.memory_space<hbm>>
    %dma_wait3A_116 = arith.constant 0 : i32
    %dma_wait3A_117 = tpu.memref_slice %arg4[%dma_wait3A_116] : memref<327680xi32, #tpu.memory_space<hbm>> -> memref<128xi32, #tpu.memory_space<hbm>>
    tpu.wait_dma2 semaphore(%arg14 : memref<!tpu.dma_semaphore, #tpu.memory_space<semaphore_mem>>) src(%dma_wait3A_117 : memref<128xi32, #tpu.memory_space<hbm>>) dst(%arg7 : memref<128xi32, #tpu.memory_space<vmem>>)
    "tpu.region"() ({
      %run_scoped3A = tpu.sem_alloc : memref<!tpu.dma_semaphore, #tpu.memory_space<semaphore_mem>>
      %dma_start3A_282 = arith.constant 0 : i32
      %dma_start3A_283 = arith.constant 0 : i32
      %dma_start3A_284 = tpu.memref_slice %arg11[%dma_start3A_282, %dma_start3A_283] : memref<10240x128xf32, #tpu.memory_space<vmem_shared>> -> memref<10240x128xf32, #tpu.memory_space<vmem_shared>>
      tpu.enqueue_indirect_dma source(%arg9 : memref<128x128xf32, #tpu.memory_space<vmem>>) target(%dma_start3A_284 : memref<10240x128xf32, #tpu.memory_space<vmem_shared>>) offsets(%arg7 : memref<128xi32, #tpu.memory_space<vmem>>) semaphore(%run_scoped3A : memref<!tpu.dma_semaphore, #tpu.memory_space<semaphore_mem>>) {add = true}
      %dma_wait3A_285 = arith.constant 0 : i32
      %dma_wait3A_286 = arith.constant 0 : i32
      %dma_wait3A_287 = tpu.memref_slice %arg11[%dma_wait3A_285, %dma_wait3A_286] : memref<10240x128xf32, #tpu.memory_space<vmem_shared>> -> memref<10240x128xf32, #tpu.memory_space<vmem_shared>>
      tpu.wait_indirect_dma semaphore(%run_scoped3A : memref<!tpu.dma_semaphore, #tpu.memory_space<semaphore_mem>>) src(%arg9 : memref<128x128xf32, #tpu.memory_space<vmem>>) dst(%dma_wait3A_287 : memref<10240x128xf32, #tpu.memory_space<vmem_shared>>)
      tpu.yield
    }) : () -> ()
    %dma_wait3A_118 = arith.constant 0 : i32
    %dma_wait3A_119 = arith.constant 0 : i32
    %dma_wait3A_120 = tpu.memref_slice %arg2[%dma_wait3A_118, %dma_wait3A_119] : memref<10000x128xf32, #tpu.memory_space<hbm>> -> memref<128x128xf32, #tpu.memory_space<hbm>>
    %dma_wait3A_121 = arith.constant 0 : i32
    %dma_wait3A_122 = arith.constant 0 : i32
    %dma_wait3A_123 = tpu.memref_slice %arg2[%dma_wait3A_121, %dma_wait3A_122] : memref<10000x128xf32, #tpu.memory_space<hbm>> -> memref<128x128xf32, #tpu.memory_space<hbm>>
    tpu.wait_dma2 semaphore(%arg13 : memref<!tpu.dma_semaphore, #tpu.memory_space<semaphore_mem>>) src(%dma_wait3A_123 : memref<128x128xf32, #tpu.memory_space<hbm>>) dst(%arg10 : memref<128x128xf32, #tpu.memory_space<vmem>>)
    %dma_wait3A_124 = arith.constant 0 : i32
    %dma_wait3A_125 = tpu.memref_slice %arg4[%dma_wait3A_124] : memref<327680xi32, #tpu.memory_space<hbm>> -> memref<128xi32, #tpu.memory_space<hbm>>
    %dma_wait3A_126 = arith.constant 0 : i32
    %dma_wait3A_127 = tpu.memref_slice %arg4[%dma_wait3A_126] : memref<327680xi32, #tpu.memory_space<hbm>> -> memref<128xi32, #tpu.memory_space<hbm>>
    tpu.wait_dma2 semaphore(%arg15 : memref<!tpu.dma_semaphore, #tpu.memory_space<semaphore_mem>>) src(%dma_wait3A_127 : memref<128xi32, #tpu.memory_space<hbm>>) dst(%arg8 : memref<128xi32, #tpu.memory_space<vmem>>)
    "tpu.region"() ({
      %run_scoped3A = tpu.sem_alloc : memref<!tpu.dma_semaphore, #tpu.memory_space<semaphore_mem>>
      %dma_start3A_282 = arith.constant 0 : i32
      %dma_start3A_283 = arith.constant 0 : i32
      %dma_start3A_284 = tpu.memref_slice %arg11[%dma_start3A_282, %dma_start3A_283] : memref<10240x128xf32, #tpu.memory_space<vmem_shared>> -> memref<10240x128xf32, #tpu.memory_space<vmem_shared>>
      tpu.enqueue_indirect_dma source(%arg10 : memref<128x128xf32, #tpu.memory_space<vmem>>) target(%dma_start3A_284 : memref<10240x128xf32, #tpu.memory_space<vmem_shared>>) offsets(%arg8 : memref<128xi32, #tpu.memory_space<vmem>>) semaphore(%run_scoped3A : memref<!tpu.dma_semaphore, #tpu.memory_space<semaphore_mem>>) {add = true}
      %dma_wait3A_285 = arith.constant 0 : i32
      %dma_wait3A_286 = arith.constant 0 : i32
      %dma_wait3A_287 = tpu.memref_slice %arg11[%dma_wait3A_285, %dma_wait3A_286] : memref<10240x128xf32, #tpu.memory_space<vmem_shared>> -> memref<10240x128xf32, #tpu.memory_space<vmem_shared>>
      tpu.wait_indirect_dma semaphore(%run_scoped3A : memref<!tpu.dma_semaphore, #tpu.memory_space<semaphore_mem>>) src(%arg10 : memref<128x128xf32, #tpu.memory_space<vmem>>) dst(%dma_wait3A_287 : memref<10240x128xf32, #tpu.memory_space<vmem_shared>>)
      tpu.yield
    }) : () -> ()
    %barrier3A_128 = arith.constant 0 : index
    tpu.barrier barrier_id(%barrier3A_128)
    %mul3A_129 = arith.constant 640 : i32
    %mul3A_130 = arith.muli %arg1, %mul3A_129 : i32
    %dma_start3A_131 = arith.constant 0 : i32
    %dma_start3A_132 = tpu.memref_slice %arg11[%mul3A_130, %dma_start3A_131] : memref<10240x128xf32, #tpu.memory_space<vmem_shared>> -> memref<128x128xf32, #tpu.memory_space<vmem_shared>>
    %dma_start3A_133 = arith.constant 0 : i32
    %dma_start3A_134 = tpu.memref_slice %arg11[%mul3A_130, %dma_start3A_133] : memref<10240x128xf32, #tpu.memory_space<vmem_shared>> -> memref<128x128xf32, #tpu.memory_space<vmem_shared>>
    tpu.enqueue_dma source(%dma_start3A_134 : memref<128x128xf32, #tpu.memory_space<vmem_shared>>) target(%arg9 : memref<128x128xf32, #tpu.memory_space<vmem>>) target_semaphore(%arg12 : memref<!tpu.dma_semaphore, #tpu.memory_space<semaphore_mem>>)
    %dma_wait3A_135 = arith.constant 0 : i32
    %dma_wait3A_136 = arith.constant 0 : i32
    %dma_wait3A_137 = tpu.memref_slice %arg11[%dma_wait3A_135, %dma_wait3A_136] : memref<10240x128xf32, #tpu.memory_space<vmem_shared>> -> memref<128x128xf32, #tpu.memory_space<vmem_shared>>
    %dma_wait3A_138 = arith.constant 0 : i32
    %dma_wait3A_139 = arith.constant 0 : i32
    %dma_wait3A_140 = tpu.memref_slice %arg11[%dma_wait3A_138, %dma_wait3A_139] : memref<10240x128xf32, #tpu.memory_space<vmem_shared>> -> memref<128x128xf32, #tpu.memory_space<vmem_shared>>
    tpu.wait_dma2 semaphore(%arg12 : memref<!tpu.dma_semaphore, #tpu.memory_space<semaphore_mem>>) src(%dma_wait3A_140 : memref<128x128xf32, #tpu.memory_space<vmem_shared>>) dst(%arg9 : memref<128x128xf32, #tpu.memory_space<vmem>>)
    %mul3A_141 = arith.constant 10240 : i32
    %mul3A_142 = arith.muli %arg0, %mul3A_141 : i32
    %mul3A_143 = arith.constant 640 : i32
    %mul3A_144 = arith.muli %arg1, %mul3A_143 : i32
    %add3A_145 = arith.addi %mul3A_142, %mul3A_144 : i32
    %add3A_146 = arith.constant 0 : i32
    %add3A_147 = arith.addi %add3A_145, %add3A_146 : i32
    %dma_start3A_148 = arith.constant 0 : i32
    %dma_start3A_149 = tpu.memref_slice %arg5[%add3A_147, %dma_start3A_148] : memref<20480x128xf32, #tpu.memory_space<hbm>> -> memref<128x128xf32, #tpu.memory_space<hbm>>
    %dma_start3A_150 = arith.constant 0 : i32
    %dma_start3A_151 = tpu.memref_slice %arg5[%add3A_147, %dma_start3A_150] : memref<20480x128xf32, #tpu.memory_space<hbm>> -> memref<128x128xf32, #tpu.memory_space<hbm>>
    tpu.enqueue_dma source(%arg9 : memref<128x128xf32, #tpu.memory_space<vmem>>) target(%dma_start3A_151 : memref<128x128xf32, #tpu.memory_space<hbm>>) target_semaphore(%arg14 : memref<!tpu.dma_semaphore, #tpu.memory_space<semaphore_mem>>)
    %mul3A_152 = arith.constant 640 : i32
    %mul3A_153 = arith.muli %arg1, %mul3A_152 : i32
    %add3A_154 = arith.constant 128 : i32
    %add3A_155 = arith.addi %mul3A_153, %add3A_154 : i32
    %dma_start3A_156 = arith.constant 0 : i32
    %dma_start3A_157 = tpu.memref_slice %arg11[%add3A_155, %dma_start3A_156] : memref<10240x128xf32, #tpu.memory_space<vmem_shared>> -> memref<128x128xf32, #tpu.memory_space<vmem_shared>>
    %dma_start3A_158 = arith.constant 0 : i32
    %dma_start3A_159 = tpu.memref_slice %arg11[%add3A_155, %dma_start3A_158] : memref<10240x128xf32, #tpu.memory_space<vmem_shared>> -> memref<128x128xf32, #tpu.memory_space<vmem_shared>>
    tpu.enqueue_dma source(%dma_start3A_159 : memref<128x128xf32, #tpu.memory_space<vmem_shared>>) target(%arg10 : memref<128x128xf32, #tpu.memory_space<vmem>>) target_semaphore(%arg13 : memref<!tpu.dma_semaphore, #tpu.memory_space<semaphore_mem>>)
    %dma_wait3A_160 = arith.constant 0 : i32
    %dma_wait3A_161 = arith.constant 0 : i32
    %dma_wait3A_162 = tpu.memref_slice %arg11[%dma_wait3A_160, %dma_wait3A_161] : memref<10240x128xf32, #tpu.memory_space<vmem_shared>> -> memref<128x128xf32, #tpu.memory_space<vmem_shared>>
    %dma_wait3A_163 = arith.constant 0 : i32
    %dma_wait3A_164 = arith.constant 0 : i32
    %dma_wait3A_165 = tpu.memref_slice %arg11[%dma_wait3A_163, %dma_wait3A_164] : memref<10240x128xf32, #tpu.memory_space<vmem_shared>> -> memref<128x128xf32, #tpu.memory_space<vmem_shared>>
    tpu.wait_dma2 semaphore(%arg13 : memref<!tpu.dma_semaphore, #tpu.memory_space<semaphore_mem>>) src(%dma_wait3A_165 : memref<128x128xf32, #tpu.memory_space<vmem_shared>>) dst(%arg10 : memref<128x128xf32, #tpu.memory_space<vmem>>)
    %mul3A_166 = arith.constant 10240 : i32
    %mul3A_167 = arith.muli %arg0, %mul3A_166 : i32
    %mul3A_168 = arith.constant 640 : i32
    %mul3A_169 = arith.muli %arg1, %mul3A_168 : i32
    %add3A_170 = arith.addi %mul3A_167, %mul3A_169 : i32
    %add3A_171 = arith.constant 128 : i32
    %add3A_172 = arith.addi %add3A_170, %add3A_171 : i32
    %dma_start3A_173 = arith.constant 0 : i32
    %dma_start3A_174 = tpu.memref_slice %arg5[%add3A_172, %dma_start3A_173] : memref<20480x128xf32, #tpu.memory_space<hbm>> -> memref<128x128xf32, #tpu.memory_space<hbm>>
    %dma_start3A_175 = arith.constant 0 : i32
    %dma_start3A_176 = tpu.memref_slice %arg5[%add3A_172, %dma_start3A_175] : memref<20480x128xf32, #tpu.memory_space<hbm>> -> memref<128x128xf32, #tpu.memory_space<hbm>>
    tpu.enqueue_dma source(%arg10 : memref<128x128xf32, #tpu.memory_space<vmem>>) target(%dma_start3A_176 : memref<128x128xf32, #tpu.memory_space<hbm>>) target_semaphore(%arg15 : memref<!tpu.dma_semaphore, #tpu.memory_space<semaphore_mem>>)
    %dma_wait3A_177 = arith.constant 0 : i32
    %dma_wait3A_178 = arith.constant 0 : i32
    %dma_wait3A_179 = tpu.memref_slice %arg5[%dma_wait3A_177, %dma_wait3A_178] : memref<20480x128xf32, #tpu.memory_space<hbm>> -> memref<128x128xf32, #tpu.memory_space<hbm>>
    %dma_wait3A_180 = arith.constant 0 : i32
    %dma_wait3A_181 = arith.constant 0 : i32
    %dma_wait3A_182 = tpu.memref_slice %arg5[%dma_wait3A_180, %dma_wait3A_181] : memref<20480x128xf32, #tpu.memory_space<hbm>> -> memref<128x128xf32, #tpu.memory_space<hbm>>
    tpu.wait_dma2 semaphore(%arg14 : memref<!tpu.dma_semaphore, #tpu.memory_space<semaphore_mem>>) src(%arg9 : memref<128x128xf32, #tpu.memory_space<vmem>>) dst(%dma_wait3A_182 : memref<128x128xf32, #tpu.memory_space<hbm>>)
    %mul3A_183 = arith.constant 640 : i32
    %mul3A_184 = arith.muli %arg1, %mul3A_183 : i32
    %add3A_185 = arith.constant 256 : i32
    %add3A_186 = arith.addi %mul3A_184, %add3A_185 : i32
    %dma_start3A_187 = arith.constant 0 : i32
    %dma_start3A_188 = tpu.memref_slice %arg11[%add3A_186, %dma_start3A_187] : memref<10240x128xf32, #tpu.memory_space<vmem_shared>> -> memref<128x128xf32, #tpu.memory_space<vmem_shared>>
    %dma_start3A_189 = arith.constant 0 : i32
    %dma_start3A_190 = tpu.memref_slice %arg11[%add3A_186, %dma_start3A_189] : memref<10240x128xf32, #tpu.memory_space<vmem_shared>> -> memref<128x128xf32, #tpu.memory_space<vmem_shared>>
    tpu.enqueue_dma source(%dma_start3A_190 : memref<128x128xf32, #tpu.memory_space<vmem_shared>>) target(%arg9 : memref<128x128xf32, #tpu.memory_space<vmem>>) target_semaphore(%arg12 : memref<!tpu.dma_semaphore, #tpu.memory_space<semaphore_mem>>)
    %dma_wait3A_191 = arith.constant 0 : i32
    %dma_wait3A_192 = arith.constant 0 : i32
    %dma_wait3A_193 = tpu.memref_slice %arg11[%dma_wait3A_191, %dma_wait3A_192] : memref<10240x128xf32, #tpu.memory_space<vmem_shared>> -> memref<128x128xf32, #tpu.memory_space<vmem_shared>>
    %dma_wait3A_194 = arith.constant 0 : i32
    %dma_wait3A_195 = arith.constant 0 : i32
    %dma_wait3A_196 = tpu.memref_slice %arg11[%dma_wait3A_194, %dma_wait3A_195] : memref<10240x128xf32, #tpu.memory_space<vmem_shared>> -> memref<128x128xf32, #tpu.memory_space<vmem_shared>>
    tpu.wait_dma2 semaphore(%arg12 : memref<!tpu.dma_semaphore, #tpu.memory_space<semaphore_mem>>) src(%dma_wait3A_196 : memref<128x128xf32, #tpu.memory_space<vmem_shared>>) dst(%arg9 : memref<128x128xf32, #tpu.memory_space<vmem>>)
    %mul3A_197 = arith.constant 10240 : i32
    %mul3A_198 = arith.muli %arg0, %mul3A_197 : i32
    %mul3A_199 = arith.constant 640 : i32
    %mul3A_200 = arith.muli %arg1, %mul3A_199 : i32
    %add3A_201 = arith.addi %mul3A_198, %mul3A_200 : i32
    %add3A_202 = arith.constant 256 : i32
    %add3A_203 = arith.addi %add3A_201, %add3A_202 : i32
    %dma_start3A_204 = arith.constant 0 : i32
    %dma_start3A_205 = tpu.memref_slice %arg5[%add3A_203, %dma_start3A_204] : memref<20480x128xf32, #tpu.memory_space<hbm>> -> memref<128x128xf32, #tpu.memory_space<hbm>>
    %dma_start3A_206 = arith.constant 0 : i32
    %dma_start3A_207 = tpu.memref_slice %arg5[%add3A_203, %dma_start3A_206] : memref<20480x128xf32, #tpu.memory_space<hbm>> -> memref<128x128xf32, #tpu.memory_space<hbm>>
    tpu.enqueue_dma source(%arg9 : memref<128x128xf32, #tpu.memory_space<vmem>>) target(%dma_start3A_207 : memref<128x128xf32, #tpu.memory_space<hbm>>) target_semaphore(%arg14 : memref<!tpu.dma_semaphore, #tpu.memory_space<semaphore_mem>>)
    %dma_wait3A_208 = arith.constant 0 : i32
    %dma_wait3A_209 = arith.constant 0 : i32
    %dma_wait3A_210 = tpu.memref_slice %arg5[%dma_wait3A_208, %dma_wait3A_209] : memref<20480x128xf32, #tpu.memory_space<hbm>> -> memref<128x128xf32, #tpu.memory_space<hbm>>
    %dma_wait3A_211 = arith.constant 0 : i32
    %dma_wait3A_212 = arith.constant 0 : i32
    %dma_wait3A_213 = tpu.memref_slice %arg5[%dma_wait3A_211, %dma_wait3A_212] : memref<20480x128xf32, #tpu.memory_space<hbm>> -> memref<128x128xf32, #tpu.memory_space<hbm>>
    tpu.wait_dma2 semaphore(%arg15 : memref<!tpu.dma_semaphore, #tpu.memory_space<semaphore_mem>>) src(%arg10 : memref<128x128xf32, #tpu.memory_space<vmem>>) dst(%dma_wait3A_213 : memref<128x128xf32, #tpu.memory_space<hbm>>)
    %mul3A_214 = arith.constant 640 : i32
    %mul3A_215 = arith.muli %arg1, %mul3A_214 : i32
    %add3A_216 = arith.constant 384 : i32
    %add3A_217 = arith.addi %mul3A_215, %add3A_216 : i32
    %dma_start3A_218 = arith.constant 0 : i32
    %dma_start3A_219 = tpu.memref_slice %arg11[%add3A_217, %dma_start3A_218] : memref<10240x128xf32, #tpu.memory_space<vmem_shared>> -> memref<128x128xf32, #tpu.memory_space<vmem_shared>>
    %dma_start3A_220 = arith.constant 0 : i32
    %dma_start3A_221 = tpu.memref_slice %arg11[%add3A_217, %dma_start3A_220] : memref<10240x128xf32, #tpu.memory_space<vmem_shared>> -> memref<128x128xf32, #tpu.memory_space<vmem_shared>>
    tpu.enqueue_dma source(%dma_start3A_221 : memref<128x128xf32, #tpu.memory_space<vmem_shared>>) target(%arg10 : memref<128x128xf32, #tpu.memory_space<vmem>>) target_semaphore(%arg13 : memref<!tpu.dma_semaphore, #tpu.memory_space<semaphore_mem>>)
    %dma_wait3A_222 = arith.constant 0 : i32
    %dma_wait3A_223 = arith.constant 0 : i32
    %dma_wait3A_224 = tpu.memref_slice %arg11[%dma_wait3A_222, %dma_wait3A_223] : memref<10240x128xf32, #tpu.memory_space<vmem_shared>> -> memref<128x128xf32, #tpu.memory_space<vmem_shared>>
    %dma_wait3A_225 = arith.constant 0 : i32
    %dma_wait3A_226 = arith.constant 0 : i32
    %dma_wait3A_227 = tpu.memref_slice %arg11[%dma_wait3A_225, %dma_wait3A_226] : memref<10240x128xf32, #tpu.memory_space<vmem_shared>> -> memref<128x128xf32, #tpu.memory_space<vmem_shared>>
    tpu.wait_dma2 semaphore(%arg13 : memref<!tpu.dma_semaphore, #tpu.memory_space<semaphore_mem>>) src(%dma_wait3A_227 : memref<128x128xf32, #tpu.memory_space<vmem_shared>>) dst(%arg10 : memref<128x128xf32, #tpu.memory_space<vmem>>)
    %mul3A_228 = arith.constant 10240 : i32
    %mul3A_229 = arith.muli %arg0, %mul3A_228 : i32
    %mul3A_230 = arith.constant 640 : i32
    %mul3A_231 = arith.muli %arg1, %mul3A_230 : i32
    %add3A_232 = arith.addi %mul3A_229, %mul3A_231 : i32
    %add3A_233 = arith.constant 384 : i32
    %add3A_234 = arith.addi %add3A_232, %add3A_233 : i32
    %dma_start3A_235 = arith.constant 0 : i32
    %dma_start3A_236 = tpu.memref_slice %arg5[%add3A_234, %dma_start3A_235] : memref<20480x128xf32, #tpu.memory_space<hbm>> -> memref<128x128xf32, #tpu.memory_space<hbm>>
    %dma_start3A_237 = arith.constant 0 : i32
    %dma_start3A_238 = tpu.memref_slice %arg5[%add3A_234, %dma_start3A_237] : memref<20480x128xf32, #tpu.memory_space<hbm>> -> memref<128x128xf32, #tpu.memory_space<hbm>>
    tpu.enqueue_dma source(%arg10 : memref<128x128xf32, #tpu.memory_space<vmem>>) target(%dma_start3A_238 : memref<128x128xf32, #tpu.memory_space<hbm>>) target_semaphore(%arg15 : memref<!tpu.dma_semaphore, #tpu.memory_space<semaphore_mem>>)
    %dma_wait3A_239 = arith.constant 0 : i32
    %dma_wait3A_240 = arith.constant 0 : i32
    %dma_wait3A_241 = tpu.memref_slice %arg5[%dma_wait3A_239, %dma_wait3A_240] : memref<20480x128xf32, #tpu.memory_space<hbm>> -> memref<128x128xf32, #tpu.memory_space<hbm>>
    %dma_wait3A_242 = arith.constant 0 : i32
    %dma_wait3A_243 = arith.constant 0 : i32
    %dma_wait3A_244 = tpu.memref_slice %arg5[%dma_wait3A_242, %dma_wait3A_243] : memref<20480x128xf32, #tpu.memory_space<hbm>> -> memref<128x128xf32, #tpu.memory_space<hbm>>
    tpu.wait_dma2 semaphore(%arg14 : memref<!tpu.dma_semaphore, #tpu.memory_space<semaphore_mem>>) src(%arg9 : memref<128x128xf32, #tpu.memory_space<vmem>>) dst(%dma_wait3A_244 : memref<128x128xf32, #tpu.memory_space<hbm>>)
    %mul3A_245 = arith.constant 640 : i32
    %mul3A_246 = arith.muli %arg1, %mul3A_245 : i32
    %add3A_247 = arith.constant 512 : i32
    %add3A_248 = arith.addi %mul3A_246, %add3A_247 : i32
    %dma_start3A_249 = arith.constant 0 : i32
    %dma_start3A_250 = tpu.memref_slice %arg11[%add3A_248, %dma_start3A_249] : memref<10240x128xf32, #tpu.memory_space<vmem_shared>> -> memref<128x128xf32, #tpu.memory_space<vmem_shared>>
    %dma_start3A_251 = arith.constant 0 : i32
    %dma_start3A_252 = tpu.memref_slice %arg11[%add3A_248, %dma_start3A_251] : memref<10240x128xf32, #tpu.memory_space<vmem_shared>> -> memref<128x128xf32, #tpu.memory_space<vmem_shared>>
    tpu.enqueue_dma source(%dma_start3A_252 : memref<128x128xf32, #tpu.memory_space<vmem_shared>>) target(%arg9 : memref<128x128xf32, #tpu.memory_space<vmem>>) target_semaphore(%arg12 : memref<!tpu.dma_semaphore, #tpu.memory_space<semaphore_mem>>)
    %dma_wait3A_253 = arith.constant 0 : i32
    %dma_wait3A_254 = arith.constant 0 : i32
    %dma_wait3A_255 = tpu.memref_slice %arg11[%dma_wait3A_253, %dma_wait3A_254] : memref<10240x128xf32, #tpu.memory_space<vmem_shared>> -> memref<128x128xf32, #tpu.memory_space<vmem_shared>>
    %dma_wait3A_256 = arith.constant 0 : i32
    %dma_wait3A_257 = arith.constant 0 : i32
    %dma_wait3A_258 = tpu.memref_slice %arg11[%dma_wait3A_256, %dma_wait3A_257] : memref<10240x128xf32, #tpu.memory_space<vmem_shared>> -> memref<128x128xf32, #tpu.memory_space<vmem_shared>>
    tpu.wait_dma2 semaphore(%arg12 : memref<!tpu.dma_semaphore, #tpu.memory_space<semaphore_mem>>) src(%dma_wait3A_258 : memref<128x128xf32, #tpu.memory_space<vmem_shared>>) dst(%arg9 : memref<128x128xf32, #tpu.memory_space<vmem>>)
    %mul3A_259 = arith.constant 10240 : i32
    %mul3A_260 = arith.muli %arg0, %mul3A_259 : i32
    %mul3A_261 = arith.constant 640 : i32
    %mul3A_262 = arith.muli %arg1, %mul3A_261 : i32
    %add3A_263 = arith.addi %mul3A_260, %mul3A_262 : i32
    %add3A_264 = arith.constant 512 : i32
    %add3A_265 = arith.addi %add3A_263, %add3A_264 : i32
    %dma_start3A_266 = arith.constant 0 : i32
    %dma_start3A_267 = tpu.memref_slice %arg5[%add3A_265, %dma_start3A_266] : memref<20480x128xf32, #tpu.memory_space<hbm>> -> memref<128x128xf32, #tpu.memory_space<hbm>>
    %dma_start3A_268 = arith.constant 0 : i32
    %dma_start3A_269 = tpu.memref_slice %arg5[%add3A_265, %dma_start3A_268] : memref<20480x128xf32, #tpu.memory_space<hbm>> -> memref<128x128xf32, #tpu.memory_space<hbm>>
    tpu.enqueue_dma source(%arg9 : memref<128x128xf32, #tpu.memory_space<vmem>>) target(%dma_start3A_269 : memref<128x128xf32, #tpu.memory_space<hbm>>) target_semaphore(%arg14 : memref<!tpu.dma_semaphore, #tpu.memory_space<semaphore_mem>>)
    %dma_wait3A_270 = arith.constant 0 : i32
    %dma_wait3A_271 = arith.constant 0 : i32
    %dma_wait3A_272 = tpu.memref_slice %arg5[%dma_wait3A_270, %dma_wait3A_271] : memref<20480x128xf32, #tpu.memory_space<hbm>> -> memref<128x128xf32, #tpu.memory_space<hbm>>
    %dma_wait3A_273 = arith.constant 0 : i32
    %dma_wait3A_274 = arith.constant 0 : i32
    %dma_wait3A_275 = tpu.memref_slice %arg5[%dma_wait3A_273, %dma_wait3A_274] : memref<20480x128xf32, #tpu.memory_space<hbm>> -> memref<128x128xf32, #tpu.memory_space<hbm>>
    tpu.wait_dma2 semaphore(%arg15 : memref<!tpu.dma_semaphore, #tpu.memory_space<semaphore_mem>>) src(%arg10 : memref<128x128xf32, #tpu.memory_space<vmem>>) dst(%dma_wait3A_275 : memref<128x128xf32, #tpu.memory_space<hbm>>)
    %dma_wait3A_276 = arith.constant 0 : i32
    %dma_wait3A_277 = arith.constant 0 : i32
    %dma_wait3A_278 = tpu.memref_slice %arg5[%dma_wait3A_276, %dma_wait3A_277] : memref<20480x128xf32, #tpu.memory_space<hbm>> -> memref<128x128xf32, #tpu.memory_space<hbm>>
    %dma_wait3A_279 = arith.constant 0 : i32
    %dma_wait3A_280 = arith.constant 0 : i32
    %dma_wait3A_281 = tpu.memref_slice %arg5[%dma_wait3A_279, %dma_wait3A_280] : memref<20480x128xf32, #tpu.memory_space<hbm>> -> memref<128x128xf32, #tpu.memory_space<hbm>>
    tpu.wait_dma2 semaphore(%arg14 : memref<!tpu.dma_semaphore, #tpu.memory_space<semaphore_mem>>) src(%arg9 : memref<128x128xf32, #tpu.memory_space<vmem>>) dst(%dma_wait3A_281 : memref<128x128xf32, #tpu.memory_space<hbm>>)
    return
  }
}

module attributes {stable_mosaic.version = 14 : i64} {
  func.func @_mm_scale_body(%arg0: i32, %arg1: memref<1000x128xf32, #tpu.memory_space<vmem>>, %arg2: memref<128x128xf32, #tpu.memory_space<vmem>>, %arg3: memref<2x1000x128xf32, #tpu.memory_space<vmem>>, %arg4: memref<1000x128xf32, #tpu.memory_space<vmem>>) attributes {dimension_semantics = [#tpu.dimension_semantics<arbitrary>], iteration_bounds = array<i64: 10>, scalar_prefetch = 0 : i64, scratch_operands = 0 : i64, tpu.core_type = #tpu.core_type<tc>, window_params = [{transform_indices = @transform_0, window_bounds = array<i64: 1000, 128>}, {pipeline_mode = #tpu.pipeline_mode<synchronous>, transform_indices = @transform_1, window_bounds = array<i64: 128, 128>}, {transform_indices = @transform_2, window_bounds = array<i64: 2, 1000, 128>}, {transform_indices = @transform_3, window_bounds = array<i64: 1000, 128>}]} {
    %get3A = arith.constant 0 : index
    %get3A_0 = arith.constant 0 : index
    %get3A_1 = arith.constant 0 : index
    %get3A_2 = vector.load %arg3[%get3A, %get3A_0, %get3A_1] : memref<2x1000x128xf32, #tpu.memory_space<vmem>>, vector<2x1000x128xf32>
    %slice3A = vector.extract_strided_slice %get3A_2 {offsets = [0, 0, 0], sizes = [1, 1000, 1], strides = [1, 1, 1]} : vector<2x1000x128xf32> to vector<1x1000x1xf32>
    %squeeze3A = vector.shape_cast %slice3A : vector<1x1000x1xf32> to vector<1000xf32>
    %slice3A_3 = vector.extract_strided_slice %get3A_2 {offsets = [1, 0, 0], sizes = [1, 1000, 1], strides = [1, 1, 1]} : vector<2x1000x128xf32> to vector<1x1000x1xf32>
    %squeeze3A_4 = vector.shape_cast %slice3A_3 : vector<1x1000x1xf32> to vector<1000xf32>
    %add3A = arith.addf %squeeze3A, %squeeze3A_4 : vector<1000xf32>
    %add3A_5 = arith.constant 1.000000e+00 : f32
    %add3A_6 = vector.broadcast %add3A_5 : f32 to vector<1000xf32>
    %add3A_7 = arith.addf %add3A, %add3A_6 : vector<1000xf32>
    %rsqrt3A = math.rsqrt %add3A_7 : vector<1000xf32>
    %get3A_8 = arith.constant 0 : index
    %get3A_9 = arith.constant 0 : index
    %get3A_10 = vector.load %arg1[%get3A_8, %get3A_9] : memref<1000x128xf32, #tpu.memory_space<vmem>>, vector<1000x128xf32>
    %get3A_11 = arith.constant 0 : index
    %get3A_12 = arith.constant 0 : index
    %get3A_13 = vector.load %arg2[%get3A_11, %get3A_12] : memref<128x128xf32, #tpu.memory_space<vmem>>, vector<128x128xf32>
    %dot_general3A = arith.constant dense<0.000000e+00> : vector<1000x128xf32>
    %dot_general3A_14 = tpu.matmul %get3A_10, %get3A_13, %dot_general3A {dimension_numbers = #tpu.dot_dimension_numbers<[1], [0], [0], [1], [0, 0, 1, 1], [], []>, transpose_lhs_hint = false} : vector<1000x128xf32>, vector<128x128xf32>, vector<1000x128xf32> -> vector<1000x128xf32>
    %broadcast_in_dim3A = vector.shape_cast %rsqrt3A : vector<1000xf32> to vector<1000x1xf32>
    %mul3A = vector.broadcast %broadcast_in_dim3A : vector<1000x1xf32> to vector<1000x128xf32>
    %mul3A_15 = arith.mulf %dot_general3A_14, %mul3A : vector<1000x128xf32>
    %swap3A = arith.constant 0 : index
    %swap3A_16 = arith.constant 0 : index
    %swap3A_17 = vector.load %arg4[%swap3A, %swap3A_16] : memref<1000x128xf32, #tpu.memory_space<vmem>>, vector<1000x128xf32>
    tpu.vector_store %arg4[%swap3A, %swap3A_16], %mul3A_15 {strides = array<i32>} : memref<1000x128xf32, #tpu.memory_space<vmem>>, vector<1000x128xf32>,
    return
  }
  func.func @transform_0(%arg0: i32) -> (i32, i32) {
    %c0_i32 = arith.constant 0 : i32
    %c0_i32_0 = arith.constant 0 : i32
    return %arg0, %c0_i32 : i32, i32
  }
  func.func @transform_1(%arg0: i32) -> (i32, i32) {
    %c0_i32 = arith.constant 0 : i32
    %c0_i32_0 = arith.constant 0 : i32
    %c0_i32_1 = arith.constant 0 : i32
    return %c0_i32, %c0_i32_0 : i32, i32
  }
  func.func @transform_2(%arg0: i32) -> (i32, i32, i32) {
    %c0_i32 = arith.constant 0 : i32
    %c0_i32_0 = arith.constant 0 : i32
    %c0_i32_1 = arith.constant 0 : i32
    return %c0_i32, %arg0, %c0_i32_0 : i32, i32, i32
  }
  func.func @transform_3(%arg0: i32) -> (i32, i32) {
    %c0_i32 = arith.constant 0 : i32
    %c0_i32_0 = arith.constant 0 : i32
    return %arg0, %c0_i32 : i32, i32
  }
}

module attributes {stable_mosaic.version = 14 : i64} {
  func.func @_comb_mm_body(%arg0: i32, %arg1: memref<2x1000x128xf32, #tpu.memory_space<vmem>>, %arg2: memref<1000x128xf32, #tpu.memory_space<vmem>>, %arg3: memref<2x1000x128xf32, #tpu.memory_space<vmem>>, %arg4: memref<8x128xf32, #tpu.memory_space<vmem>>, %arg5: memref<128x128xf32, #tpu.memory_space<vmem>>, %arg6: memref<1000x128xf32, #tpu.memory_space<vmem>>) attributes {dimension_semantics = [#tpu.dimension_semantics<arbitrary>], iteration_bounds = array<i64: 10>, scalar_prefetch = 0 : i64, scratch_operands = 0 : i64, tpu.core_type = #tpu.core_type<tc>, window_params = [{transform_indices = @transform_0, window_bounds = array<i64: 2, 1000, 128>}, {transform_indices = @transform_1, window_bounds = array<i64: 1000, 128>}, {transform_indices = @transform_2, window_bounds = array<i64: 2, 1000, 128>}, {pipeline_mode = #tpu.pipeline_mode<synchronous>, transform_indices = @transform_3, window_bounds = array<i64: 8, 128>}, {pipeline_mode = #tpu.pipeline_mode<synchronous>, transform_indices = @transform_4, window_bounds = array<i64: 128, 128>}, {transform_indices = @transform_5, window_bounds = array<i64: 1000, 128>}]} {
    %get3A = arith.constant 0 : index
    %get3A_0 = arith.constant 0 : index
    %get3A_1 = arith.constant 0 : index
    %get3A_2 = vector.load %arg3[%get3A, %get3A_0, %get3A_1] : memref<2x1000x128xf32, #tpu.memory_space<vmem>>, vector<2x1000x128xf32>
    %slice3A = vector.extract_strided_slice %get3A_2 {offsets = [0, 0, 0], sizes = [1, 1000, 1], strides = [1, 1, 1]} : vector<2x1000x128xf32> to vector<1x1000x1xf32>
    %squeeze3A = vector.shape_cast %slice3A : vector<1x1000x1xf32> to vector<1000xf32>
    %slice3A_3 = vector.extract_strided_slice %get3A_2 {offsets = [1, 0, 0], sizes = [1, 1000, 1], strides = [1, 1, 1]} : vector<2x1000x128xf32> to vector<1x1000x1xf32>
    %squeeze3A_4 = vector.shape_cast %slice3A_3 : vector<1x1000x1xf32> to vector<1000xf32>
    %add3A = arith.addf %squeeze3A, %squeeze3A_4 : vector<1000xf32>
    %add3A_5 = arith.constant 1.000000e+00 : f32
    %add3A_6 = vector.broadcast %add3A_5 : f32 to vector<1000xf32>
    %add3A_7 = arith.addf %add3A, %add3A_6 : vector<1000xf32>
    %rsqrt3A = math.rsqrt %add3A_7 : vector<1000xf32>
    %get3A_8 = arith.constant 0 : index
    %get3A_9 = arith.constant 0 : index
    %get3A_10 = arith.constant 0 : index
    %get3A_11 = vector.load %arg1[%get3A_8, %get3A_9, %get3A_10] : memref<2x1000x128xf32, #tpu.memory_space<vmem>>, vector<2x1000x128xf32>
    %slice3A_12 = vector.extract_strided_slice %get3A_11 {offsets = [0, 0, 0], sizes = [1, 1000, 128], strides = [1, 1, 1]} : vector<2x1000x128xf32> to vector<1x1000x128xf32>
    %squeeze3A_13 = vector.shape_cast %slice3A_12 : vector<1x1000x128xf32> to vector<1000x128xf32>
    %slice3A_14 = vector.extract_strided_slice %get3A_11 {offsets = [1, 0, 0], sizes = [1, 1000, 128], strides = [1, 1, 1]} : vector<2x1000x128xf32> to vector<1x1000x128xf32>
    %squeeze3A_15 = vector.shape_cast %slice3A_14 : vector<1x1000x128xf32> to vector<1000x128xf32>
    %add3A_16 = arith.addf %squeeze3A_13, %squeeze3A_15 : vector<1000x128xf32>
    %get3A_17 = arith.constant 0 : index
    %get3A_18 = arith.constant 0 : index
    %get3A_19 = vector.load %arg2[%get3A_17, %get3A_18] : memref<1000x128xf32, #tpu.memory_space<vmem>>, vector<1000x128xf32>
    %add3A_20 = arith.addf %add3A_16, %get3A_19 : vector<1000x128xf32>
    %broadcast_in_dim3A = vector.shape_cast %rsqrt3A : vector<1000xf32> to vector<1000x1xf32>
    %mul3A = vector.broadcast %broadcast_in_dim3A : vector<1000x1xf32> to vector<1000x128xf32>
    %mul3A_21 = arith.mulf %add3A_20, %mul3A : vector<1000x128xf32>
    %get3A_22 = arith.constant 0 : index
    %get3A_23 = arith.constant 0 : index
    %get3A_24 = vector.load %arg4[%get3A_22, %get3A_23] : memref<8x128xf32, #tpu.memory_space<vmem>>, vector<8x128xf32>
    %slice3A_25 = vector.extract_strided_slice %get3A_24 {offsets = [0, 0], sizes = [1, 128], strides = [1, 1]} : vector<8x128xf32> to vector<1x128xf32>
    %add3A_26 = vector.broadcast %slice3A_25 : vector<1x128xf32> to vector<1000x128xf32>
    %add3A_27 = arith.addf %mul3A_21, %add3A_26 : vector<1000x128xf32>
    %max3A = arith.constant 0.000000e+00 : f32
    %max3A_28 = vector.broadcast %max3A : f32 to vector<1000x128xf32>
    %max3A_29 = arith.maximumf %add3A_27, %max3A_28 : vector<1000x128xf32>
    %get3A_30 = arith.constant 0 : index
    %get3A_31 = arith.constant 0 : index
    %get3A_32 = vector.load %arg5[%get3A_30, %get3A_31] : memref<128x128xf32, #tpu.memory_space<vmem>>, vector<128x128xf32>
    %dot_general3A = arith.constant dense<0.000000e+00> : vector<1000x128xf32>
    %dot_general3A_33 = tpu.matmul %max3A_29, %get3A_32, %dot_general3A {dimension_numbers = #tpu.dot_dimension_numbers<[1], [0], [0], [1], [0, 0, 1, 1], [], []>, transpose_lhs_hint = false} : vector<1000x128xf32>, vector<128x128xf32>, vector<1000x128xf32> -> vector<1000x128xf32>
    %broadcast_in_dim3A_34 = vector.shape_cast %rsqrt3A : vector<1000xf32> to vector<1000x1xf32>
    %mul3A_35 = vector.broadcast %broadcast_in_dim3A_34 : vector<1000x1xf32> to vector<1000x128xf32>
    %mul3A_36 = arith.mulf %dot_general3A_33, %mul3A_35 : vector<1000x128xf32>
    %swap3A = arith.constant 0 : index
    %swap3A_37 = arith.constant 0 : index
    %swap3A_38 = vector.load %arg6[%swap3A, %swap3A_37] : memref<1000x128xf32, #tpu.memory_space<vmem>>, vector<1000x128xf32>
    tpu.vector_store %arg6[%swap3A, %swap3A_37], %mul3A_36 {strides = array<i32>} : memref<1000x128xf32, #tpu.memory_space<vmem>>, vector<1000x128xf32>,
    return
  }
  func.func @transform_0(%arg0: i32) -> (i32, i32, i32) {
    %c0_i32 = arith.constant 0 : i32
    %c0_i32_0 = arith.constant 0 : i32
    %c0_i32_1 = arith.constant 0 : i32
    return %c0_i32, %arg0, %c0_i32_0 : i32, i32, i32
  }
  func.func @transform_1(%arg0: i32) -> (i32, i32) {
    %c0_i32 = arith.constant 0 : i32
    %c0_i32_0 = arith.constant 0 : i32
    return %arg0, %c0_i32 : i32, i32
  }
  func.func @transform_2(%arg0: i32) -> (i32, i32, i32) {
    %c0_i32 = arith.constant 0 : i32
    %c0_i32_0 = arith.constant 0 : i32
    %c0_i32_1 = arith.constant 0 : i32
    return %c0_i32, %arg0, %c0_i32_0 : i32, i32, i32
  }
  func.func @transform_3(%arg0: i32) -> (i32, i32) {
    %c0_i32 = arith.constant 0 : i32
    %c0_i32_0 = arith.constant 0 : i32
    %c0_i32_1 = arith.constant 0 : i32
    return %c0_i32, %c0_i32_0 : i32, i32
  }
  func.func @transform_4(%arg0: i32) -> (i32, i32) {
    %c0_i32 = arith.constant 0 : i32
    %c0_i32_0 = arith.constant 0 : i32
    %c0_i32_1 = arith.constant 0 : i32
    return %c0_i32, %c0_i32_0 : i32, i32
  }
  func.func @transform_5(%arg0: i32) -> (i32, i32) {
    %c0_i32 = arith.constant 0 : i32
    %c0_i32_0 = arith.constant 0 : i32
    return %arg0, %c0_i32 : i32, i32
  }
}

module attributes {stable_mosaic.version = 14 : i64} {
  func.func @_final_body(%arg0: i32, %arg1: memref<2x1000x128xf32, #tpu.memory_space<vmem>>, %arg2: memref<1000x128xf32, #tpu.memory_space<vmem>>, %arg3: memref<2x1000x128xf32, #tpu.memory_space<vmem>>, %arg4: memref<8x128xf32, #tpu.memory_space<vmem>>, %arg5: memref<1000x128xf32, #tpu.memory_space<vmem>>) attributes {dimension_semantics = [#tpu.dimension_semantics<arbitrary>], iteration_bounds = array<i64: 10>, scalar_prefetch = 0 : i64, scratch_operands = 0 : i64, tpu.core_type = #tpu.core_type<tc>, window_params = [{transform_indices = @transform_0, window_bounds = array<i64: 2, 1000, 128>}, {transform_indices = @transform_1, window_bounds = array<i64: 1000, 128>}, {transform_indices = @transform_2, window_bounds = array<i64: 2, 1000, 128>}, {pipeline_mode = #tpu.pipeline_mode<synchronous>, transform_indices = @transform_3, window_bounds = array<i64: 8, 128>}, {transform_indices = @transform_4, window_bounds = array<i64: 1000, 128>}]} {
    %get3A = arith.constant 0 : index
    %get3A_0 = arith.constant 0 : index
    %get3A_1 = arith.constant 0 : index
    %get3A_2 = vector.load %arg3[%get3A, %get3A_0, %get3A_1] : memref<2x1000x128xf32, #tpu.memory_space<vmem>>, vector<2x1000x128xf32>
    %slice3A = vector.extract_strided_slice %get3A_2 {offsets = [0, 0, 0], sizes = [1, 1000, 1], strides = [1, 1, 1]} : vector<2x1000x128xf32> to vector<1x1000x1xf32>
    %squeeze3A = vector.shape_cast %slice3A : vector<1x1000x1xf32> to vector<1000xf32>
    %slice3A_3 = vector.extract_strided_slice %get3A_2 {offsets = [1, 0, 0], sizes = [1, 1000, 1], strides = [1, 1, 1]} : vector<2x1000x128xf32> to vector<1x1000x1xf32>
    %squeeze3A_4 = vector.shape_cast %slice3A_3 : vector<1x1000x1xf32> to vector<1000xf32>
    %add3A = arith.addf %squeeze3A, %squeeze3A_4 : vector<1000xf32>
    %add3A_5 = arith.constant 1.000000e+00 : f32
    %add3A_6 = vector.broadcast %add3A_5 : f32 to vector<1000xf32>
    %add3A_7 = arith.addf %add3A, %add3A_6 : vector<1000xf32>
    %rsqrt3A = math.rsqrt %add3A_7 : vector<1000xf32>
    %get3A_8 = arith.constant 0 : index
    %get3A_9 = arith.constant 0 : index
    %get3A_10 = arith.constant 0 : index
    %get3A_11 = vector.load %arg1[%get3A_8, %get3A_9, %get3A_10] : memref<2x1000x128xf32, #tpu.memory_space<vmem>>, vector<2x1000x128xf32>
    %slice3A_12 = vector.extract_strided_slice %get3A_11 {offsets = [0, 0, 0], sizes = [1, 1000, 128], strides = [1, 1, 1]} : vector<2x1000x128xf32> to vector<1x1000x128xf32>
    %squeeze3A_13 = vector.shape_cast %slice3A_12 : vector<1x1000x128xf32> to vector<1000x128xf32>
    %slice3A_14 = vector.extract_strided_slice %get3A_11 {offsets = [1, 0, 0], sizes = [1, 1000, 128], strides = [1, 1, 1]} : vector<2x1000x128xf32> to vector<1x1000x128xf32>
    %squeeze3A_15 = vector.shape_cast %slice3A_14 : vector<1x1000x128xf32> to vector<1000x128xf32>
    %add3A_16 = arith.addf %squeeze3A_13, %squeeze3A_15 : vector<1000x128xf32>
    %get3A_17 = arith.constant 0 : index
    %get3A_18 = arith.constant 0 : index
    %get3A_19 = vector.load %arg2[%get3A_17, %get3A_18] : memref<1000x128xf32, #tpu.memory_space<vmem>>, vector<1000x128xf32>
    %add3A_20 = arith.addf %add3A_16, %get3A_19 : vector<1000x128xf32>
    %broadcast_in_dim3A = vector.shape_cast %rsqrt3A : vector<1000xf32> to vector<1000x1xf32>
    %mul3A = vector.broadcast %broadcast_in_dim3A : vector<1000x1xf32> to vector<1000x128xf32>
    %mul3A_21 = arith.mulf %add3A_20, %mul3A : vector<1000x128xf32>
    %get3A_22 = arith.constant 0 : index
    %get3A_23 = arith.constant 0 : index
    %get3A_24 = vector.load %arg4[%get3A_22, %get3A_23] : memref<8x128xf32, #tpu.memory_space<vmem>>, vector<8x128xf32>
    %slice3A_25 = vector.extract_strided_slice %get3A_24 {offsets = [0, 0], sizes = [1, 128], strides = [1, 1]} : vector<8x128xf32> to vector<1x128xf32>
    %add3A_26 = vector.broadcast %slice3A_25 : vector<1x128xf32> to vector<1000x128xf32>
    %add3A_27 = arith.addf %mul3A_21, %add3A_26 : vector<1000x128xf32>
    %swap3A = arith.constant 0 : index
    %swap3A_28 = arith.constant 0 : index
    %swap3A_29 = vector.load %arg5[%swap3A, %swap3A_28] : memref<1000x128xf32, #tpu.memory_space<vmem>>, vector<1000x128xf32>
    tpu.vector_store %arg5[%swap3A, %swap3A_28], %add3A_27 {strides = array<i32>} : memref<1000x128xf32, #tpu.memory_space<vmem>>, vector<1000x128xf32>,
    return
  }
  func.func @transform_0(%arg0: i32) -> (i32, i32, i32) {
    %c0_i32 = arith.constant 0 : i32
    %c0_i32_0 = arith.constant 0 : i32
    %c0_i32_1 = arith.constant 0 : i32
    return %c0_i32, %arg0, %c0_i32_0 : i32, i32, i32
  }
  func.func @transform_1(%arg0: i32) -> (i32, i32) {
    %c0_i32 = arith.constant 0 : i32
    %c0_i32_0 = arith.constant 0 : i32
    return %arg0, %c0_i32 : i32, i32
  }
  func.func @transform_2(%arg0: i32) -> (i32, i32, i32) {
    %c0_i32 = arith.constant 0 : i32
    %c0_i32_0 = arith.constant 0 : i32
    %c0_i32_1 = arith.constant 0 : i32
    return %c0_i32, %arg0, %c0_i32_0 : i32, i32, i32
  }
  func.func @transform_3(%arg0: i32) -> (i32, i32) {
    %c0_i32 = arith.constant 0 : i32
    %c0_i32_0 = arith.constant 0 : i32
    %c0_i32_1 = arith.constant 0 : i32
    return %c0_i32, %c0_i32_0 : i32, i32
  }
  func.func @transform_4(%arg0: i32) -> (i32, i32) {
    %c0_i32 = arith.constant 0 : i32
    %c0_i32_0 = arith.constant 0 : i32
    return %arg0, %c0_i32 : i32, i32
  }
}

</mosaic_0001>

<sc_bundles>
// kernel: kernel.11.cloned.1.call-start
scs
__scs_entry_jumppad:
0x0: {  	(pc) =	sbr.rel $0x88, $3  }
0x1: {  	(tag) =	ssettag $0x0;
	lr =	simm.s32 $0x1  }
0x2: {  	[smem:$0x3F9B] =	sst lr;
	_ =	strace $0xD0000000  }
0x3: {  	_ = 	snop  }
0x4: {  	_ = 	snop  }
0x5: {  	_ = 	snop  }
0x6: {  	_ = 	snop  }
0x7: {  	_ = 	snop  }
__scs_overlays_trampoline_lowered:
0x8: {  	[smem:$0x3FAA] =	sst s0  }
0x9: {  	[smem:$0x3FAB] =	sst s1  }
0xa: {  	[smem:$0x3FAC] =	sst s2  }
0xb: {  	[smem:$0x3FAD] =	sst s3  }
0xc: {  	[smem:$0x3FAE] =	sst s4  }
0xd: {  	[smem:$0x3FAF] =	sst s5  }
0xe: {  	[smem:$0x3FB0] =	sst s6  }
0xf: {  	[smem:$0x3FB1] =	sst s7  }
0x10: {  	[smem:$0x3FB2] =	sst s8  }
0x11: {  	[smem:$0x3FB3] =	sst s9;
	s0 =	simm.s32 @!p0 $0x0  }
0x12: {  	s1 =	sld [smem:$0x3F99];
	s0 =	simm.s32 @p0 $0x1  }
0x13: {  	[smem:$0x3FB4] =	sst s0;
	s0 =	simm.s32 @!p1 $0x0  }
0x14: {  	s2 =	sld [smem:$0x3F98];
	s0 =	simm.s32 @p1 $0x1  }
0x15: {  	[smem:$0x3FB5] =	sst s0;
	s0 =	simm.s32 @!p2 $0x0  }
0x16: {  	s3 =	sld [smem:$0x3FDB];
	s0 =	simm.s32 @p2 $0x1  }
0x17: {  	s4 =	simm.s32 $0x1BF5;
	[smem:$0x3FB7] =	sst s0  }
0x18: {  	s0 =	sld [smem:$0x3F9A];
	_ =	swait.ge [sflag:s4], $0x0  }
0x19: {  	s7 =	sld [smem:$0x3F9B]  }
0x1a: {  	s8 =	sadd.s32 $0xFFFFE003, lr  }
0x1b: {  	s9 =	sadd.s32 $0xFFFFFEF7, lr;
	s5 =	simm.s32 $0xFFFFFFFF;
	p2 =	slt.u32 s8, $0xFFFFF086  }
0x1c: {  	p1 =	slt.u32 s9, $0xF7A;
	s5 =	simm.s32 @!p2 $0x0  }
0x1d: {  	s5 =	simm.s32 @p1 $0x1;
	p0 =	seq.s32 s7, s2  }
0x1e: {  	s7 =	smul.u32 @!p0 $0xF7A, s2;
	p2 =	seq.s32 @!p0 s5, $0x0  }
0x1f: {  	s9 =	smul.u32 $0xF7A, s1;
	s8 =	simm.s32 @!p0 $0x1BF5;
	p2 =	por !p2, p0  }
0x20: {  	[sflag:s8] =	ssyncset.s32 @!p0 $0xFFFFF086;
	s6 =	sadd.s32 @!p0 s3, s7;
	s7 =	simm.s32 @!p0 $0x108  }
0x21: {  	s3 =	sadd.s32 s3, s9;
	s6 =	sadd.s32 @!p0 $0x88, s6;
	s7 =	simm.s32 @p2 $0x1082  }
0x22: {  	[simem:s7], [sflag:s8] =	dma.local @!p0 [hbm:s6], $0xF7A  }
0x23: {  	s9 =	sor.u32 $0xD0000000, s2;
	s6 =	simm.s32 $0x108;
	_ =	swait.ge @!p0 [sflag:s8], $0x0  }
0x24: {  	s3 =	sadd.s32 $0x88, s3;
	s6 =	simm.s32 @!p1 $0x1082;
	[sflag:s4] =	ssyncset.s32 $0xFFFFF086  }
0x25: {  	[simem:s6], [sflag:s4] =	dma.local [hbm:s3], $0xF7A  }
0x26: {  	[smem:$0x3F9B] =	sst s1;
	(tag) =	ssettag s2;
	_ =	strace s9  }
0x27: {  	s1 =	sld [smem:$0x3FAB]  }
0x28: {  	s2 =	sld [smem:$0x3FAC]  }
0x29: {  	s4 =	sld [smem:$0x3FAE]  }
0x2a: {  	p0 =	seq.s32 s5, $0x0;
	s5 =	sld [smem:$0x3FAF]  }
0x2b: {  	s6 =	sld [smem:$0x3FB0]  }
0x2c: {  	s7 =	sld [smem:$0x3FB1]  }
0x2d: {  	s3 =	simm.s32 $0x108;
	s8 =	sld [smem:$0x3FB2]  }
0x2e: {  	s3 =	simm.s32 @!p0 $0x1082;
	s9 =	sld [smem:$0x3FB3]  }
0x2f: {  	lr =	sadd.s32 s0, s3;
	s0 =	sld [smem:$0x3FAA]  }
0x30: {  	s3 =	sld [smem:$0x3FAD]  }
0x31: {  	[smem:$0x3FB6] =	sst s10  }
0x32: {  	s10 =	sld [smem:$0x3FB4];
	_ =	sdelay $0x3  }
0x33: {  	p0 =	seq.s32 s10, $0x1;
	s10 =	sld [smem:$0x3FB6];
	_ =	sdelay $0x3  }
0x34: {  	[smem:$0x3FB6] =	sst s10  }
0x35: {  	s10 =	sld [smem:$0x3FB5];
	_ =	sdelay $0x3  }
0x36: {  	p1 =	seq.s32 s10, $0x1;
	s10 =	sld [smem:$0x3FB6];
	_ =	sdelay $0x3  }
0x37: {  	[smem:$0x3FB6] =	sst s10  }
0x38: {  	s10 =	sld [smem:$0x3FB7]  }
0x39: {  	_ = 	snop;
	(pc) =	sbr.ind lr, $3  }
0x3a: {  	_ = 	snop  }
0x3b: {  	_ = 	snop  }
0x3c: {  	p2 =	seq.s32 s10, $0x1;
	s10 =	sld [smem:$0x3FB6]  }
0x3d: {  	_ =	shalt  }
0x3e: {  	_ =	shalt  }
0x3f: {  	_ =	shalt  }
0x40: {  	_ =	shalt  }
0x41: {  	_ =	shalt  }
0x42: {  	_ =	shalt  }
0x43: {  	_ =	shalt  }
0x44: {  	_ =	shalt  }
0x45: {  	_ =	shalt  }
0x46: {  	_ =	shalt  }
0x47: {  	_ =	shalt  }
0x48: {  	_ =	shalt  }
0x49: {  	_ =	shalt  }
0x4a: {  	_ =	shalt  }
0x4b: {  	_ =	shalt  }
0x4c: {  	_ =	shalt  }
0x4d: {  	_ =	shalt  }
0x4e: {  	_ =	shalt  }
0x4f: {  	_ =	shalt  }
0x50: {  	_ =	shalt  }
0x51: {  	_ =	shalt  }
0x52: {  	_ =	shalt  }
0x53: {  	_ =	shalt  }
0x54: {  	_ =	shalt  }
0x55: {  	_ =	shalt  }
0x56: {  	_ =	shalt  }
0x57: {  	_ =	shalt  }
0x58: {  	_ =	shalt  }
0x59: {  	_ =	shalt  }
0x5a: {  	_ =	shalt  }
0x5b: {  	_ =	shalt  }
0x5c: {  	_ =	shalt  }
0x5d: {  	_ =	shalt  }
0x5e: {  	_ =	shalt  }
0x5f: {  	_ =	shalt  }
0x60: {  	_ =	shalt  }
0x61: {  	_ =	shalt  }
0x62: {  	_ =	shalt  }
0x63: {  	_ =	shalt  }
0x64: {  	_ =	shalt  }
0x65: {  	_ =	shalt  }
0x66: {  	_ =	shalt  }
0x67: {  	_ =	shalt  }
0x68: {  	_ =	shalt  }
0x69: {  	_ =	shalt  }
0x6a: {  	_ =	shalt  }
0x6b: {  	_ =	shalt  }
0x6c: {  	_ =	shalt  }
0x6d: {  	_ =	shalt  }
0x6e: {  	_ =	shalt  }
0x6f: {  	_ =	shalt  }
0x70: {  	_ =	shalt  }
0x71: {  	_ =	shalt  }
0x72: {  	_ =	shalt  }
0x73: {  	_ =	shalt  }
0x74: {  	_ =	shalt  }
0x75: {  	_ =	shalt  }
0x76: {  	_ =	shalt  }
0x77: {  	_ =	shalt  }
0x78: {  	_ =	shalt  }
0x79: {  	_ =	shalt  }
0x7a: {  	_ =	shalt  }
0x7b: {  	_ =	shalt  }
0x7c: {  	_ =	shalt  }
0x7d: {  	_ =	shalt  }
0x7e: {  	_ =	shalt  }
0x7f: {  	_ =	shalt  }
0x80: {  	_ =	shalt  }
0x81: {  	_ =	shalt  }
0x82: {  	_ =	shalt  }
0x83: {  	_ =	shalt  }
0x84: {  	_ =	shalt  }
0x85: {  	_ =	shalt  }
0x86: {  	_ =	shalt  }
0x87: {  	_ =	shalt  }
.Lfunc_end0:
.L_simem_size_0:
called_computation.1_lowered:
.L_overlay_start_0:
0x88: {  	s2 =	sld [smem:$0x3FD9]  }
0x89: {  	s3 =	sld [smem:$0x3FFE];
	_ =	sdelay $0x1  }
0x8a: {  	s1 =	srdreg.scid  }
0x8b: {  	s0 =	sand.u32 $0x1, s1  }
0x8c: {  	s17 =	sshll.u32 s0, $0xA;
	s2 =	sadd.s32 s3, s2  }
0x8d: {  	s2 =	sadd.s32 s2, s17  }
0x8e: {  	[smem:$0x3FC2] =	sst s2  }
0x8f: {  	_ = 	snop  }
0x90: {  	s2 =	sld [smem:$0x3FD0];
	(tm) =	ssettm $0x1  }
0x91: {  	s18 =	sld [smem:$0x3FFB];
	_ =	sdelay $0x3  }
0x92: {  	_ =	strace s18  }
0x93: {  	s3 =	sld [smem:$0x3FFC];
	_ =	sdelay $0x3  }
0x94: {  	_ =	strace s3  }
0x95: {  	s3 =	sld [smem:$0x3FFD];
	_ =	sdelay $0x3  }
0x96: {  	_ =	strace s3  }
0x97: {  	_ =	strace $0x8FFFFFFF  }
0x98: {  	s19 =	sld [smem:$0x3FDB];
	_ =	sdelay $0x1  }
0x99: {  	s4 =	simm.s32 $_scs_section_size  }
0x9a: {  	s5 =	simm.s32 $_size__tile_overlayer_lowered;
	s6 =	simm.s32 $_tile_overlayer_lowered  }
0x9b: {  	s22 =	simm.s32 $0x1BFF;
	s21 =	sshll.u32 s6, $0x1;
	s3 =	sadd.s32 s4, s19  }
0x9c: {  	s7 =	simm.s32 $0x0;
	s20 =	sshll.u32 s5, $0x1;
	s5 =	sadd.s32 s21, s3  }
0x9d: {  	[timem:s7], [sflag:s22] =	dma.local [hbm:s5], s20  }
0x9e: {  	_ =	swait.ge [sflag:s22], s20  }
0x9f: {  	s4 =	ssub.s32 $0x0, s20;
	[sflag:s22] =	ssyncset.done $0x0  }
0xa0: {  	[sflag:s22] =	ssyncadd.s32 s4;
	_ =	sdelay $0x1  }
0xa1: {  	s23 =	simm.s32 $0x1B8B  }
0xa2: {  	_ =	swait.ge [sflag:s23], $0x1  }
0xa3: {  	[sflag:s23] =	ssyncset.done $0x0  }
0xa4: {  	s25 =	simm.s32 $0x1B8E;
	s24 =	sld [smem:$0x3FFE];
	[sflag:s23] =	ssyncadd.s32 $0xFFFFFFFF  }
0xa5: {  	s26 =	simm.s32 $execute0_lowered;
	[smem:$0x3FD2] =	sst s25  }
0xa6: {  	s5 =	sshll.u32 s26, $0x1;
	_ =	strace $0x80000049;
	[dreg:$0x1] =	wrdreg $0xFFFFFFFF  }
0xa7: {  	s28 =	simm.s32 $_size_execute0_lowered;
	s3 =	sadd.s32 s3, s5;
	[dreg:$0x0] =	wrdreg $0x0  }
0xa8: {  	s5 =	sshll.u32 s28, $0x1;
	[dreg:$0x2] =	wrdreg s3  }
0xa9: {  	[dreg:$0x3] =	wrdreg s5  }
0xaa: {  	[dreg:$0x4] =	wrdreg $0xC0  }
0xab: {  	_ =	task [dreg:s7], $0x5FFFF  }
0xac: {  	[dreg:$0x1] =	wrdreg $0xFFFFFFFF  }
0xad: {  	[dreg:$0x0] =	wrdreg $0x60  }
0xae: {  	[dreg:$0x2] =	wrdreg s2  }
0xaf: {  	[dreg:$0x3] =	wrdreg s24  }
0xb0: {  	[dreg:$0x4] =	wrdreg $0xA9000  }
0xb1: {  	[dreg:$0x5] =	wrdreg $0x9  }
0xb2: {  	_ =	task.clear_ibuf [dreg:s7], $0x6FFFF;
	_ =	strace $0x90000049  }
0xb3: {  	s29 =	simm.s32 $0x9;
	_ =	strace $0x8000004B  }
0xb4: {  	_ =	swait.ge [sflag:s29], $0x1  }
0xb5: {  	[sflag:s29] =	ssyncadd.s32 $0xFFFFFFFF  }
0xb6: {  	_ =	strace $0x9000004B  }
0xb7: {  	_ =	sfence  }
0xb8: {  	s30 =	sld [smem:$0x0];
	_ =	sdelay $0x2  }
0xb9: {  	s31 =	sshll.u32 s1, $0xD;
	s1 =	sshrl.u32 s1, $0x2  }
0xba: {  	s3 =	sand.u32 $0x4000, s31;
	s1 =	sadd.s32 s1, s30  }
0xbb: {  	s0 =	sor.u32 s3, s0;
	s1 =	sshll.u32 s1, $0x11  }
0xbc: {  	s0 =	sor.u32 s1, s0  }
0xbd: {  	s0 =	sadd.s32 $0x8F2B, s0  }
0xbe: {  	[sflag:s0] =	ssyncadd.remote.s32 $0x1  }
0xbf: {  	_ =	sfence.sel $0xFFFF  }
0xc0: {  	[dreg:$0x0] =	wrdreg $0xFFFFFFFF;
	(pc) =	sbr.abs _section_cstart, $3  }
0xc1: {  	[dreg:$0x1] =	wrdreg $0xFFFFFFFF  }
0xc2: {  	_ =	task.clear_ibuf [dreg:s7], $0x2FFFF;
	_ =	strace $0x9FFFFFFF  }
0xc3: {  	(tm) =	ssettm $0x7FFFFFFF  }
tec
execute0_lowered:
.L_overlay_start_1:
0x0: {  	(tag) =	ssettag $0x1  }
0x1: {  	s0 =	srdreg.scid;
	s1 =	rddreg [dreg:$0x0]  }
0x2: {  	s11 =	stileid.u32;
	s5 =	rddreg [dreg:$0x1]  }
0x3: {  	s3 =	rddreg [dreg:$0x2];
	s4 =	simm.s32 $0x0;
	s21 =	simm.s32 $0x5  }
0x4: {  	s28 =	simm.s32 $0x2880;
	s29 =	simm.s32 $0x1;
	s7 =	smul.u32 $0x280, s11  }
0x5: {  	s30 =	simm.s32 $0x3;
	s31 =	simm.s32 $0x2;
	s9 =	smul.u32 $0x50000, s11  }
0x6: {  	s0 =	sand.u32 $0x1, s0;
	[smem:$0x7FF] =	sst s4;
	s24 =	smul.u32 $0x2800, s11  }
0x7: {  	s12 =	sadd.s32 $0x5C200, s5;
	s2 =	sshll.u32 s0, $0x4;
	s8 =	smul.u32 $0x2800, s0  }
0x8: {  	s22 =	ssub.s32 $0x2, s0;
	s0 =	smul.u32 $0x28000, s0;
	s2 =	sor.u32 s11, s2  }
0x9: {  	_ =	strace $0x8000004A;
	s10 =	sshrl.u32 s22, $0x1;
	s6 =	smul.u32 $0x500, s2  }
0xa: {  	s23 =	sshrl.u32 s9, $0x2;
	s7 =	sadd.s32 s7, s8;
	s2 =	smul.u32 $0x2800, s2  }
0xb: {  	s18 =	ssub.s32 s22, s10;
	s0 =	sadd.s32 s24, s0;
	s22 =	simm.s32 $0x80  }
0xc: {  	s24 =	simm.s32 $0x2800;
	s7 =	sshll.u32 s7, $0x4;
	s18 =	smax.u32 s18, $0x1  }
0xd: {  	s6 =	sadd.s32 s6, s5;
	s5 =	sadd.s32 s7, s5;
	s2 =	sshrl.u32 s2, $0x3  }
0xe: {  	s6 =	sadd.s32 $0x52200, s6;
	s7 =	sadd.s32 s12, s2;
	s25 =	sadd.s32 $0x66200, s5  }
0xf: {  	s26 =	sadd.s32 $0x66A00, s5;
	s15 =	sadd.s32 $0x67200, s5;
	s16 =	sadd.s32 $0x67A00, s5  }
0x10: {  	s2 =	sor.u32 $0x100, s0;
	s0 =	sor.u32 $0x80, s0;
	[dreg:$0x4] =	wrdreg s6  }
0x11: {  	s17 =	sadd.s32 $0x68200, s5;
	s6 =	sadd.s32 s23, s3;
	[dreg:$0x6] =	wrdreg s25  }
0x12: {  	s13 =	sadd.s32 $0x4F0, s7;
	[dreg:$0x7] =	wrdreg s26;
	s2 =	sshrl.u32 s2, $0x3  }
0x13: {  	s0 =	sshrl.u32 s0, $0x3;
	s23 =	simm.s32 $0x2900;
	s25 =	simm.s32 $0x6900  }
0x14: {  	s26 =	simm.s32 $0x4;
	s8 =	sadd.s32 $0x4000, s6;
	s9 =	sadd.s32 $0x8000, s6  }
0x15: {  	s10 =	sadd.s32 $0xC000, s6;
	s11 =	sadd.s32 $0x10000, s6;
	[dreg:$0x5] =	wrdreg s13  }
0x16: {  	v0 =	vimm.f32 $0.0e+00;
	s19 =	sadd.s32 s2, s12;
	s20 =	sadd.s32 s0, s12;
	s0 =	simm.s32 $0x0  }
.LBB2_1:
0x17: {  	s2 =	simm.s32 $0x0;
	s5 =	simm.s32 $0x200  }
.LBB2_2:
0x18: {  	p0 =	sne.s32 s5, $0xFE00;
	[tilespmem:s2+$0x6970] =	vst v0  }
0x19: {  	[tilespmem:s2+$0x6900] =	vst v0  }
0x1a: {  	[tilespmem:s2+$0x6910] =	vst v0  }
.Ltmp0:
0x1b: {  	[tilespmem:s2+$0x6920] =	vst v0;
	(pc) =	sbr.rel @p0 .LBB2_2-.Ltmp0, $4  }
0x1c: {  	[tilespmem:s2+$0x6930] =	vst v0  }
0x1d: {  	[tilespmem:s2+$0x6940] =	vst v0  }
0x1e: {  	[tilespmem:s2+$0x6950] =	vst v0  }
0x1f: {  	[tilespmem:s2+$0x6960] =	vst v0;
	s2 =	sshra.s32 s5, $0x2;
	s5 =	sadd.s32 $0x200, s5  }
0x20: {  	[tilespmem:s2+$0x6970] =	vst v0  }
0x21: {  	[tilespmem:s2+$0x6900] =	vst v0  }
0x22: {  	[tilespmem:s2+$0x6910] =	vst v0  }
0x23: {  	[tilespmem:s2+$0x6920] =	vst v0  }
0x24: {  	[tilespmem:s2+$0x6930] =	vst v0  }
0x25: {  	[tilespmem:s2+$0x6940] =	vst v0  }
0x26: {  	[tilespmem:s2+$0x6950] =	vst v0  }
0x27: {  	[tilespmem:s2+$0x6960] =	vst v0;
	s14 =	simm.s32 $0x0;
	s5 =	rddreg [dreg:$0x4]  }
0x28: {  	[tilespmem:s14], [sflag:$0x5] =	stream.linear.gather [hbm4b:s5+s14], $0x2800, $0x38;
	[tilespmem:$0x1E900] =	vst v63  }
0x29: {  	_ =	swait.ge [sflag:s21], $0x2800  }
0x2a: {  	[sflag:s21] =	ssyncset.done $0x0  }
0x2b: {  	[sflag:s21] =	ssyncadd.s32 $0xFFFFD800  }
0x2c: {  	[tilespmem:s23], [sflag:$0x1] =	stream.indirect.gather [hbm4b:s1+s22], $0x80, s14, s22, $0xb8;
	[tilespmem:$0x1E900] =	vst v63  }
0x2d: {  	_ = 	snop  }
0x2e: {  	[tilespmem:s24], [sflag:$0x3] =	stream.linear.gather [hbm4b:s7+s14], $0x80, $0x38;
	[tilespmem:$0x1E900] =	vst v63  }
0x2f: {  	_ = 	snop  }
0x30: {  	[spmem:s6] =	stream.linear.scatter [tilespmem:s25], [sflag:$0x4], $0x4000, $0x38;
	[tilespmem:$0x1E900] =	vst v63  }
0x31: {  	_ = 	snop  }
0x32: {  	[spmem:s8] =	stream.linear.scatter [tilespmem:s25], [sflag:$0x4], $0x4000, $0x38;
	[tilespmem:$0x1E900] =	vst v63  }
0x33: {  	_ = 	snop  }
0x34: {  	[spmem:s9] =	stream.linear.scatter [tilespmem:s25], [sflag:$0x4], $0x4000, $0x38;
	[tilespmem:$0x1E900] =	vst v63  }
0x35: {  	_ = 	snop  }
0x36: {  	[spmem:s10] =	stream.linear.scatter [tilespmem:s25], [sflag:$0x4], $0x4000, $0x38;
	[tilespmem:$0x1E900] =	vst v63  }
0x37: {  	_ = 	snop  }
0x38: {  	[spmem:s11] =	stream.linear.scatter [tilespmem:s25], [sflag:$0x4], $0x4000, $0x38;
	[tilespmem:$0x1E900] =	vst v63  }
0x39: {  	_ =	swait.ge [sflag:s26], $0x4000  }
0x3a: {  	[sflag:s26] =	ssyncset.done $0x0  }
0x3b: {  	[sflag:s26] =	ssyncadd.s32 $0xFFFFC000  }
0x3c: {  	_ =	swait.ge [sflag:s26], $0x4000  }
0x3d: {  	[sflag:s26] =	ssyncset.done $0x0  }
0x3e: {  	[sflag:s26] =	ssyncadd.s32 $0xFFFFC000  }
0x3f: {  	_ =	swait.ge [sflag:s26], $0x4000  }
0x40: {  	[sflag:s26] =	ssyncset.done $0x0  }
0x41: {  	[sflag:s26] =	ssyncadd.s32 $0xFFFFC000  }
0x42: {  	_ =	swait.ge [sflag:s26], $0x4000  }
0x43: {  	[sflag:s26] =	ssyncset.done $0x0  }
0x44: {  	[sflag:s26] =	ssyncadd.s32 $0xFFFFC000  }
0x45: {  	_ =	swait.ge [sflag:s26], $0x4000  }
0x46: {  	[sflag:s26] =	ssyncset.done $0x0  }
0x47: {  	[sflag:s26] =	ssyncadd.s32 $0xFFFFC000  }
0x48: {  	s5 =	simm.s32 $0x80;
	[bflag:$0x0] =	sbarrier.arrive $0xFFFF  }
0x49: {  	[tilespmem:s25], [sflag:$0x2] =	stream.indirect.gather [hbm4b:s1+s22], $0x80, s5, s22, $0xb8;
	[tilespmem:$0x1E900] =	vst v63  }
0x4a: {  	s12 =	sadd.s32 $0x0, s20  }
0x4b: {  	[tilespmem:s28], [sflag:$0x4] =	stream.linear.gather [hbm4b:s12+s4], $0x80, $0x38;
	[tilespmem:$0x1E900] =	vst v63  }
0x4c: {  	_ =	swait.ge [sflag:s29], $0x4000  }
0x4d: {  	[sflag:s29] =	ssyncset.done $0x0  }
0x4e: {  	[sflag:s29] =	ssyncadd.s32 $0xFFFFC000  }
0x4f: {  	_ =	swait.ge [sflag:s30], $0x80  }
0x50: {  	[sflag:s30] =	ssyncset.done $0x0  }
0x51: {  	[sflag:s30] =	ssyncadd.s32 $0xFFFFFF80  }
0x52: {  	[spmem:s3] =	stream.indirect.scatter.add.f32 [tilespmem:s23], [sflag:$0x5], $0x80, s24, s22, $0xb8;
	[tilespmem:$0x1E900] =	vst v63  }
0x53: {  	_ =	swait.ge [sflag:s21], $0x4000  }
0x54: {  	[sflag:s21] =	ssyncset.done $0x0  }
0x55: {  	s13 =	simm.s32 $0x100;
	[sflag:s21] =	ssyncadd.s32 $0xFFFFC000  }
0x56: {  	[tilespmem:s23], [sflag:$0x1] =	stream.indirect.gather [hbm4b:s1+s22], $0x80, s13, s22, $0xb8;
	[tilespmem:$0x1E900] =	vst v63  }
0x57: {  	s14 =	sadd.s32 $0x0, s19  }
0x58: {  	[tilespmem:s24], [sflag:$0x3] =	stream.linear.gather [hbm4b:s14+s4], $0x80, $0x38;
	[tilespmem:$0x1E900] =	vst v63  }
0x59: {  	_ =	swait.ge [sflag:s31], $0x4000  }
0x5a: {  	[sflag:s31] =	ssyncset.done $0x0  }
0x5b: {  	[sflag:s31] =	ssyncadd.s32 $0xFFFFC000  }
0x5c: {  	_ =	swait.ge [sflag:s26], $0x80  }
0x5d: {  	[sflag:s26] =	ssyncset.done $0x0  }
0x5e: {  	[sflag:s26] =	ssyncadd.s32 $0xFFFFFF80  }
0x5f: {  	[spmem:s3] =	stream.indirect.scatter.add.f32 [tilespmem:s25], [sflag:$0x5], $0x80, s28, s22, $0xb8;
	[tilespmem:$0x1E900] =	vst v63  }
0x60: {  	s2 =	simm.s32 $0x20;
	_ =	swait.ge [sflag:s21], $0x4000  }
0x61: {  	s5 =	simm.s32 $0x200;
	s12 =	simm.s32 $0x40;
	[sflag:s21] =	ssyncset.done $0x0  }
.LBB2_4:
0x62: {  	p0 =	sne.s32 s12, $0x4C0;
	s13 =	sadd.s32 $0xFFFFFF80, s5;
	[sflag:s21] =	ssyncadd.s32 $0xFFFFC000  }
0x63: {  	[tilespmem:s25], [sflag:$0x2] =	stream.indirect.gather [hbm4b:s1+s22], $0x80, s13, s22, $0xb8;
	[tilespmem:$0x1E900] =	vst v63  }
0x64: {  	s14 =	smov.u32 s12;
	s12 =	sadd.s32 $0x20, s12;
	s13 =	sadd.s32 s2, s20  }
0x65: {  	[tilespmem:s28], [sflag:$0x4] =	stream.linear.gather [hbm4b:s13+s4], $0x80, $0x38;
	[tilespmem:$0x1E900] =	vst v63  }
0x66: {  	_ =	swait.ge [sflag:s29], $0x4000  }
0x67: {  	[sflag:s29] =	ssyncset.done $0x0  }
0x68: {  	[sflag:s29] =	ssyncadd.s32 $0xFFFFC000  }
0x69: {  	_ =	swait.ge [sflag:s30], $0x80  }
0x6a: {  	[sflag:s30] =	ssyncset.done $0x0  }
0x6b: {  	[sflag:s30] =	ssyncadd.s32 $0xFFFFFF80  }
0x6c: {  	[spmem:s3] =	stream.indirect.scatter.add.f32 [tilespmem:s23], [sflag:$0x5], $0x80, s24, s22, $0xb8;
	[tilespmem:$0x1E900] =	vst v63  }
0x6d: {  	_ =	swait.ge [sflag:s21], $0x4000  }
0x6e: {  	[sflag:s21] =	ssyncset.done $0x0  }
0x6f: {  	[sflag:s21] =	ssyncadd.s32 $0xFFFFC000  }
0x70: {  	[tilespmem:s23], [sflag:$0x1] =	stream.indirect.gather [hbm4b:s1+s22], $0x80, s5, s22, $0xb8;
	[tilespmem:$0x1E900] =	vst v63  }
0x71: {  	s13 =	sadd.s32 s2, s19;
	s2 =	smov.u32 s14  }
0x72: {  	[tilespmem:s24], [sflag:$0x3] =	stream.linear.gather [hbm4b:s13+s4], $0x80, $0x38;
	[tilespmem:$0x1E900] =	vst v63  }
0x73: {  	_ =	swait.ge [sflag:s31], $0x4000  }
0x74: {  	[sflag:s31] =	ssyncset.done $0x0  }
0x75: {  	[sflag:s31] =	ssyncadd.s32 $0xFFFFC000  }
0x76: {  	_ =	swait.ge [sflag:s26], $0x80  }
.Ltmp1:
0x77: {  	[sflag:s26] =	ssyncset.done $0x0;
	(pc) =	sbr.rel @p0 .LBB2_4-.Ltmp1, $4  }
0x78: {  	[sflag:s26] =	ssyncadd.s32 $0xFFFFFF80  }
0x79: {  	[spmem:s3] =	stream.indirect.scatter.add.f32 [tilespmem:s25], [sflag:$0x5], $0x80, s28, s22, $0xb8;
	[tilespmem:$0x1E900] =	vst v63  }
0x7a: {  	_ =	swait.ge [sflag:s21], $0x4000  }
0x7b: {  	s5 =	sadd.s32 $0x100, s5;
	[sflag:s21] =	ssyncset.done $0x0  }
0x7c: {  	s12 =	sadd.s32 $0xFFFFFF80, s5;
	[sflag:s21] =	ssyncadd.s32 $0xFFFFC000  }
0x7d: {  	[tilespmem:s25], [sflag:$0x2] =	stream.indirect.gather [hbm4b:s1+s22], $0x80, s12, s22, $0xb8;
	[tilespmem:$0x1E900] =	vst v63  }
0x7e: {  	s13 =	sadd.s32 s2, s20  }
0x7f: {  	[tilespmem:s28], [sflag:$0x4] =	stream.linear.gather [hbm4b:s13+s4], $0x80, $0x38;
	[tilespmem:$0x1E900] =	vst v63  }
0x80: {  	_ =	swait.ge [sflag:s29], $0x4000  }
0x81: {  	[sflag:s29] =	ssyncset.done $0x0  }
0x82: {  	[sflag:s29] =	ssyncadd.s32 $0xFFFFC000  }
0x83: {  	_ =	swait.ge [sflag:s30], $0x80  }
0x84: {  	[sflag:s30] =	ssyncset.done $0x0  }
0x85: {  	[sflag:s30] =	ssyncadd.s32 $0xFFFFFF80  }
0x86: {  	[spmem:s3] =	stream.indirect.scatter.add.f32 [tilespmem:s23], [sflag:$0x5], $0x80, s24, s22, $0xb8;
	[tilespmem:$0x1E900] =	vst v63  }
0x87: {  	_ =	swait.ge [sflag:s21], $0x4000  }
0x88: {  	[sflag:s21] =	ssyncset.done $0x0  }
0x89: {  	[sflag:s21] =	ssyncadd.s32 $0xFFFFC000  }
0x8a: {  	[tilespmem:s23], [sflag:$0x1] =	stream.indirect.gather [hbm4b:s1+s22], $0x80, s5, s22, $0xb8;
	[tilespmem:$0x1E900] =	vst v63  }
0x8b: {  	s14 =	sadd.s32 s2, s19  }
0x8c: {  	[tilespmem:s24], [sflag:$0x3] =	stream.linear.gather [hbm4b:s14+s4], $0x80, $0x38;
	[tilespmem:$0x1E900] =	vst v63  }
0x8d: {  	_ =	swait.ge [sflag:s31], $0x4000  }
0x8e: {  	[sflag:s31] =	ssyncset.done $0x0  }
0x8f: {  	[sflag:s31] =	ssyncadd.s32 $0xFFFFC000  }
0x90: {  	_ =	swait.ge [sflag:s26], $0x80  }
0x91: {  	[sflag:s26] =	ssyncset.done $0x0  }
0x92: {  	[sflag:s26] =	ssyncadd.s32 $0xFFFFFF80  }
0x93: {  	[spmem:s3] =	stream.indirect.scatter.add.f32 [tilespmem:s25], [sflag:$0x5], $0x80, s28, s22, $0xb8;
	[tilespmem:$0x1E900] =	vst v63  }
0x94: {  	_ =	swait.ge [sflag:s21], $0x4000  }
0x95: {  	[sflag:s21] =	ssyncset.done $0x0  }
0x96: {  	s5 =	simm.s32 $0x2780;
	[sflag:s21] =	ssyncadd.s32 $0xFFFFC000  }
0x97: {  	[tilespmem:s25], [sflag:$0x2] =	stream.indirect.gather [hbm4b:s1+s22], $0x80, s5, s22, $0xb8;
	[tilespmem:$0x1E900] =	vst v63  }
0x98: {  	s12 =	rddreg [dreg:$0x5]  }
0x99: {  	[tilespmem:s28], [sflag:$0x4] =	stream.linear.gather [hbm4b:s12+s4], $0x80, $0x38;
	[tilespmem:$0x1E900] =	vst v63  }
0x9a: {  	_ =	swait.ge [sflag:s29], $0x4000  }
0x9b: {  	[sflag:s29] =	ssyncset.done $0x0  }
0x9c: {  	[sflag:s29] =	ssyncadd.s32 $0xFFFFC000  }
0x9d: {  	_ =	swait.ge [sflag:s30], $0x80  }
0x9e: {  	[sflag:s30] =	ssyncset.done $0x0  }
0x9f: {  	[sflag:s30] =	ssyncadd.s32 $0xFFFFFF80  }
0xa0: {  	[spmem:s3] =	stream.indirect.scatter.add.f32 [tilespmem:s23], [sflag:$0x5], $0x80, s24, s22, $0xb8;
	[tilespmem:$0x1E900] =	vst v63  }
0xa1: {  	_ =	swait.ge [sflag:s21], $0x4000  }
0xa2: {  	[sflag:s21] =	ssyncset.done $0x0  }
0xa3: {  	[sflag:s21] =	ssyncadd.s32 $0xFFFFC000  }
0xa4: {  	_ =	swait.ge [sflag:s31], $0x4000  }
0xa5: {  	[sflag:s31] =	ssyncset.done $0x0  }
0xa6: {  	[sflag:s31] =	ssyncadd.s32 $0xFFFFC000  }
0xa7: {  	_ =	swait.ge [sflag:s26], $0x80  }
0xa8: {  	[sflag:s26] =	ssyncset.done $0x0  }
0xa9: {  	[sflag:s26] =	ssyncadd.s32 $0xFFFFFF80  }
0xaa: {  	[spmem:s3] =	stream.indirect.scatter.add.f32 [tilespmem:s25], [sflag:$0x5], $0x80, s28, s22, $0xb8;
	[tilespmem:$0x1E900] =	vst v63  }
0xab: {  	_ =	swait.ge [sflag:s21], $0x4000  }
0xac: {  	[sflag:s21] =	ssyncset.done $0x0  }
0xad: {  	[sflag:s21] =	ssyncadd.s32 $0xFFFFC000  }
0xae: {  	[bflag:$0x0] =	sbarrier.arrive $0xFFFF  }
0xaf: {  	[tilespmem:s23], [sflag:$0x1] =	stream.linear.gather [spmem:s6], $0x4000, $0x38;
	[tilespmem:$0x1E900] =	vst v63  }
0xb0: {  	_ =	swait.ge [sflag:s29], $0x4000  }
0xb1: {  	[sflag:s29] =	ssyncset.done $0x0  }
0xb2: {  	s13 =	rddreg [dreg:$0x6];
	[sflag:s29] =	ssyncadd.s32 $0xFFFFC000  }
0xb3: {  	[hbm4b:s13+s4] =	stream.linear.scatter [tilespmem:s23], [sflag:$0x3], $0x4000, $0x38;
	[tilespmem:$0x1E900] =	vst v63  }
0xb4: {  	_ = 	snop  }
0xb5: {  	[tilespmem:s25], [sflag:$0x2] =	stream.linear.gather [spmem:s8], $0x4000, $0x38;
	[tilespmem:$0x1E900] =	vst v63  }
0xb6: {  	_ =	swait.ge [sflag:s31], $0x4000  }
0xb7: {  	[sflag:s31] =	ssyncset.done $0x0  }
0xb8: {  	s14 =	rddreg [dreg:$0x7];
	[sflag:s31] =	ssyncadd.s32 $0xFFFFC000  }
0xb9: {  	[hbm4b:s14+s4] =	stream.linear.scatter [tilespmem:s25], [sflag:$0x4], $0x4000, $0x38;
	[tilespmem:$0x1E900] =	vst v63  }
0xba: {  	_ =	swait.ge [sflag:s30], $0x4000  }
0xbb: {  	[sflag:s30] =	ssyncset.done $0x0  }
0xbc: {  	[sflag:s30] =	ssyncadd.s32 $0xFFFFC000  }
0xbd: {  	[tilespmem:s23], [sflag:$0x1] =	stream.linear.gather [spmem:s9], $0x4000, $0x38;
	[tilespmem:$0x1E900] =	vst v63  }
0xbe: {  	_ =	swait.ge [sflag:s29], $0x4000  }
0xbf: {  	[sflag:s29] =	ssyncset.done $0x0  }
0xc0: {  	[sflag:s29] =	ssyncadd.s32 $0xFFFFC000  }
0xc1: {  	[hbm4b:s15+s4] =	stream.linear.scatter [tilespmem:s23], [sflag:$0x3], $0x4000, $0x38;
	[tilespmem:$0x1E900] =	vst v63  }
0xc2: {  	_ =	swait.ge [sflag:s26], $0x4000  }
0xc3: {  	[sflag:s26] =	ssyncset.done $0x0  }
0xc4: {  	[sflag:s26] =	ssyncadd.s32 $0xFFFFC000  }
0xc5: {  	[tilespmem:s25], [sflag:$0x2] =	stream.linear.gather [spmem:s10], $0x4000, $0x38;
	[tilespmem:$0x1E900] =	vst v63  }
0xc6: {  	_ =	swait.ge [sflag:s31], $0x4000  }
0xc7: {  	[sflag:s31] =	ssyncset.done $0x0  }
0xc8: {  	[sflag:s31] =	ssyncadd.s32 $0xFFFFC000  }
0xc9: {  	[hbm4b:s16+s4] =	stream.linear.scatter [tilespmem:s25], [sflag:$0x4], $0x4000, $0x38;
	[tilespmem:$0x1E900] =	vst v63  }
0xca: {  	_ =	swait.ge [sflag:s30], $0x4000  }
0xcb: {  	[sflag:s30] =	ssyncset.done $0x0  }
0xcc: {  	[sflag:s30] =	ssyncadd.s32 $0xFFFFC000  }
0xcd: {  	[tilespmem:s23], [sflag:$0x1] =	stream.linear.gather [spmem:s11], $0x4000, $0x38;
	[tilespmem:$0x1E900] =	vst v63  }
0xce: {  	_ =	swait.ge [sflag:s29], $0x4000  }
0xcf: {  	[sflag:s29] =	ssyncset.done $0x0  }
0xd0: {  	s0 =	sadd.s32 $0x1, s0;
	[sflag:s29] =	ssyncadd.s32 $0xFFFFC000  }
0xd1: {  	[hbm4b:s17+s4] =	stream.linear.scatter [tilespmem:s23], [sflag:$0x3], $0x4000, $0x38;
	[tilespmem:$0x1E900] =	vst v63  }
0xd2: {  	p0 =	sne.s32 s0, s18;
	_ =	swait.ge [sflag:s26], $0x4000  }
.Ltmp2:
0xd3: {  	[sflag:s26] =	ssyncset.done $0x0;
	(pc) =	sbr.rel @p0 .LBB2_1-.Ltmp2, $4  }
0xd4: {  	[sflag:s26] =	ssyncadd.s32 $0xFFFFC000  }
0xd5: {  	_ =	swait.ge [sflag:s30], $0x4000  }
0xd6: {  	[sflag:s30] =	ssyncset.done $0x0  }
0xd7: {  	[sflag:s30] =	ssyncadd.s32 $0xFFFFC000  }
0xd8: {  	_ =	sfence.sel $0x180000  }
0xd9: {  	[bflag:$0x0] =	sbarrier.arrive $0xFFFF  }
0xda: {  	_ =	strace $0x9000004A  }
0xdb: {  	s0 =	stileid.u32;
	[bflag:$0x2] =	sbarrier.arrive $0xFFFF  }
0xdc: {  	p0 =	sne.s32 s0, $0x0;
	s0 =	rddreg [dreg:$0x3]  }
0xdd: {  	s0 =	sadd.s32 @!p0 $0x100000, s0  }
0xde: {  	[sflag:s0] =	ssyncadd.tile.s32 @!p0 $0x1;
	_ =	shalt  }
.Lfunc_end2:
_tile_overlayer_lowered:
.L_overlay_start_2:
0xdf: {  	(tag) =	ssettag $0x2  }
0xe0: {  	s0 =	rddreg [dreg:$0x0];
	s2 =	stileid.u32  }
0xe1: {  	s1 =	rddreg [dreg:$0x1];
	p0 =	sne.s32 s2, $0x0  }
0xe2: {  	s3 =	rddreg [dreg:$0x2];
	[bflag:$0x3] =	sbarrier.arrive $0xFFFF;
	s2 =	simm.s32 @!p0 $0x1C05  }
0xe3: {  	[timem:s3], [sflag:s2] =	dma.local @!p0 [hbm:s0], s1  }
0xe4: {  	s0 =	simm.s32 @!p0 $0x5  }
0xe5: {  	_ =	swait.ge @!p0 [sflag:s0], s1  }
0xe6: {  	s1 =	ssub.s32 @!p0 $0x0, s1;
	[sflag:s0] =	ssyncset.done @!p0 $0x0  }
0xe7: {  	[sflag:s0] =	ssyncadd.s32 @!p0 s1  }
0xe8: {  	[bflag:$0x3] =	sbarrier.arrive $0xFFFF  }
0xe9: {  	_ =	shalt  }

// kernel: kernel.14.cloned.1.call-start
scs
__scs_entry_jumppad:
0x0: {  	(pc) =	sbr.rel $0x88, $3  }
0x1: {  	(tag) =	ssettag $0x0;
	lr =	simm.s32 $0x1  }
0x2: {  	[smem:$0x3F9B] =	sst lr;
	_ =	strace $0xD0000000  }
0x3: {  	_ = 	snop  }
0x4: {  	_ = 	snop  }
0x5: {  	_ = 	snop  }
0x6: {  	_ = 	snop  }
0x7: {  	_ = 	snop  }
__scs_overlays_trampoline_lowered:
0x8: {  	[smem:$0x3FAA] =	sst s0  }
0x9: {  	[smem:$0x3FAB] =	sst s1  }
0xa: {  	[smem:$0x3FAC] =	sst s2  }
0xb: {  	[smem:$0x3FAD] =	sst s3  }
0xc: {  	[smem:$0x3FAE] =	sst s4  }
0xd: {  	[smem:$0x3FAF] =	sst s5  }
0xe: {  	[smem:$0x3FB0] =	sst s6  }
0xf: {  	[smem:$0x3FB1] =	sst s7  }
0x10: {  	[smem:$0x3FB2] =	sst s8  }
0x11: {  	[smem:$0x3FB3] =	sst s9;
	s0 =	simm.s32 @!p0 $0x0  }
0x12: {  	s1 =	sld [smem:$0x3F99];
	s0 =	simm.s32 @p0 $0x1  }
0x13: {  	[smem:$0x3FB4] =	sst s0;
	s0 =	simm.s32 @!p1 $0x0  }
0x14: {  	s2 =	sld [smem:$0x3F98];
	s0 =	simm.s32 @p1 $0x1  }
0x15: {  	[smem:$0x3FB5] =	sst s0;
	s0 =	simm.s32 @!p2 $0x0  }
0x16: {  	s3 =	sld [smem:$0x3FDB];
	s0 =	simm.s32 @p2 $0x1  }
0x17: {  	s4 =	simm.s32 $0x1BF5;
	[smem:$0x3FB7] =	sst s0  }
0x18: {  	s0 =	sld [smem:$0x3F9A];
	_ =	swait.ge [sflag:s4], $0x0  }
0x19: {  	s7 =	sld [smem:$0x3F9B]  }
0x1a: {  	s8 =	sadd.s32 $0xFFFFE003, lr  }
0x1b: {  	s9 =	sadd.s32 $0xFFFFFEF7, lr;
	s5 =	simm.s32 $0xFFFFFFFF;
	p2 =	slt.u32 s8, $0xFFFFF086  }
0x1c: {  	p1 =	slt.u32 s9, $0xF7A;
	s5 =	simm.s32 @!p2 $0x0  }
0x1d: {  	s5 =	simm.s32 @p1 $0x1;
	p0 =	seq.s32 s7, s2  }
0x1e: {  	s7 =	smul.u32 @!p0 $0xF7A, s2;
	p2 =	seq.s32 @!p0 s5, $0x0  }
0x1f: {  	s9 =	smul.u32 $0xF7A, s1;
	s8 =	simm.s32 @!p0 $0x1BF5;
	p2 =	por !p2, p0  }
0x20: {  	[sflag:s8] =	ssyncset.s32 @!p0 $0xFFFFF086;
	s6 =	sadd.s32 @!p0 s3, s7;
	s7 =	simm.s32 @!p0 $0x108  }
0x21: {  	s3 =	sadd.s32 s3, s9;
	s6 =	sadd.s32 @!p0 $0x88, s6;
	s7 =	simm.s32 @p2 $0x1082  }
0x22: {  	[simem:s7], [sflag:s8] =	dma.local @!p0 [hbm:s6], $0xF7A  }
0x23: {  	s9 =	sor.u32 $0xD0000000, s2;
	s6 =	simm.s32 $0x108;
	_ =	swait.ge @!p0 [sflag:s8], $0x0  }
0x24: {  	s3 =	sadd.s32 $0x88, s3;
	s6 =	simm.s32 @!p1 $0x1082;
	[sflag:s4] =	ssyncset.s32 $0xFFFFF086  }
0x25: {  	[simem:s6], [sflag:s4] =	dma.local [hbm:s3], $0xF7A  }
0x26: {  	[smem:$0x3F9B] =	sst s1;
	(tag) =	ssettag s2;
	_ =	strace s9  }
0x27: {  	s1 =	sld [smem:$0x3FAB]  }
0x28: {  	s2 =	sld [smem:$0x3FAC]  }
0x29: {  	s4 =	sld [smem:$0x3FAE]  }
0x2a: {  	p0 =	seq.s32 s5, $0x0;
	s5 =	sld [smem:$0x3FAF]  }
0x2b: {  	s6 =	sld [smem:$0x3FB0]  }
0x2c: {  	s7 =	sld [smem:$0x3FB1]  }
0x2d: {  	s3 =	simm.s32 $0x108;
	s8 =	sld [smem:$0x3FB2]  }
0x2e: {  	s3 =	simm.s32 @!p0 $0x1082;
	s9 =	sld [smem:$0x3FB3]  }
0x2f: {  	lr =	sadd.s32 s0, s3;
	s0 =	sld [smem:$0x3FAA]  }
0x30: {  	s3 =	sld [smem:$0x3FAD]  }
0x31: {  	[smem:$0x3FB6] =	sst s10  }
0x32: {  	s10 =	sld [smem:$0x3FB4];
	_ =	sdelay $0x3  }
0x33: {  	p0 =	seq.s32 s10, $0x1;
	s10 =	sld [smem:$0x3FB6];
	_ =	sdelay $0x3  }
0x34: {  	[smem:$0x3FB6] =	sst s10  }
0x35: {  	s10 =	sld [smem:$0x3FB5];
	_ =	sdelay $0x3  }
0x36: {  	p1 =	seq.s32 s10, $0x1;
	s10 =	sld [smem:$0x3FB6];
	_ =	sdelay $0x3  }
0x37: {  	[smem:$0x3FB6] =	sst s10  }
0x38: {  	s10 =	sld [smem:$0x3FB7]  }
0x39: {  	_ = 	snop;
	(pc) =	sbr.ind lr, $3  }
0x3a: {  	_ = 	snop  }
0x3b: {  	_ = 	snop  }
0x3c: {  	p2 =	seq.s32 s10, $0x1;
	s10 =	sld [smem:$0x3FB6]  }
0x3d: {  	_ =	shalt  }
0x3e: {  	_ =	shalt  }
0x3f: {  	_ =	shalt  }
0x40: {  	_ =	shalt  }
0x41: {  	_ =	shalt  }
0x42: {  	_ =	shalt  }
0x43: {  	_ =	shalt  }
0x44: {  	_ =	shalt  }
0x45: {  	_ =	shalt  }
0x46: {  	_ =	shalt  }
0x47: {  	_ =	shalt  }
0x48: {  	_ =	shalt  }
0x49: {  	_ =	shalt  }
0x4a: {  	_ =	shalt  }
0x4b: {  	_ =	shalt  }
0x4c: {  	_ =	shalt  }
0x4d: {  	_ =	shalt  }
0x4e: {  	_ =	shalt  }
0x4f: {  	_ =	shalt  }
0x50: {  	_ =	shalt  }
0x51: {  	_ =	shalt  }
0x52: {  	_ =	shalt  }
0x53: {  	_ =	shalt  }
0x54: {  	_ =	shalt  }
0x55: {  	_ =	shalt  }
0x56: {  	_ =	shalt  }
0x57: {  	_ =	shalt  }
0x58: {  	_ =	shalt  }
0x59: {  	_ =	shalt  }
0x5a: {  	_ =	shalt  }
0x5b: {  	_ =	shalt  }
0x5c: {  	_ =	shalt  }
0x5d: {  	_ =	shalt  }
0x5e: {  	_ =	shalt  }
0x5f: {  	_ =	shalt  }
0x60: {  	_ =	shalt  }
0x61: {  	_ =	shalt  }
0x62: {  	_ =	shalt  }
0x63: {  	_ =	shalt  }
0x64: {  	_ =	shalt  }
0x65: {  	_ =	shalt  }
0x66: {  	_ =	shalt  }
0x67: {  	_ =	shalt  }
0x68: {  	_ =	shalt  }
0x69: {  	_ =	shalt  }
0x6a: {  	_ =	shalt  }
0x6b: {  	_ =	shalt  }
0x6c: {  	_ =	shalt  }
0x6d: {  	_ =	shalt  }
0x6e: {  	_ =	shalt  }
0x6f: {  	_ =	shalt  }
0x70: {  	_ =	shalt  }
0x71: {  	_ =	shalt  }
0x72: {  	_ =	shalt  }
0x73: {  	_ =	shalt  }
0x74: {  	_ =	shalt  }
0x75: {  	_ =	shalt  }
0x76: {  	_ =	shalt  }
0x77: {  	_ =	shalt  }
0x78: {  	_ =	shalt  }
0x79: {  	_ =	shalt  }
0x7a: {  	_ =	shalt  }
0x7b: {  	_ =	shalt  }
0x7c: {  	_ =	shalt  }
0x7d: {  	_ =	shalt  }
0x7e: {  	_ =	shalt  }
0x7f: {  	_ =	shalt  }
0x80: {  	_ =	shalt  }
0x81: {  	_ =	shalt  }
0x82: {  	_ =	shalt  }
0x83: {  	_ =	shalt  }
0x84: {  	_ =	shalt  }
0x85: {  	_ =	shalt  }
0x86: {  	_ =	shalt  }
0x87: {  	_ =	shalt  }
.Lfunc_end0:
.L_simem_size_0:
called_computation.2_lowered:
.L_overlay_start_0:
0x88: {  	s2 =	sld [smem:$0x3FD9]  }
0x89: {  	s3 =	sld [smem:$0x3FFE];
	_ =	sdelay $0x1  }
0x8a: {  	s1 =	srdreg.scid  }
0x8b: {  	s0 =	sand.u32 $0x1, s1  }
0x8c: {  	s17 =	sshll.u32 s0, $0xA;
	s2 =	sadd.s32 s3, s2  }
0x8d: {  	s2 =	sadd.s32 s2, s17  }
0x8e: {  	[smem:$0x3FC2] =	sst s2  }
0x8f: {  	_ = 	snop  }
0x90: {  	s2 =	sld [smem:$0x3FD0];
	(tm) =	ssettm $0x1  }
0x91: {  	s18 =	sld [smem:$0x3FFB];
	_ =	sdelay $0x3  }
0x92: {  	_ =	strace s18  }
0x93: {  	s3 =	sld [smem:$0x3FFC];
	_ =	sdelay $0x3  }
0x94: {  	_ =	strace s3  }
0x95: {  	s3 =	sld [smem:$0x3FFD];
	_ =	sdelay $0x3  }
0x96: {  	_ =	strace s3  }
0x97: {  	_ =	strace $0x8FFFFFFF  }
0x98: {  	s19 =	sld [smem:$0x3FDB];
	_ =	sdelay $0x1  }
0x99: {  	s4 =	simm.s32 $_scs_section_size  }
0x9a: {  	s5 =	simm.s32 $_size__tile_overlayer_lowered;
	s6 =	simm.s32 $_tile_overlayer_lowered  }
0x9b: {  	s22 =	simm.s32 $0x1BFF;
	s21 =	sshll.u32 s6, $0x1;
	s3 =	sadd.s32 s4, s19  }
0x9c: {  	s7 =	simm.s32 $0x0;
	s20 =	sshll.u32 s5, $0x1;
	s5 =	sadd.s32 s21, s3  }
0x9d: {  	[timem:s7], [sflag:s22] =	dma.local [hbm:s5], s20  }
0x9e: {  	_ =	swait.ge [sflag:s22], s20  }
0x9f: {  	s4 =	ssub.s32 $0x0, s20;
	[sflag:s22] =	ssyncset.done $0x0  }
0xa0: {  	[sflag:s22] =	ssyncadd.s32 s4;
	_ =	sdelay $0x1  }
0xa1: {  	s23 =	simm.s32 $0x1B8B  }
0xa2: {  	_ =	swait.ge [sflag:s23], $0x1  }
0xa3: {  	[sflag:s23] =	ssyncset.done $0x0  }
0xa4: {  	s25 =	simm.s32 $0x1B8E;
	s24 =	sld [smem:$0x3FFE];
	[sflag:s23] =	ssyncadd.s32 $0xFFFFFFFF  }
0xa5: {  	s26 =	simm.s32 $execute0_lowered;
	[smem:$0x3FD2] =	sst s25  }
0xa6: {  	s5 =	sshll.u32 s26, $0x1;
	_ =	strace $0x8000004C;
	[dreg:$0x1] =	wrdreg $0xFFFFFFFF  }
0xa7: {  	s28 =	simm.s32 $_size_execute0_lowered;
	s3 =	sadd.s32 s3, s5;
	[dreg:$0x0] =	wrdreg $0x0  }
0xa8: {  	s5 =	sshll.u32 s28, $0x1;
	[dreg:$0x2] =	wrdreg s3  }
0xa9: {  	[dreg:$0x3] =	wrdreg s5  }
0xaa: {  	[dreg:$0x4] =	wrdreg $0xC0  }
0xab: {  	_ =	task [dreg:s7], $0x5FFFF  }
0xac: {  	[dreg:$0x1] =	wrdreg $0xFFFFFFFF  }
0xad: {  	[dreg:$0x0] =	wrdreg $0x60  }
0xae: {  	[dreg:$0x2] =	wrdreg s2  }
0xaf: {  	[dreg:$0x3] =	wrdreg s24  }
0xb0: {  	[dreg:$0x4] =	wrdreg $0xA9000  }
0xb1: {  	[dreg:$0x5] =	wrdreg $0x9  }
0xb2: {  	_ =	task.clear_ibuf [dreg:s7], $0x6FFFF;
	_ =	strace $0x9000004C  }
0xb3: {  	s29 =	simm.s32 $0x9;
	_ =	strace $0x8000004E  }
0xb4: {  	_ =	swait.ge [sflag:s29], $0x1  }
0xb5: {  	[sflag:s29] =	ssyncadd.s32 $0xFFFFFFFF  }
0xb6: {  	_ =	strace $0x9000004E  }
0xb7: {  	_ =	sfence  }
0xb8: {  	s30 =	sld [smem:$0x0];
	_ =	sdelay $0x2  }
0xb9: {  	s31 =	sshll.u32 s1, $0xD;
	s1 =	sshrl.u32 s1, $0x2  }
0xba: {  	s3 =	sand.u32 $0x4000, s31;
	s1 =	sadd.s32 s1, s30  }
0xbb: {  	s0 =	sor.u32 s3, s0;
	s1 =	sshll.u32 s1, $0x11  }
0xbc: {  	s0 =	sor.u32 s1, s0  }
0xbd: {  	s0 =	sadd.s32 $0x8F2B, s0  }
0xbe: {  	[sflag:s0] =	ssyncadd.remote.s32 $0x1  }
0xbf: {  	_ =	sfence.sel $0xFFFF  }
0xc0: {  	[dreg:$0x0] =	wrdreg $0xFFFFFFFF;
	(pc) =	sbr.abs _section_cstart, $3  }
0xc1: {  	[dreg:$0x1] =	wrdreg $0xFFFFFFFF  }
0xc2: {  	_ =	task.clear_ibuf [dreg:s7], $0x2FFFF;
	_ =	strace $0x9FFFFFFF  }
0xc3: {  	(tm) =	ssettm $0x7FFFFFFF  }
tec
execute0_lowered:
.L_overlay_start_1:
0x0: {  	(tag) =	ssettag $0x1  }
0x1: {  	s0 =	srdreg.scid;
	s1 =	rddreg [dreg:$0x0]  }
0x2: {  	s11 =	stileid.u32;
	s5 =	rddreg [dreg:$0x1]  }
0x3: {  	s3 =	rddreg [dreg:$0x2];
	s4 =	simm.s32 $0x0;
	s21 =	simm.s32 $0x5  }
0x4: {  	s28 =	simm.s32 $0x2880;
	s29 =	simm.s32 $0x1;
	s7 =	smul.u32 $0x280, s11  }
0x5: {  	s30 =	simm.s32 $0x3;
	s31 =	simm.s32 $0x2;
	s9 =	smul.u32 $0x50000, s11  }
0x6: {  	s0 =	sand.u32 $0x1, s0;
	[smem:$0x7FF] =	sst s4;
	s24 =	smul.u32 $0x2800, s11  }
0x7: {  	s12 =	sadd.s32 $0x5C200, s5;
	s2 =	sshll.u32 s0, $0x4;
	s8 =	smul.u32 $0x2800, s0  }
0x8: {  	s22 =	ssub.s32 $0x2, s0;
	s0 =	smul.u32 $0x28000, s0;
	s2 =	sor.u32 s11, s2  }
0x9: {  	_ =	strace $0x8000004D;
	s10 =	sshrl.u32 s22, $0x1;
	s6 =	smul.u32 $0x500, s2  }
0xa: {  	s23 =	sshrl.u32 s9, $0x2;
	s7 =	sadd.s32 s7, s8;
	s2 =	smul.u32 $0x2800, s2  }
0xb: {  	s18 =	ssub.s32 s22, s10;
	s0 =	sadd.s32 s24, s0;
	s22 =	simm.s32 $0x80  }
0xc: {  	s24 =	simm.s32 $0x2800;
	s7 =	sshll.u32 s7, $0x4;
	s18 =	smax.u32 s18, $0x1  }
0xd: {  	s6 =	sadd.s32 s6, s5;
	s5 =	sadd.s32 s7, s5;
	s2 =	sshrl.u32 s2, $0x3  }
0xe: {  	s6 =	sadd.s32 $0x52200, s6;
	s7 =	sadd.s32 s12, s2;
	s25 =	sadd.s32 $0x66200, s5  }
0xf: {  	s26 =	sadd.s32 $0x66A00, s5;
	s15 =	sadd.s32 $0x67200, s5;
	s16 =	sadd.s32 $0x67A00, s5  }
0x10: {  	s2 =	sor.u32 $0x100, s0;
	s0 =	sor.u32 $0x80, s0;
	[dreg:$0x4] =	wrdreg s6  }
0x11: {  	s17 =	sadd.s32 $0x68200, s5;
	s6 =	sadd.s32 s23, s3;
	[dreg:$0x6] =	wrdreg s25  }
0x12: {  	s13 =	sadd.s32 $0x4F0, s7;
	[dreg:$0x7] =	wrdreg s26;
	s2 =	sshrl.u32 s2, $0x3  }
0x13: {  	s0 =	sshrl.u32 s0, $0x3;
	s23 =	simm.s32 $0x2900;
	s25 =	simm.s32 $0x6900  }
0x14: {  	s26 =	simm.s32 $0x4;
	s8 =	sadd.s32 $0x4000, s6;
	s9 =	sadd.s32 $0x8000, s6  }
0x15: {  	s10 =	sadd.s32 $0xC000, s6;
	s11 =	sadd.s32 $0x10000, s6;
	[dreg:$0x5] =	wrdreg s13  }
0x16: {  	v0 =	vimm.f32 $0.0e+00;
	s19 =	sadd.s32 s2, s12;
	s20 =	sadd.s32 s0, s12;
	s0 =	simm.s32 $0x0  }
.LBB2_1:
0x17: {  	s2 =	simm.s32 $0x0;
	s5 =	simm.s32 $0x200  }
.LBB2_2:
0x18: {  	p0 =	sne.s32 s5, $0xFE00;
	[tilespmem:s2+$0x6970] =	vst v0  }
0x19: {  	[tilespmem:s2+$0x6900] =	vst v0  }
0x1a: {  	[tilespmem:s2+$0x6910] =	vst v0  }
.Ltmp0:
0x1b: {  	[tilespmem:s2+$0x6920] =	vst v0;
	(pc) =	sbr.rel @p0 .LBB2_2-.Ltmp0, $4  }
0x1c: {  	[tilespmem:s2+$0x6930] =	vst v0  }
0x1d: {  	[tilespmem:s2+$0x6940] =	vst v0  }
0x1e: {  	[tilespmem:s2+$0x6950] =	vst v0  }
0x1f: {  	[tilespmem:s2+$0x6960] =	vst v0;
	s2 =	sshra.s32 s5, $0x2;
	s5 =	sadd.s32 $0x200, s5  }
0x20: {  	[tilespmem:s2+$0x6970] =	vst v0  }
0x21: {  	[tilespmem:s2+$0x6900] =	vst v0  }
0x22: {  	[tilespmem:s2+$0x6910] =	vst v0  }
0x23: {  	[tilespmem:s2+$0x6920] =	vst v0  }
0x24: {  	[tilespmem:s2+$0x6930] =	vst v0  }
0x25: {  	[tilespmem:s2+$0x6940] =	vst v0  }
0x26: {  	[tilespmem:s2+$0x6950] =	vst v0  }
0x27: {  	[tilespmem:s2+$0x6960] =	vst v0;
	s14 =	simm.s32 $0x0;
	s5 =	rddreg [dreg:$0x4]  }
0x28: {  	[tilespmem:s14], [sflag:$0x5] =	stream.linear.gather [hbm4b:s5+s14], $0x2800, $0x38;
	[tilespmem:$0x1E900] =	vst v63  }
0x29: {  	_ =	swait.ge [sflag:s21], $0x2800  }
0x2a: {  	[sflag:s21] =	ssyncset.done $0x0  }
0x2b: {  	[sflag:s21] =	ssyncadd.s32 $0xFFFFD800  }
0x2c: {  	[tilespmem:s23], [sflag:$0x1] =	stream.indirect.gather [hbm4b:s1+s22], $0x80, s14, s22, $0xb8;
	[tilespmem:$0x1E900] =	vst v63  }
0x2d: {  	_ = 	snop  }
0x2e: {  	[tilespmem:s24], [sflag:$0x3] =	stream.linear.gather [hbm4b:s7+s14], $0x80, $0x38;
	[tilespmem:$0x1E900] =	vst v63  }
0x2f: {  	_ = 	snop  }
0x30: {  	[spmem:s6] =	stream.linear.scatter [tilespmem:s25], [sflag:$0x4], $0x4000, $0x38;
	[tilespmem:$0x1E900] =	vst v63  }
0x31: {  	_ = 	snop  }
0x32: {  	[spmem:s8] =	stream.linear.scatter [tilespmem:s25], [sflag:$0x4], $0x4000, $0x38;
	[tilespmem:$0x1E900] =	vst v63  }
0x33: {  	_ = 	snop  }
0x34: {  	[spmem:s9] =	stream.linear.scatter [tilespmem:s25], [sflag:$0x4], $0x4000, $0x38;
	[tilespmem:$0x1E900] =	vst v63  }
0x35: {  	_ = 	snop  }
0x36: {  	[spmem:s10] =	stream.linear.scatter [tilespmem:s25], [sflag:$0x4], $0x4000, $0x38;
	[tilespmem:$0x1E900] =	vst v63  }
0x37: {  	_ = 	snop  }
0x38: {  	[spmem:s11] =	stream.linear.scatter [tilespmem:s25], [sflag:$0x4], $0x4000, $0x38;
	[tilespmem:$0x1E900] =	vst v63  }
0x39: {  	_ =	swait.ge [sflag:s26], $0x4000  }
0x3a: {  	[sflag:s26] =	ssyncset.done $0x0  }
0x3b: {  	[sflag:s26] =	ssyncadd.s32 $0xFFFFC000  }
0x3c: {  	_ =	swait.ge [sflag:s26], $0x4000  }
0x3d: {  	[sflag:s26] =	ssyncset.done $0x0  }
0x3e: {  	[sflag:s26] =	ssyncadd.s32 $0xFFFFC000  }
0x3f: {  	_ =	swait.ge [sflag:s26], $0x4000  }
0x40: {  	[sflag:s26] =	ssyncset.done $0x0  }
0x41: {  	[sflag:s26] =	ssyncadd.s32 $0xFFFFC000  }
0x42: {  	_ =	swait.ge [sflag:s26], $0x4000  }
0x43: {  	[sflag:s26] =	ssyncset.done $0x0  }
0x44: {  	[sflag:s26] =	ssyncadd.s32 $0xFFFFC000  }
0x45: {  	_ =	swait.ge [sflag:s26], $0x4000  }
0x46: {  	[sflag:s26] =	ssyncset.done $0x0  }
0x47: {  	[sflag:s26] =	ssyncadd.s32 $0xFFFFC000  }
0x48: {  	s5 =	simm.s32 $0x80;
	[bflag:$0x0] =	sbarrier.arrive $0xFFFF  }
0x49: {  	[tilespmem:s25], [sflag:$0x2] =	stream.indirect.gather [hbm4b:s1+s22], $0x80, s5, s22, $0xb8;
	[tilespmem:$0x1E900] =	vst v63  }
0x4a: {  	s12 =	sadd.s32 $0x0, s20  }
0x4b: {  	[tilespmem:s28], [sflag:$0x4] =	stream.linear.gather [hbm4b:s12+s4], $0x80, $0x38;
	[tilespmem:$0x1E900] =	vst v63  }
0x4c: {  	_ =	swait.ge [sflag:s29], $0x4000  }
0x4d: {  	[sflag:s29] =	ssyncset.done $0x0  }
0x4e: {  	[sflag:s29] =	ssyncadd.s32 $0xFFFFC000  }
0x4f: {  	_ =	swait.ge [sflag:s30], $0x80  }
0x50: {  	[sflag:s30] =	ssyncset.done $0x0  }
0x51: {  	[sflag:s30] =	ssyncadd.s32 $0xFFFFFF80  }
0x52: {  	[spmem:s3] =	stream.indirect.scatter.add.f32 [tilespmem:s23], [sflag:$0x5], $0x80, s24, s22, $0xb8;
	[tilespmem:$0x1E900] =	vst v63  }
0x53: {  	_ =	swait.ge [sflag:s21], $0x4000  }
0x54: {  	[sflag:s21] =	ssyncset.done $0x0  }
0x55: {  	s13 =	simm.s32 $0x100;
	[sflag:s21] =	ssyncadd.s32 $0xFFFFC000  }
0x56: {  	[tilespmem:s23], [sflag:$0x1] =	stream.indirect.gather [hbm4b:s1+s22], $0x80, s13, s22, $0xb8;
	[tilespmem:$0x1E900] =	vst v63  }
0x57: {  	s14 =	sadd.s32 $0x0, s19  }
0x58: {  	[tilespmem:s24], [sflag:$0x3] =	stream.linear.gather [hbm4b:s14+s4], $0x80, $0x38;
	[tilespmem:$0x1E900] =	vst v63  }
0x59: {  	_ =	swait.ge [sflag:s31], $0x4000  }
0x5a: {  	[sflag:s31] =	ssyncset.done $0x0  }
0x5b: {  	[sflag:s31] =	ssyncadd.s32 $0xFFFFC000  }
0x5c: {  	_ =	swait.ge [sflag:s26], $0x80  }
0x5d: {  	[sflag:s26] =	ssyncset.done $0x0  }
0x5e: {  	[sflag:s26] =	ssyncadd.s32 $0xFFFFFF80  }
0x5f: {  	[spmem:s3] =	stream.indirect.scatter.add.f32 [tilespmem:s25], [sflag:$0x5], $0x80, s28, s22, $0xb8;
	[tilespmem:$0x1E900] =	vst v63  }
0x60: {  	s2 =	simm.s32 $0x20;
	_ =	swait.ge [sflag:s21], $0x4000  }
0x61: {  	s5 =	simm.s32 $0x200;
	s12 =	simm.s32 $0x40;
	[sflag:s21] =	ssyncset.done $0x0  }
.LBB2_4:
0x62: {  	p0 =	sne.s32 s12, $0x4C0;
	s13 =	sadd.s32 $0xFFFFFF80, s5;
	[sflag:s21] =	ssyncadd.s32 $0xFFFFC000  }
0x63: {  	[tilespmem:s25], [sflag:$0x2] =	stream.indirect.gather [hbm4b:s1+s22], $0x80, s13, s22, $0xb8;
	[tilespmem:$0x1E900] =	vst v63  }
0x64: {  	s14 =	smov.u32 s12;
	s12 =	sadd.s32 $0x20, s12;
	s13 =	sadd.s32 s2, s20  }
0x65: {  	[tilespmem:s28], [sflag:$0x4] =	stream.linear.gather [hbm4b:s13+s4], $0x80, $0x38;
	[tilespmem:$0x1E900] =	vst v63  }
0x66: {  	_ =	swait.ge [sflag:s29], $0x4000  }
0x67: {  	[sflag:s29] =	ssyncset.done $0x0  }
0x68: {  	[sflag:s29] =	ssyncadd.s32 $0xFFFFC000  }
0x69: {  	_ =	swait.ge [sflag:s30], $0x80  }
0x6a: {  	[sflag:s30] =	ssyncset.done $0x0  }
0x6b: {  	[sflag:s30] =	ssyncadd.s32 $0xFFFFFF80  }
0x6c: {  	[spmem:s3] =	stream.indirect.scatter.add.f32 [tilespmem:s23], [sflag:$0x5], $0x80, s24, s22, $0xb8;
	[tilespmem:$0x1E900] =	vst v63  }
0x6d: {  	_ =	swait.ge [sflag:s21], $0x4000  }
0x6e: {  	[sflag:s21] =	ssyncset.done $0x0  }
0x6f: {  	[sflag:s21] =	ssyncadd.s32 $0xFFFFC000  }
0x70: {  	[tilespmem:s23], [sflag:$0x1] =	stream.indirect.gather [hbm4b:s1+s22], $0x80, s5, s22, $0xb8;
	[tilespmem:$0x1E900] =	vst v63  }
0x71: {  	s13 =	sadd.s32 s2, s19;
	s2 =	smov.u32 s14  }
0x72: {  	[tilespmem:s24], [sflag:$0x3] =	stream.linear.gather [hbm4b:s13+s4], $0x80, $0x38;
	[tilespmem:$0x1E900] =	vst v63  }
0x73: {  	_ =	swait.ge [sflag:s31], $0x4000  }
0x74: {  	[sflag:s31] =	ssyncset.done $0x0  }
0x75: {  	[sflag:s31] =	ssyncadd.s32 $0xFFFFC000  }
0x76: {  	_ =	swait.ge [sflag:s26], $0x80  }
.Ltmp1:
0x77: {  	[sflag:s26] =	ssyncset.done $0x0;
	(pc) =	sbr.rel @p0 .LBB2_4-.Ltmp1, $4  }
0x78: {  	[sflag:s26] =	ssyncadd.s32 $0xFFFFFF80  }
0x79: {  	[spmem:s3] =	stream.indirect.scatter.add.f32 [tilespmem:s25], [sflag:$0x5], $0x80, s28, s22, $0xb8;
	[tilespmem:$0x1E900] =	vst v63  }
0x7a: {  	_ =	swait.ge [sflag:s21], $0x4000  }
0x7b: {  	s5 =	sadd.s32 $0x100, s5;
	[sflag:s21] =	ssyncset.done $0x0  }
0x7c: {  	s12 =	sadd.s32 $0xFFFFFF80, s5;
	[sflag:s21] =	ssyncadd.s32 $0xFFFFC000  }
0x7d: {  	[tilespmem:s25], [sflag:$0x2] =	stream.indirect.gather [hbm4b:s1+s22], $0x80, s12, s22, $0xb8;
	[tilespmem:$0x1E900] =	vst v63  }
0x7e: {  	s13 =	sadd.s32 s2, s20  }
0x7f: {  	[tilespmem:s28], [sflag:$0x4] =	stream.linear.gather [hbm4b:s13+s4], $0x80, $0x38;
	[tilespmem:$0x1E900] =	vst v63  }
0x80: {  	_ =	swait.ge [sflag:s29], $0x4000  }
0x81: {  	[sflag:s29] =	ssyncset.done $0x0  }
0x82: {  	[sflag:s29] =	ssyncadd.s32 $0xFFFFC000  }
0x83: {  	_ =	swait.ge [sflag:s30], $0x80  }
0x84: {  	[sflag:s30] =	ssyncset.done $0x0  }
0x85: {  	[sflag:s30] =	ssyncadd.s32 $0xFFFFFF80  }
0x86: {  	[spmem:s3] =	stream.indirect.scatter.add.f32 [tilespmem:s23], [sflag:$0x5], $0x80, s24, s22, $0xb8;
	[tilespmem:$0x1E900] =	vst v63  }
0x87: {  	_ =	swait.ge [sflag:s21], $0x4000  }
0x88: {  	[sflag:s21] =	ssyncset.done $0x0  }
0x89: {  	[sflag:s21] =	ssyncadd.s32 $0xFFFFC000  }
0x8a: {  	[tilespmem:s23], [sflag:$0x1] =	stream.indirect.gather [hbm4b:s1+s22], $0x80, s5, s22, $0xb8;
	[tilespmem:$0x1E900] =	vst v63  }
0x8b: {  	s14 =	sadd.s32 s2, s19  }
0x8c: {  	[tilespmem:s24], [sflag:$0x3] =	stream.linear.gather [hbm4b:s14+s4], $0x80, $0x38;
	[tilespmem:$0x1E900] =	vst v63  }
0x8d: {  	_ =	swait.ge [sflag:s31], $0x4000  }
0x8e: {  	[sflag:s31] =	ssyncset.done $0x0  }
0x8f: {  	[sflag:s31] =	ssyncadd.s32 $0xFFFFC000  }
0x90: {  	_ =	swait.ge [sflag:s26], $0x80  }
0x91: {  	[sflag:s26] =	ssyncset.done $0x0  }
0x92: {  	[sflag:s26] =	ssyncadd.s32 $0xFFFFFF80  }
0x93: {  	[spmem:s3] =	stream.indirect.scatter.add.f32 [tilespmem:s25], [sflag:$0x5], $0x80, s28, s22, $0xb8;
	[tilespmem:$0x1E900] =	vst v63  }
0x94: {  	_ =	swait.ge [sflag:s21], $0x4000  }
0x95: {  	[sflag:s21] =	ssyncset.done $0x0  }
0x96: {  	s5 =	simm.s32 $0x2780;
	[sflag:s21] =	ssyncadd.s32 $0xFFFFC000  }
0x97: {  	[tilespmem:s25], [sflag:$0x2] =	stream.indirect.gather [hbm4b:s1+s22], $0x80, s5, s22, $0xb8;
	[tilespmem:$0x1E900] =	vst v63  }
0x98: {  	s12 =	rddreg [dreg:$0x5]  }
0x99: {  	[tilespmem:s28], [sflag:$0x4] =	stream.linear.gather [hbm4b:s12+s4], $0x80, $0x38;
	[tilespmem:$0x1E900] =	vst v63  }
0x9a: {  	_ =	swait.ge [sflag:s29], $0x4000  }
0x9b: {  	[sflag:s29] =	ssyncset.done $0x0  }
0x9c: {  	[sflag:s29] =	ssyncadd.s32 $0xFFFFC000  }
0x9d: {  	_ =	swait.ge [sflag:s30], $0x80  }
0x9e: {  	[sflag:s30] =	ssyncset.done $0x0  }
0x9f: {  	[sflag:s30] =	ssyncadd.s32 $0xFFFFFF80  }
0xa0: {  	[spmem:s3] =	stream.indirect.scatter.add.f32 [tilespmem:s23], [sflag:$0x5], $0x80, s24, s22, $0xb8;
	[tilespmem:$0x1E900] =	vst v63  }
0xa1: {  	_ =	swait.ge [sflag:s21], $0x4000  }
0xa2: {  	[sflag:s21] =	ssyncset.done $0x0  }
0xa3: {  	[sflag:s21] =	ssyncadd.s32 $0xFFFFC000  }
0xa4: {  	_ =	swait.ge [sflag:s31], $0x4000  }
0xa5: {  	[sflag:s31] =	ssyncset.done $0x0  }
0xa6: {  	[sflag:s31] =	ssyncadd.s32 $0xFFFFC000  }
0xa7: {  	_ =	swait.ge [sflag:s26], $0x80  }
0xa8: {  	[sflag:s26] =	ssyncset.done $0x0  }
0xa9: {  	[sflag:s26] =	ssyncadd.s32 $0xFFFFFF80  }
0xaa: {  	[spmem:s3] =	stream.indirect.scatter.add.f32 [tilespmem:s25], [sflag:$0x5], $0x80, s28, s22, $0xb8;
	[tilespmem:$0x1E900] =	vst v63  }
0xab: {  	_ =	swait.ge [sflag:s21], $0x4000  }
0xac: {  	[sflag:s21] =	ssyncset.done $0x0  }
0xad: {  	[sflag:s21] =	ssyncadd.s32 $0xFFFFC000  }
0xae: {  	[bflag:$0x0] =	sbarrier.arrive $0xFFFF  }
0xaf: {  	[tilespmem:s23], [sflag:$0x1] =	stream.linear.gather [spmem:s6], $0x4000, $0x38;
	[tilespmem:$0x1E900] =	vst v63  }
0xb0: {  	_ =	swait.ge [sflag:s29], $0x4000  }
0xb1: {  	[sflag:s29] =	ssyncset.done $0x0  }
0xb2: {  	s13 =	rddreg [dreg:$0x6];
	[sflag:s29] =	ssyncadd.s32 $0xFFFFC000  }
0xb3: {  	[hbm4b:s13+s4] =	stream.linear.scatter [tilespmem:s23], [sflag:$0x3], $0x4000, $0x38;
	[tilespmem:$0x1E900] =	vst v63  }
0xb4: {  	_ = 	snop  }
0xb5: {  	[tilespmem:s25], [sflag:$0x2] =	stream.linear.gather [spmem:s8], $0x4000, $0x38;
	[tilespmem:$0x1E900] =	vst v63  }
0xb6: {  	_ =	swait.ge [sflag:s31], $0x4000  }
0xb7: {  	[sflag:s31] =	ssyncset.done $0x0  }
0xb8: {  	s14 =	rddreg [dreg:$0x7];
	[sflag:s31] =	ssyncadd.s32 $0xFFFFC000  }
0xb9: {  	[hbm4b:s14+s4] =	stream.linear.scatter [tilespmem:s25], [sflag:$0x4], $0x4000, $0x38;
	[tilespmem:$0x1E900] =	vst v63  }
0xba: {  	_ =	swait.ge [sflag:s30], $0x4000  }
0xbb: {  	[sflag:s30] =	ssyncset.done $0x0  }
0xbc: {  	[sflag:s30] =	ssyncadd.s32 $0xFFFFC000  }
0xbd: {  	[tilespmem:s23], [sflag:$0x1] =	stream.linear.gather [spmem:s9], $0x4000, $0x38;
	[tilespmem:$0x1E900] =	vst v63  }
0xbe: {  	_ =	swait.ge [sflag:s29], $0x4000  }
0xbf: {  	[sflag:s29] =	ssyncset.done $0x0  }
0xc0: {  	[sflag:s29] =	ssyncadd.s32 $0xFFFFC000  }
0xc1: {  	[hbm4b:s15+s4] =	stream.linear.scatter [tilespmem:s23], [sflag:$0x3], $0x4000, $0x38;
	[tilespmem:$0x1E900] =	vst v63  }
0xc2: {  	_ =	swait.ge [sflag:s26], $0x4000  }
0xc3: {  	[sflag:s26] =	ssyncset.done $0x0  }
0xc4: {  	[sflag:s26] =	ssyncadd.s32 $0xFFFFC000  }
0xc5: {  	[tilespmem:s25], [sflag:$0x2] =	stream.linear.gather [spmem:s10], $0x4000, $0x38;
	[tilespmem:$0x1E900] =	vst v63  }
0xc6: {  	_ =	swait.ge [sflag:s31], $0x4000  }
0xc7: {  	[sflag:s31] =	ssyncset.done $0x0  }
0xc8: {  	[sflag:s31] =	ssyncadd.s32 $0xFFFFC000  }
0xc9: {  	[hbm4b:s16+s4] =	stream.linear.scatter [tilespmem:s25], [sflag:$0x4], $0x4000, $0x38;
	[tilespmem:$0x1E900] =	vst v63  }
0xca: {  	_ =	swait.ge [sflag:s30], $0x4000  }
0xcb: {  	[sflag:s30] =	ssyncset.done $0x0  }
0xcc: {  	[sflag:s30] =	ssyncadd.s32 $0xFFFFC000  }
0xcd: {  	[tilespmem:s23], [sflag:$0x1] =	stream.linear.gather [spmem:s11], $0x4000, $0x38;
	[tilespmem:$0x1E900] =	vst v63  }
0xce: {  	_ =	swait.ge [sflag:s29], $0x4000  }
0xcf: {  	[sflag:s29] =	ssyncset.done $0x0  }
0xd0: {  	s0 =	sadd.s32 $0x1, s0;
	[sflag:s29] =	ssyncadd.s32 $0xFFFFC000  }
0xd1: {  	[hbm4b:s17+s4] =	stream.linear.scatter [tilespmem:s23], [sflag:$0x3], $0x4000, $0x38;
	[tilespmem:$0x1E900] =	vst v63  }
0xd2: {  	p0 =	sne.s32 s0, s18;
	_ =	swait.ge [sflag:s26], $0x4000  }
.Ltmp2:
0xd3: {  	[sflag:s26] =	ssyncset.done $0x0;
	(pc) =	sbr.rel @p0 .LBB2_1-.Ltmp2, $4  }
0xd4: {  	[sflag:s26] =	ssyncadd.s32 $0xFFFFC000  }
0xd5: {  	_ =	swait.ge [sflag:s30], $0x4000  }
0xd6: {  	[sflag:s30] =	ssyncset.done $0x0  }
0xd7: {  	[sflag:s30] =	ssyncadd.s32 $0xFFFFC000  }
0xd8: {  	_ =	sfence.sel $0x180000  }
0xd9: {  	[bflag:$0x0] =	sbarrier.arrive $0xFFFF  }
0xda: {  	_ =	strace $0x9000004D  }
0xdb: {  	s0 =	stileid.u32;
	[bflag:$0x2] =	sbarrier.arrive $0xFFFF  }
0xdc: {  	p0 =	sne.s32 s0, $0x0;
	s0 =	rddreg [dreg:$0x3]  }
0xdd: {  	s0 =	sadd.s32 @!p0 $0x100000, s0  }
0xde: {  	[sflag:s0] =	ssyncadd.tile.s32 @!p0 $0x1;
	_ =	shalt  }
.Lfunc_end2:
_tile_overlayer_lowered:
.L_overlay_start_2:
0xdf: {  	(tag) =	ssettag $0x2  }
0xe0: {  	s0 =	rddreg [dreg:$0x0];
	s2 =	stileid.u32  }
0xe1: {  	s1 =	rddreg [dreg:$0x1];
	p0 =	sne.s32 s2, $0x0  }
0xe2: {  	s3 =	rddreg [dreg:$0x2];
	[bflag:$0x3] =	sbarrier.arrive $0xFFFF;
	s2 =	simm.s32 @!p0 $0x1C05  }
0xe3: {  	[timem:s3], [sflag:s2] =	dma.local @!p0 [hbm:s0], s1  }
0xe4: {  	s0 =	simm.s32 @!p0 $0x5  }
0xe5: {  	_ =	swait.ge @!p0 [sflag:s0], s1  }
0xe6: {  	s1 =	ssub.s32 @!p0 $0x0, s1;
	[sflag:s0] =	ssyncset.done @!p0 $0x0  }
0xe7: {  	[sflag:s0] =	ssyncadd.s32 @!p0 s1  }
0xe8: {  	[bflag:$0x3] =	sbarrier.arrive $0xFFFF  }
0xe9: {  	_ =	shalt  }

// kernel: kernel.8.cloned.1.call-start
scs
__scs_entry_jumppad:
0x0: {  	(pc) =	sbr.rel $0x88, $3  }
0x1: {  	(tag) =	ssettag $0x0;
	lr =	simm.s32 $0x1  }
0x2: {  	[smem:$0x3F9B] =	sst lr;
	_ =	strace $0xD0000000  }
0x3: {  	_ = 	snop  }
0x4: {  	_ = 	snop  }
0x5: {  	_ = 	snop  }
0x6: {  	_ = 	snop  }
0x7: {  	_ = 	snop  }
__scs_overlays_trampoline_lowered:
0x8: {  	[smem:$0x3FAA] =	sst s0  }
0x9: {  	[smem:$0x3FAB] =	sst s1  }
0xa: {  	[smem:$0x3FAC] =	sst s2  }
0xb: {  	[smem:$0x3FAD] =	sst s3  }
0xc: {  	[smem:$0x3FAE] =	sst s4  }
0xd: {  	[smem:$0x3FAF] =	sst s5  }
0xe: {  	[smem:$0x3FB0] =	sst s6  }
0xf: {  	[smem:$0x3FB1] =	sst s7  }
0x10: {  	[smem:$0x3FB2] =	sst s8  }
0x11: {  	[smem:$0x3FB3] =	sst s9;
	s0 =	simm.s32 @!p0 $0x0  }
0x12: {  	s1 =	sld [smem:$0x3F99];
	s0 =	simm.s32 @p0 $0x1  }
0x13: {  	[smem:$0x3FB4] =	sst s0;
	s0 =	simm.s32 @!p1 $0x0  }
0x14: {  	s2 =	sld [smem:$0x3F98];
	s0 =	simm.s32 @p1 $0x1  }
0x15: {  	[smem:$0x3FB5] =	sst s0;
	s0 =	simm.s32 @!p2 $0x0  }
0x16: {  	s3 =	sld [smem:$0x3FDB];
	s0 =	simm.s32 @p2 $0x1  }
0x17: {  	s4 =	simm.s32 $0x1BF5;
	[smem:$0x3FB7] =	sst s0  }
0x18: {  	s0 =	sld [smem:$0x3F9A];
	_ =	swait.ge [sflag:s4], $0x0  }
0x19: {  	s7 =	sld [smem:$0x3F9B]  }
0x1a: {  	s8 =	sadd.s32 $0xFFFFE003, lr  }
0x1b: {  	s9 =	sadd.s32 $0xFFFFFEF7, lr;
	s5 =	simm.s32 $0xFFFFFFFF;
	p2 =	slt.u32 s8, $0xFFFFF086  }
0x1c: {  	p1 =	slt.u32 s9, $0xF7A;
	s5 =	simm.s32 @!p2 $0x0  }
0x1d: {  	s5 =	simm.s32 @p1 $0x1;
	p0 =	seq.s32 s7, s2  }
0x1e: {  	s7 =	smul.u32 @!p0 $0xF7A, s2;
	p2 =	seq.s32 @!p0 s5, $0x0  }
0x1f: {  	s9 =	smul.u32 $0xF7A, s1;
	s8 =	simm.s32 @!p0 $0x1BF5;
	p2 =	por !p2, p0  }
0x20: {  	[sflag:s8] =	ssyncset.s32 @!p0 $0xFFFFF086;
	s6 =	sadd.s32 @!p0 s3, s7;
	s7 =	simm.s32 @!p0 $0x108  }
0x21: {  	s3 =	sadd.s32 s3, s9;
	s6 =	sadd.s32 @!p0 $0x88, s6;
	s7 =	simm.s32 @p2 $0x1082  }
0x22: {  	[simem:s7], [sflag:s8] =	dma.local @!p0 [hbm:s6], $0xF7A  }
0x23: {  	s9 =	sor.u32 $0xD0000000, s2;
	s6 =	simm.s32 $0x108;
	_ =	swait.ge @!p0 [sflag:s8], $0x0  }
0x24: {  	s3 =	sadd.s32 $0x88, s3;
	s6 =	simm.s32 @!p1 $0x1082;
	[sflag:s4] =	ssyncset.s32 $0xFFFFF086  }
0x25: {  	[simem:s6], [sflag:s4] =	dma.local [hbm:s3], $0xF7A  }
0x26: {  	[smem:$0x3F9B] =	sst s1;
	(tag) =	ssettag s2;
	_ =	strace s9  }
0x27: {  	s1 =	sld [smem:$0x3FAB]  }
0x28: {  	s2 =	sld [smem:$0x3FAC]  }
0x29: {  	s4 =	sld [smem:$0x3FAE]  }
0x2a: {  	p0 =	seq.s32 s5, $0x0;
	s5 =	sld [smem:$0x3FAF]  }
0x2b: {  	s6 =	sld [smem:$0x3FB0]  }
0x2c: {  	s7 =	sld [smem:$0x3FB1]  }
0x2d: {  	s3 =	simm.s32 $0x108;
	s8 =	sld [smem:$0x3FB2]  }
0x2e: {  	s3 =	simm.s32 @!p0 $0x1082;
	s9 =	sld [smem:$0x3FB3]  }
0x2f: {  	lr =	sadd.s32 s0, s3;
	s0 =	sld [smem:$0x3FAA]  }
0x30: {  	s3 =	sld [smem:$0x3FAD]  }
0x31: {  	[smem:$0x3FB6] =	sst s10  }
0x32: {  	s10 =	sld [smem:$0x3FB4];
	_ =	sdelay $0x3  }
0x33: {  	p0 =	seq.s32 s10, $0x1;
	s10 =	sld [smem:$0x3FB6];
	_ =	sdelay $0x3  }
0x34: {  	[smem:$0x3FB6] =	sst s10  }
0x35: {  	s10 =	sld [smem:$0x3FB5];
	_ =	sdelay $0x3  }
0x36: {  	p1 =	seq.s32 s10, $0x1;
	s10 =	sld [smem:$0x3FB6];
	_ =	sdelay $0x3  }
0x37: {  	[smem:$0x3FB6] =	sst s10  }
0x38: {  	s10 =	sld [smem:$0x3FB7]  }
0x39: {  	_ = 	snop;
	(pc) =	sbr.ind lr, $3  }
0x3a: {  	_ = 	snop  }
0x3b: {  	_ = 	snop  }
0x3c: {  	p2 =	seq.s32 s10, $0x1;
	s10 =	sld [smem:$0x3FB6]  }
0x3d: {  	_ =	shalt  }
0x3e: {  	_ =	shalt  }
0x3f: {  	_ =	shalt  }
0x40: {  	_ =	shalt  }
0x41: {  	_ =	shalt  }
0x42: {  	_ =	shalt  }
0x43: {  	_ =	shalt  }
0x44: {  	_ =	shalt  }
0x45: {  	_ =	shalt  }
0x46: {  	_ =	shalt  }
0x47: {  	_ =	shalt  }
0x48: {  	_ =	shalt  }
0x49: {  	_ =	shalt  }
0x4a: {  	_ =	shalt  }
0x4b: {  	_ =	shalt  }
0x4c: {  	_ =	shalt  }
0x4d: {  	_ =	shalt  }
0x4e: {  	_ =	shalt  }
0x4f: {  	_ =	shalt  }
0x50: {  	_ =	shalt  }
0x51: {  	_ =	shalt  }
0x52: {  	_ =	shalt  }
0x53: {  	_ =	shalt  }
0x54: {  	_ =	shalt  }
0x55: {  	_ =	shalt  }
0x56: {  	_ =	shalt  }
0x57: {  	_ =	shalt  }
0x58: {  	_ =	shalt  }
0x59: {  	_ =	shalt  }
0x5a: {  	_ =	shalt  }
0x5b: {  	_ =	shalt  }
0x5c: {  	_ =	shalt  }
0x5d: {  	_ =	shalt  }
0x5e: {  	_ =	shalt  }
0x5f: {  	_ =	shalt  }
0x60: {  	_ =	shalt  }
0x61: {  	_ =	shalt  }
0x62: {  	_ =	shalt  }
0x63: {  	_ =	shalt  }
0x64: {  	_ =	shalt  }
0x65: {  	_ =	shalt  }
0x66: {  	_ =	shalt  }
0x67: {  	_ =	shalt  }
0x68: {  	_ =	shalt  }
0x69: {  	_ =	shalt  }
0x6a: {  	_ =	shalt  }
0x6b: {  	_ =	shalt  }
0x6c: {  	_ =	shalt  }
0x6d: {  	_ =	shalt  }
0x6e: {  	_ =	shalt  }
0x6f: {  	_ =	shalt  }
0x70: {  	_ =	shalt  }
0x71: {  	_ =	shalt  }
0x72: {  	_ =	shalt  }
0x73: {  	_ =	shalt  }
0x74: {  	_ =	shalt  }
0x75: {  	_ =	shalt  }
0x76: {  	_ =	shalt  }
0x77: {  	_ =	shalt  }
0x78: {  	_ =	shalt  }
0x79: {  	_ =	shalt  }
0x7a: {  	_ =	shalt  }
0x7b: {  	_ =	shalt  }
0x7c: {  	_ =	shalt  }
0x7d: {  	_ =	shalt  }
0x7e: {  	_ =	shalt  }
0x7f: {  	_ =	shalt  }
0x80: {  	_ =	shalt  }
0x81: {  	_ =	shalt  }
0x82: {  	_ =	shalt  }
0x83: {  	_ =	shalt  }
0x84: {  	_ =	shalt  }
0x85: {  	_ =	shalt  }
0x86: {  	_ =	shalt  }
0x87: {  	_ =	shalt  }
.Lfunc_end0:
.L_simem_size_0:
called_computation_lowered:
.L_overlay_start_0:
0x88: {  	s2 =	sld [smem:$0x3FD9]  }
0x89: {  	s3 =	sld [smem:$0x3FFE];
	_ =	sdelay $0x1  }
0x8a: {  	s1 =	srdreg.scid  }
0x8b: {  	s0 =	sand.u32 $0x1, s1  }
0x8c: {  	s17 =	sshll.u32 s0, $0xA;
	s2 =	sadd.s32 s3, s2  }
0x8d: {  	s2 =	sadd.s32 s2, s17  }
0x8e: {  	[smem:$0x3FC2] =	sst s2  }
0x8f: {  	_ = 	snop  }
0x90: {  	s2 =	sld [smem:$0x3FD0];
	(tm) =	ssettm $0x1  }
0x91: {  	s18 =	sld [smem:$0x3FFB];
	_ =	sdelay $0x3  }
0x92: {  	_ =	strace s18  }
0x93: {  	s3 =	sld [smem:$0x3FFC];
	_ =	sdelay $0x3  }
0x94: {  	_ =	strace s3  }
0x95: {  	s3 =	sld [smem:$0x3FFD];
	_ =	sdelay $0x3  }
0x96: {  	_ =	strace s3  }
0x97: {  	_ =	strace $0x8FFFFFFF  }
0x98: {  	s19 =	sld [smem:$0x3FDB];
	_ =	sdelay $0x1  }
0x99: {  	s4 =	simm.s32 $_scs_section_size  }
0x9a: {  	s5 =	simm.s32 $_size__tile_overlayer_lowered;
	s6 =	simm.s32 $_tile_overlayer_lowered  }
0x9b: {  	s22 =	simm.s32 $0x1BFF;
	s21 =	sshll.u32 s6, $0x1;
	s3 =	sadd.s32 s4, s19  }
0x9c: {  	s7 =	simm.s32 $0x0;
	s20 =	sshll.u32 s5, $0x1;
	s5 =	sadd.s32 s21, s3  }
0x9d: {  	[timem:s7], [sflag:s22] =	dma.local [hbm:s5], s20  }
0x9e: {  	_ =	swait.ge [sflag:s22], s20  }
0x9f: {  	s4 =	ssub.s32 $0x0, s20;
	[sflag:s22] =	ssyncset.done $0x0  }
0xa0: {  	[sflag:s22] =	ssyncadd.s32 s4;
	_ =	sdelay $0x1  }
0xa1: {  	s23 =	simm.s32 $0x1B8B  }
0xa2: {  	_ =	swait.ge [sflag:s23], $0x1  }
0xa3: {  	[sflag:s23] =	ssyncset.done $0x0  }
0xa4: {  	s25 =	simm.s32 $0x1B8E;
	s24 =	sld [smem:$0x3FFE];
	[sflag:s23] =	ssyncadd.s32 $0xFFFFFFFF  }
0xa5: {  	s26 =	simm.s32 $execute0_lowered;
	[smem:$0x3FD2] =	sst s25  }
0xa6: {  	s5 =	sshll.u32 s26, $0x1;
	_ =	strace $0x80000046;
	[dreg:$0x1] =	wrdreg $0xFFFFFFFF  }
0xa7: {  	s28 =	simm.s32 $_size_execute0_lowered;
	s3 =	sadd.s32 s3, s5;
	[dreg:$0x0] =	wrdreg $0x0  }
0xa8: {  	s5 =	sshll.u32 s28, $0x1;
	[dreg:$0x2] =	wrdreg s3  }
0xa9: {  	[dreg:$0x3] =	wrdreg s5  }
0xaa: {  	[dreg:$0x4] =	wrdreg $0xC0  }
0xab: {  	_ =	task [dreg:s7], $0x5FFFF  }
0xac: {  	[dreg:$0x1] =	wrdreg $0xFFFFFFFF  }
0xad: {  	[dreg:$0x0] =	wrdreg $0x60  }
0xae: {  	[dreg:$0x2] =	wrdreg s2  }
0xaf: {  	[dreg:$0x3] =	wrdreg s24  }
0xb0: {  	[dreg:$0x4] =	wrdreg $0xA8000  }
0xb1: {  	[dreg:$0x5] =	wrdreg $0x9  }
0xb2: {  	_ =	task.clear_ibuf [dreg:s7], $0x6FFFF;
	_ =	strace $0x90000046  }
0xb3: {  	s29 =	simm.s32 $0x9;
	_ =	strace $0x80000048  }
0xb4: {  	_ =	swait.ge [sflag:s29], $0x1  }
0xb5: {  	[sflag:s29] =	ssyncadd.s32 $0xFFFFFFFF  }
0xb6: {  	_ =	strace $0x90000048  }
0xb7: {  	_ =	sfence  }
0xb8: {  	s30 =	sld [smem:$0x0];
	_ =	sdelay $0x2  }
0xb9: {  	s31 =	sshll.u32 s1, $0xD;
	s1 =	sshrl.u32 s1, $0x2  }
0xba: {  	s3 =	sand.u32 $0x4000, s31;
	s1 =	sadd.s32 s1, s30  }
0xbb: {  	s0 =	sor.u32 s3, s0;
	s1 =	sshll.u32 s1, $0x11  }
0xbc: {  	s0 =	sor.u32 s1, s0  }
0xbd: {  	s0 =	sadd.s32 $0x8F2B, s0  }
0xbe: {  	[sflag:s0] =	ssyncadd.remote.s32 $0x1  }
0xbf: {  	_ =	sfence.sel $0xFFFF  }
0xc0: {  	[dreg:$0x0] =	wrdreg $0xFFFFFFFF;
	(pc) =	sbr.abs _section_cstart, $3  }
0xc1: {  	[dreg:$0x1] =	wrdreg $0xFFFFFFFF  }
0xc2: {  	_ =	task.clear_ibuf [dreg:s7], $0x2FFFF;
	_ =	strace $0x9FFFFFFF  }
0xc3: {  	(tm) =	ssettm $0x7FFFFFFF  }
tec
execute0_lowered:
.L_overlay_start_1:
0x0: {  	(tag) =	ssettag $0x1  }
0x1: {  	s5 =	rddreg [dreg:$0x0]  }
0x2: {  	s4 =	rddreg [dreg:$0x1];
	s1 =	srdreg.scid  }
0x3: {  	s0 =	stileid.u32;
	s2 =	rddreg [dreg:$0x2]  }
0x4: {  	s3 =	simm.s32 $0x0;
	s16 =	simm.s32 $0x5;
	s17 =	simm.s32 $0x6800  }
0x5: {  	s18 =	simm.s32 $0x1;
	s19 =	simm.s32 $0x80;
	s20 =	simm.s32 $0x2800  }
0x6: {  	s21 =	simm.s32 $0x2;
	s22 =	simm.s32 $0x3;
	s23 =	simm.s32 $0x4  }
0x7: {  	s6 =	sand.u32 $0x1, s1;
	s7 =	smul.u32 $0x280, s0;
	s1 =	rddreg [dreg:$0x3]  }
0x8: {  	s24 =	simm.s32 $0x0;
	[smem:$0x7FF] =	sst s3;
	s8 =	smul.u32 $0x2800, s6  }
0x9: {  	s9 =	smul.u32 $0x50000, s0;
	s30 =	sshll.u32 s6, $0x4;
	s6 =	ssub.s32 $0x2, s6  }
0xa: {  	s31 =	sshrl.u32 s6, $0x1;
	s7 =	sadd.s32 s7, s8;
	s8 =	sor.u32 s0, s30  }
0xb: {  	_ =	strace $0x80000047;
	s15 =	ssub.s32 s6, s31;
	s8 =	smul.u32 $0x500, s8  }
0xc: {  	s9 =	sshrl.u32 s9, $0x2;
	s7 =	sshll.u32 s7, $0x4;
	s15 =	smax.u32 s15, $0x1  }
0xd: {  	s14 =	sadd.s32 s7, s4;
	s4 =	sadd.s32 s9, s2;
	s5 =	sadd.s32 s5, s8  }
0xe: {  	s6 =	sadd.s32 $0x4000, s4;
	s7 =	sadd.s32 $0x8000, s4;
	s8 =	sadd.s32 $0xC000, s4  }
0xf: {  	s9 =	sadd.s32 $0x10000, s4;
	s10 =	sadd.s32 $0x2200, s14;
	s11 =	sadd.s32 $0x2A00, s14  }
0x10: {  	v0 =	vimm.f32 $0.0e+00;
	v1 =	vimm.f32 $1.000000000e+00;
	s12 =	sadd.s32 $0x3200, s14;
	s13 =	sadd.s32 $0x3A00, s14;
	s14 =	sadd.s32 $0x4200, s14  }
.LBB2_1:
0x11: {  	s25 =	simm.s32 $0x0;
	s26 =	simm.s32 $0x200  }
.LBB2_2:
0x12: {  	p0 =	sne.s32 s26, $0xFE00;
	[tilespmem:s25+$0x6870] =	vst v0  }
0x13: {  	[tilespmem:s25+$0x6800] =	vst v0  }
0x14: {  	[tilespmem:s25+$0x6810] =	vst v0  }
.Ltmp0:
0x15: {  	[tilespmem:s25+$0x6820] =	vst v0;
	(pc) =	sbr.rel @p0 .LBB2_2-.Ltmp0, $4  }
0x16: {  	[tilespmem:s25+$0x6830] =	vst v0  }
0x17: {  	[tilespmem:s25+$0x6840] =	vst v0  }
0x18: {  	[tilespmem:s25+$0x6850] =	vst v0  }
0x19: {  	[tilespmem:s25+$0x6860] =	vst v0;
	s25 =	sshra.s32 s26, $0x2;
	s26 =	sadd.s32 $0x200, s26  }
0x1a: {  	[tilespmem:s25+$0x6870] =	vst v0  }
0x1b: {  	[tilespmem:s25+$0x6800] =	vst v0  }
0x1c: {  	[tilespmem:s25+$0x6810] =	vst v0  }
0x1d: {  	[tilespmem:s25+$0x6820] =	vst v0  }
0x1e: {  	[tilespmem:s25+$0x6830] =	vst v0  }
0x1f: {  	[tilespmem:s25+$0x6840] =	vst v0  }
0x20: {  	[tilespmem:s25+$0x6850] =	vst v0  }
0x21: {  	[tilespmem:s25+$0x6860] =	vst v0;
	s31 =	simm.s32 $0x0  }
0x22: {  	[tilespmem:s31], [sflag:$0x5] =	stream.linear.gather [hbm4b:s5+s31], $0x2800, $0x38;
	[tilespmem:$0x1E800] =	vst v63  }
0x23: {  	_ =	swait.ge [sflag:s16], $0x2800  }
0x24: {  	[sflag:s16] =	ssyncset.done $0x0  }
0x25: {  	[sflag:s16] =	ssyncadd.s32 $0xFFFFD800  }
0x26: {  	[spmem:s4] =	stream.linear.scatter [tilespmem:s17], [sflag:$0x1], $0x4000, $0x38;
	[tilespmem:$0x1E800] =	vst v63  }
0x27: {  	_ = 	snop  }
0x28: {  	[spmem:s6] =	stream.linear.scatter [tilespmem:s17], [sflag:$0x1], $0x4000, $0x38;
	[tilespmem:$0x1E800] =	vst v63  }
0x29: {  	_ = 	snop  }
0x2a: {  	[spmem:s7] =	stream.linear.scatter [tilespmem:s17], [sflag:$0x1], $0x4000, $0x38;
	[tilespmem:$0x1E800] =	vst v63  }
0x2b: {  	_ = 	snop  }
0x2c: {  	[spmem:s8] =	stream.linear.scatter [tilespmem:s17], [sflag:$0x1], $0x4000, $0x38;
	[tilespmem:$0x1E800] =	vst v63  }
0x2d: {  	s25 =	simm.s32 $0x0;
	s26 =	simm.s32 $0x200  }
0x2e: {  	[spmem:s9] =	stream.linear.scatter [tilespmem:s17], [sflag:$0x1], $0x4000, $0x38;
	[tilespmem:$0x1E800] =	vst v63  }
.LBB2_4:
0x2f: {  	p0 =	sne.s32 s26, $0xFE00;
	[tilespmem:s25+$0x2870] =	vst v1  }
0x30: {  	[tilespmem:s25+$0x2800] =	vst v1  }
0x31: {  	[tilespmem:s25+$0x2810] =	vst v1  }
.Ltmp1:
0x32: {  	[tilespmem:s25+$0x2820] =	vst v1;
	(pc) =	sbr.rel @p0 .LBB2_4-.Ltmp1, $4  }
0x33: {  	[tilespmem:s25+$0x2830] =	vst v1  }
0x34: {  	[tilespmem:s25+$0x2840] =	vst v1  }
0x35: {  	[tilespmem:s25+$0x2850] =	vst v1  }
0x36: {  	[tilespmem:s25+$0x2860] =	vst v1;
	s25 =	sshra.s32 s26, $0x2;
	s26 =	sadd.s32 $0x200, s26  }
0x37: {  	[tilespmem:s25+$0x2870] =	vst v1  }
0x38: {  	[tilespmem:s25+$0x2800] =	vst v1  }
0x39: {  	[tilespmem:s25+$0x2810] =	vst v1  }
0x3a: {  	[tilespmem:s25+$0x2820] =	vst v1  }
0x3b: {  	[tilespmem:s25+$0x2830] =	vst v1  }
0x3c: {  	[tilespmem:s25+$0x2840] =	vst v1  }
0x3d: {  	[tilespmem:s25+$0x2850] =	vst v1  }
0x3e: {  	[tilespmem:s25+$0x2860] =	vst v1  }
0x3f: {  	_ =	swait.ge [sflag:s18], $0x4000  }
0x40: {  	[sflag:s18] =	ssyncset.done $0x0  }
0x41: {  	[sflag:s18] =	ssyncadd.s32 $0xFFFFC000  }
0x42: {  	_ =	swait.ge [sflag:s18], $0x4000  }
0x43: {  	[sflag:s18] =	ssyncset.done $0x0  }
0x44: {  	[sflag:s18] =	ssyncadd.s32 $0xFFFFC000  }
0x45: {  	_ =	swait.ge [sflag:s18], $0x4000  }
0x46: {  	[sflag:s18] =	ssyncset.done $0x0  }
0x47: {  	[sflag:s18] =	ssyncadd.s32 $0xFFFFC000  }
0x48: {  	_ =	swait.ge [sflag:s18], $0x4000  }
0x49: {  	[sflag:s18] =	ssyncset.done $0x0  }
0x4a: {  	[sflag:s18] =	ssyncadd.s32 $0xFFFFC000  }
0x4b: {  	_ =	swait.ge [sflag:s18], $0x4000  }
0x4c: {  	[sflag:s18] =	ssyncset.done $0x0  }
0x4d: {  	[sflag:s18] =	ssyncadd.s32 $0xFFFFC000  }
0x4e: {  	s31 =	simm.s32 $0x0;
	[bflag:$0x0] =	sbarrier.arrive $0xFFFF  }
0x4f: {  	[spmem:s2] =	stream.indirect.scatter.add.f32 [tilespmem:s20], [sflag:$0x5], $0x80, s31, s19, $0xb8;
	[tilespmem:$0x1E800] =	vst v63  }
0x50: {  	_ =	swait.ge [sflag:s16], $0x4000  }
0x51: {  	s25 =	simm.s32 $0x200;
	[sflag:s16] =	ssyncset.done $0x0  }
.LBB2_6:
0x52: {  	s26 =	sshra.s32 s25, $0x2;
	[sflag:s16] =	ssyncadd.s32 $0xFFFFC000;
	p0 =	sne.s32 s25, $0x9E00  }
0x53: {  	[spmem:s2] =	stream.indirect.scatter.add.f32 [tilespmem:s20], [sflag:$0x5], $0x80, s26, s19, $0xb8;
	[tilespmem:$0x1E800] =	vst v63  }
.Ltmp2:
0x54: {  	_ = 	snop;
	(pc) =	sbr.rel @p0 .LBB2_6-.Ltmp2, $4  }
0x55: {  	_ = 	snop  }
0x56: {  	s25 =	sadd.s32 $0x200, s25  }
0x57: {  	_ =	swait.ge [sflag:s16], $0x4000  }
0x58: {  	[sflag:s16] =	ssyncset.done $0x0  }
0x59: {  	[sflag:s16] =	ssyncadd.s32 $0xFFFFC000  }
0x5a: {  	[bflag:$0x0] =	sbarrier.arrive $0xFFFF  }
0x5b: {  	[tilespmem:s20], [sflag:$0x1] =	stream.linear.gather [spmem:s4], $0x4000, $0x38;
	[tilespmem:$0x1E800] =	vst v63  }
0x5c: {  	_ =	swait.ge [sflag:s18], $0x4000  }
0x5d: {  	[sflag:s18] =	ssyncset.done $0x0  }
0x5e: {  	[sflag:s18] =	ssyncadd.s32 $0xFFFFC000  }
0x5f: {  	[hbm4b:s10+s3] =	stream.linear.scatter [tilespmem:s20], [sflag:$0x3], $0x4000, $0x38;
	[tilespmem:$0x1E800] =	vst v63  }
0x60: {  	_ = 	snop  }
0x61: {  	[tilespmem:s17], [sflag:$0x2] =	stream.linear.gather [spmem:s6], $0x4000, $0x38;
	[tilespmem:$0x1E800] =	vst v63  }
0x62: {  	_ =	swait.ge [sflag:s21], $0x4000  }
0x63: {  	[sflag:s21] =	ssyncset.done $0x0  }
0x64: {  	[sflag:s21] =	ssyncadd.s32 $0xFFFFC000  }
0x65: {  	[hbm4b:s11+s3] =	stream.linear.scatter [tilespmem:s17], [sflag:$0x4], $0x4000, $0x38;
	[tilespmem:$0x1E800] =	vst v63  }
0x66: {  	_ =	swait.ge [sflag:s22], $0x4000  }
0x67: {  	[sflag:s22] =	ssyncset.done $0x0  }
0x68: {  	[sflag:s22] =	ssyncadd.s32 $0xFFFFC000  }
0x69: {  	[tilespmem:s20], [sflag:$0x1] =	stream.linear.gather [spmem:s7], $0x4000, $0x38;
	[tilespmem:$0x1E800] =	vst v63  }
0x6a: {  	_ =	swait.ge [sflag:s18], $0x4000  }
0x6b: {  	[sflag:s18] =	ssyncset.done $0x0  }
0x6c: {  	[sflag:s18] =	ssyncadd.s32 $0xFFFFC000  }
0x6d: {  	[hbm4b:s12+s3] =	stream.linear.scatter [tilespmem:s20], [sflag:$0x3], $0x4000, $0x38;
	[tilespmem:$0x1E800] =	vst v63  }
0x6e: {  	_ =	swait.ge [sflag:s23], $0x4000  }
0x6f: {  	[sflag:s23] =	ssyncset.done $0x0  }
0x70: {  	[sflag:s23] =	ssyncadd.s32 $0xFFFFC000  }
0x71: {  	[tilespmem:s17], [sflag:$0x2] =	stream.linear.gather [spmem:s8], $0x4000, $0x38;
	[tilespmem:$0x1E800] =	vst v63  }
0x72: {  	_ =	swait.ge [sflag:s21], $0x4000  }
0x73: {  	[sflag:s21] =	ssyncset.done $0x0  }
0x74: {  	[sflag:s21] =	ssyncadd.s32 $0xFFFFC000  }
0x75: {  	[hbm4b:s13+s3] =	stream.linear.scatter [tilespmem:s17], [sflag:$0x4], $0x4000, $0x38;
	[tilespmem:$0x1E800] =	vst v63  }
0x76: {  	_ =	swait.ge [sflag:s22], $0x4000  }
0x77: {  	[sflag:s22] =	ssyncset.done $0x0  }
0x78: {  	[sflag:s22] =	ssyncadd.s32 $0xFFFFC000  }
0x79: {  	[tilespmem:s20], [sflag:$0x1] =	stream.linear.gather [spmem:s9], $0x4000, $0x38;
	[tilespmem:$0x1E800] =	vst v63  }
0x7a: {  	_ =	swait.ge [sflag:s18], $0x4000  }
0x7b: {  	[sflag:s18] =	ssyncset.done $0x0  }
0x7c: {  	s24 =	sadd.s32 $0x1, s24;
	[sflag:s18] =	ssyncadd.s32 $0xFFFFC000  }
0x7d: {  	[hbm4b:s14+s3] =	stream.linear.scatter [tilespmem:s20], [sflag:$0x3], $0x4000, $0x38;
	[tilespmem:$0x1E800] =	vst v63  }
0x7e: {  	p0 =	sne.s32 s24, s15;
	_ =	swait.ge [sflag:s23], $0x4000  }
.Ltmp3:
0x7f: {  	[sflag:s23] =	ssyncset.done $0x0;
	(pc) =	sbr.rel @p0 .LBB2_1-.Ltmp3, $4  }
0x80: {  	[sflag:s23] =	ssyncadd.s32 $0xFFFFC000  }
0x81: {  	_ =	swait.ge [sflag:s22], $0x4000  }
0x82: {  	[sflag:s22] =	ssyncset.done $0x0  }
0x83: {  	[sflag:s22] =	ssyncadd.s32 $0xFFFFC000  }
0x84: {  	_ =	sfence.sel $0x180000  }
0x85: {  	[bflag:$0x0] =	sbarrier.arrive $0xFFFF  }
0x86: {  	p0 =	sne.s32 s0, $0x0;
	_ =	strace $0x90000047  }
0x87: {  	s0 =	sadd.s32 @!p0 $0x100000, s1;
	[bflag:$0x2] =	sbarrier.arrive $0xFFFF  }
0x88: {  	[sflag:s0] =	ssyncadd.tile.s32 @!p0 $0x1;
	_ =	shalt  }
.Lfunc_end2:
_tile_overlayer_lowered:
.L_overlay_start_2:
0x89: {  	(tag) =	ssettag $0x2  }
0x8a: {  	s0 =	rddreg [dreg:$0x0];
	s2 =	stileid.u32  }
0x8b: {  	s1 =	rddreg [dreg:$0x1];
	p0 =	sne.s32 s2, $0x0  }
0x8c: {  	s3 =	rddreg [dreg:$0x2];
	[bflag:$0x3] =	sbarrier.arrive $0xFFFF;
	s2 =	simm.s32 @!p0 $0x1C05  }
0x8d: {  	[timem:s3], [sflag:s2] =	dma.local @!p0 [hbm:s0], s1  }
0x8e: {  	s0 =	simm.s32 @!p0 $0x5  }
0x8f: {  	_ =	swait.ge @!p0 [sflag:s0], s1  }
0x90: {  	s1 =	ssub.s32 @!p0 $0x0, s1;
	[sflag:s0] =	ssyncset.done @!p0 $0x0  }
0x91: {  	[sflag:s0] =	ssyncadd.s32 @!p0 s1  }
0x92: {  	[bflag:$0x3] =	sbarrier.arrive $0xFFFF  }
0x93: {  	_ =	shalt  }

</sc_bundles>
